<compile_context>
chip_gen: v7x
topology: tpu7x:2x2x1
jax: 0.10.2.dev20260603
libtpu: 0.0.44.dev20260713+nightly
codegen_flags: <defaults>
</compile_context>

<pallas_src>
import functools

import jax
import jax.numpy as jnp
import numpy as np
from jax import lax
from jax.experimental import layout as jax_layout
from jax.experimental import pallas as pl
from jax.experimental.pallas import tpu as pltpu
from jax.experimental.pallas import tpu_sc as plsc

B, L, V, D = 4096, 200, 100000, 128
LP = 208
LANES = 16
NC, NS = 2, 16
NW = NC * NS
BPW = B // NW
G0, G1 = 112, LP - 112
UNROLL = 16
NCH = D // LANES
DW = D // 2
ZPAD = 32768


def _sc_sums(embw, idxs):
    mesh = plsc.VectorSubcoreMesh(core_axis_name="c", subcore_axis_name="s")

    @functools.partial(
        pl.kernel,
        out_type=jax.ShapeDtypeStruct((B, D), jnp.float32),
        mesh=mesh,
        scratch_types=[
            pltpu.VMEM((BPW * LP,), jnp.int32),
            pltpu.VMEM((LP, DW), jnp.int32),
            pltpu.VMEM((LP, DW), jnp.int32),
            pltpu.VMEM((BPW, D), jnp.float32),
            pltpu.SemaphoreType.DMA,
            pltpu.SemaphoreType.DMA,
        ],
    )
    def k(emb_hbm, idx_hbm, out_hbm, idx_v, rows0, rows1, out_v, sem0, sem1):
        wid = lax.axis_index("s") * NC + lax.axis_index("c")
        base = wid * BPW
        pltpu.sync_copy(idx_hbm.at[pl.ds(base * LP, BPW * LP)], idx_v)
        himask = jnp.full((LANES,), -65536, jnp.int32)

        def issue(b, rows, sem):
            pltpu.async_copy(emb_hbm.at[idx_v.at[pl.ds(b * LP, G0)]],
                             rows.at[pl.ds(0, G0)], sem)
            pltpu.async_copy(emb_hbm.at[idx_v.at[pl.ds(b * LP + G0, G1)]],
                             rows.at[pl.ds(G0, G1)], sem)

        def drain(b, rows, sem):
            pltpu.make_async_copy(emb_hbm.at[idx_v.at[pl.ds(b * LP, G0)]],
                                  rows.at[pl.ds(0, G0)], sem).wait()
            pltpu.make_async_copy(emb_hbm.at[idx_v.at[pl.ds(b * LP + G0, G1)]],
                                  rows.at[pl.ds(G0, G1)], sem).wait()

        def accum(b, rows):
            def rowstep(j, acc):
                r0 = j * UNROLL
                acc = list(acc)
                for u in range(UNROLL):
                    for g in range(NCH // 2):
                        xi = rows[r0 + u, pl.ds(LANES * g, LANES)]
                        acc[2 * g] = acc[2 * g] + lax.bitcast_convert_type(
                            xi << 16, jnp.float32)
                        acc[2 * g + 1] = (acc[2 * g + 1]
                                          + lax.bitcast_convert_type(
                                              xi & himask, jnp.float32))
                return tuple(acc)

            acc = lax.fori_loop(
                0, LP // UNROLL, rowstep,
                tuple(jnp.zeros((LANES,), jnp.float32) for _ in range(NCH)))
            for c in range(NCH):
                out_v[b, pl.ds(c * LANES, LANES)] = acc[c]

        issue(0, rows0, sem0)

        def pair(g, carry):
            b0 = 2 * g
            b1 = 2 * g + 1
            issue(b1, rows1, sem1)
            drain(b0, rows0, sem0)
            accum(b0, rows0)
            issue(lax.rem(b0 + 2, BPW), rows0, sem0)
            drain(b1, rows1, sem1)
            accum(b1, rows1)
            return carry

        lax.fori_loop(0, BPW // 2, pair, 0)
        drain(0, rows0, sem0)
        pltpu.sync_copy(out_v, out_hbm.at[pl.ds(base, BPW)])

    return k(embw, idxs)


def _tc_finish(sums, mask, proj_tp):
    BB = 512

    def body(s_ref, m_ref, p_ref, o_ref):
        cnt = jnp.sum(m_ref[...].astype(jnp.float32), axis=1, keepdims=True)
        y = jnp.dot(s_ref[...], p_ref[...], preferred_element_type=jnp.float32)
        o_ref[...] = y / jnp.clip(cnt, 1e-9, None)

    return pl.pallas_call(
        body,
        grid=(B // BB,),
        in_specs=[
            pl.BlockSpec((BB, D), lambda i: (i, 0)),
            pl.BlockSpec((BB, L), lambda i: (i, 0)),
            pl.BlockSpec((D, D), lambda i: (0, 0)),
        ],
        out_specs=pl.BlockSpec((BB, D), lambda i: (i, 0)),
        out_shape=jax.ShapeDtypeStruct((B, D), jnp.float32),
    )(sums, mask, proj_tp)


_QIDX = np.array([32 * (c // 2) + 2 * l + (c % 2)
                  for c in range(NCH) for l in range(LANES)])


def kernel(input_ids, attention_mask, emb, proj):
    ids = input_ids.astype(jnp.int32)
    msk = attention_mask.astype(jnp.int32)
    embb = jnp.concatenate(
        [emb.astype(jnp.bfloat16),
         jnp.zeros((ZPAD, D), jnp.bfloat16)], axis=0)
    embw = lax.bitcast_convert_type(
        embb.reshape(V + ZPAD, DW, 2), jnp.int32)
    embw = jax_layout.with_layout_constraint(
        embw, jax_layout.Layout(major_to_minor=(0, 1), tiling=((16,),)))
    mskp = jnp.pad(msk, ((0, 0), (0, LP - L)))
    spread = V + (jnp.arange(B * LP, dtype=jnp.int32) % ZPAD).reshape(B, LP)
    idxs = jnp.where(mskp == 1, jnp.pad(ids, ((0, 0), (0, LP - L))), spread)
    sums = _sc_sums(embw, idxs.reshape(B * LP))
    return _tc_finish(sums, msk, proj.T[_QIDX, :])

# --- scband reference (transcript-rebuilt; emitter-appended) ---
"""Pipeline reference for scband-astvalue-embedding-41085657153562 (READ-ONLY COPY).

The authoritative reference and input builder live on the scoring server;
editing this copy changes nothing except your own understanding.
"""

import jax, jax.numpy as jnp
import numpy as np

B, L, V, D = 4096, 200, 100000, 128

def setup_inputs(seed: int = 0) -> dict:
    key = jax.random.key(seed)
    k1, k2, k3, k4 = jax.random.split(key, 4)
    input_ids = jax.random.randint(k1, (B, L), 0, V).astype(jnp.int64)
    attention_mask = jax.random.randint(k2, (B, L), 0, 2).astype(jnp.int32)
    emb = jax.random.normal(k3, (V, D), dtype=jnp.float32) * 0.02
    proj = jax.random.normal(k4, (D, D), dtype=jnp.float32) * (1.0 / np.sqrt(D))
    return {"input_ids": input_ids, "attention_mask": attention_mask, "emb": emb, "proj": proj}

def reference(input_ids, attention_mask, emb, proj):
    # nn.Embedding lookup
    token_embeddings = jnp.take(emb, input_ids, axis=0)  # [B, L, D]
    # nn.Linear(embedding_dim, embedding_dim, bias=False): y = x @ W^T
    token_embeddings = token_embeddings @ proj.T  # [B, L, D]
    mask = attention_mask.astype(token_embeddings.dtype)[..., None]  # [B, L, 1]
    masked_embeddings = token_embeddings * mask
    sum_embeddings = masked_embeddings.sum(axis=1)  # [B, D]
    valid_tokens = attention_mask.sum(axis=1, keepdims=True).astype(token_embeddings.dtype)  # [B, 1]
    sentence_embeddings = sum_embeddings / jnp.clip(valid_tokens, 1e-9, None)
    return sentence_embeddings

if __name__ == "__main__":
    import jax
    _d = setup_inputs()
    print(jax.jit(kernel)(*tuple(_d.values())))

</pallas_src>

<mosaic_0001>
#map = affine_map<(d0, d1) -> (0, 0)>
#map1 = affine_map<(d0, d1) -> (0)>
module attributes {stable_mosaic.version = 14 : i64} {
  func.func @k(%arg0: i32, %arg1: i32, %arg2: memref<132768x64xi32, #tpu.memory_space<hbm>>, %arg3: memref<851968xi32, #tpu.memory_space<hbm>>, %arg4: memref<4096x128xf32, #tpu.memory_space<hbm>>, %arg5: memref<26624xi32, #tpu.memory_space<vmem>>, %arg6: memref<208x64xi32, #tpu.memory_space<vmem>>, %arg7: memref<208x64xi32, #tpu.memory_space<vmem>>, %arg8: memref<128x128xf32, #tpu.memory_space<vmem>>, %arg9: memref<!tpu.dma_semaphore, #tpu.memory_space<semaphore_mem>>, %arg10: memref<!tpu.dma_semaphore, #tpu.memory_space<semaphore_mem>>) attributes {dimension_semantics = [#tpu.dimension_semantics<core_parallel>, #tpu.dimension_semantics<subcore_parallel>], iteration_bounds = array<i64: 2, 16>, scalar_prefetch = 0 : i64, scratch_operands = 6 : i64, tpu.core_type = #tpu.core_type<sc_vector_subcore>, window_params = [{transform_indices = #map}, {transform_indices = #map1}, {transform_indices = #map}]} {
    %mul3A = arith.constant 2 : i32
    %mul3A_0 = arith.muli %arg1, %mul3A : i32
    %add3A = arith.addi %mul3A_0, %arg0 : i32
    %mul3A_1 = arith.constant 128 : i32
    %mul3A_2 = arith.muli %add3A, %mul3A_1 : i32
    %mul3A_3 = arith.constant 208 : i32
    %mul3A_4 = arith.muli %mul3A_2, %mul3A_3 : i32
    "tpu.region"() ({
      %run_scoped3A = tpu.sem_alloc : memref<!tpu.dma_semaphore, #tpu.memory_space<semaphore_mem>>
      %dma_start3A_41 = tpu.memref_slice %arg3[%mul3A_4] : memref<851968xi32, #tpu.memory_space<hbm>> -> memref<26624xi32, #tpu.memory_space<hbm>>
      %dma_start3A_42 = tpu.memref_slice %arg3[%mul3A_4] : memref<851968xi32, #tpu.memory_space<hbm>> -> memref<26624xi32, #tpu.memory_space<hbm>>
      tpu.enqueue_dma source(%dma_start3A_42 : memref<26624xi32, #tpu.memory_space<hbm>>) target(%arg5 : memref<26624xi32, #tpu.memory_space<vmem>>) target_semaphore(%run_scoped3A : memref<!tpu.dma_semaphore, #tpu.memory_space<semaphore_mem>>)
      %dma_wait3A_43 = tpu.memref_slice %arg3[%mul3A_4] : memref<851968xi32, #tpu.memory_space<hbm>> -> memref<26624xi32, #tpu.memory_space<hbm>>
      %dma_wait3A_44 = tpu.memref_slice %arg3[%mul3A_4] : memref<851968xi32, #tpu.memory_space<hbm>> -> memref<26624xi32, #tpu.memory_space<hbm>>
      tpu.wait_dma2 semaphore(%run_scoped3A : memref<!tpu.dma_semaphore, #tpu.memory_space<semaphore_mem>>) src(%dma_wait3A_44 : memref<26624xi32, #tpu.memory_space<hbm>>) dst(%arg5 : memref<26624xi32, #tpu.memory_space<vmem>>)
      tpu.yield
    }) : () -> ()
    %broadcast_in_dim3A = arith.constant -65536 : i32
    %broadcast_in_dim3A_5 = vector.broadcast %broadcast_in_dim3A : i32 to vector<16xi32>
    %dma_start3A = arith.constant 0 : i32
    %dma_start3A_6 = arith.constant 0 : i32
    %dma_start3A_7 = tpu.memref_slice %arg6[%dma_start3A, %dma_start3A_6] : memref<208x64xi32, #tpu.memory_space<vmem>> -> memref<112x64xi32, #tpu.memory_space<vmem>>
    %dma_start3A_8 = arith.constant 0 : i32
    %dma_start3A_9 = tpu.memref_slice %arg5[%dma_start3A_8] : memref<26624xi32, #tpu.memory_space<vmem>> -> memref<112xi32, #tpu.memory_space<vmem>>
    %dma_start3A_10 = arith.constant 0 : i32
    %dma_start3A_11 = arith.constant 0 : i32
    %dma_start3A_12 = tpu.memref_slice %arg2[%dma_start3A_10, %dma_start3A_11] : memref<132768x64xi32, #tpu.memory_space<hbm>> -> memref<132768x64xi32, #tpu.memory_space<hbm>>
    tpu.enqueue_indirect_dma source(%dma_start3A_12 : memref<132768x64xi32, #tpu.memory_space<hbm>>) target(%dma_start3A_7 : memref<112x64xi32, #tpu.memory_space<vmem>>) offsets(%dma_start3A_9 : memref<112xi32, #tpu.memory_space<vmem>>) semaphore(%arg9 : memref<!tpu.dma_semaphore, #tpu.memory_space<semaphore_mem>>)
    %dma_start3A_13 = arith.constant 112 : i32
    %dma_start3A_14 = arith.constant 0 : i32
    %dma_start3A_15 = tpu.memref_slice %arg6[%dma_start3A_13, %dma_start3A_14] : memref<208x64xi32, #tpu.memory_space<vmem>> -> memref<96x64xi32, #tpu.memory_space<vmem>>
    %dma_start3A_16 = arith.constant 112 : i32
    %dma_start3A_17 = tpu.memref_slice %arg5[%dma_start3A_16] : memref<26624xi32, #tpu.memory_space<vmem>> -> memref<96xi32, #tpu.memory_space<vmem>>
    %dma_start3A_18 = arith.constant 0 : i32
    %dma_start3A_19 = arith.constant 0 : i32
    %dma_start3A_20 = tpu.memref_slice %arg2[%dma_start3A_18, %dma_start3A_19] : memref<132768x64xi32, #tpu.memory_space<hbm>> -> memref<132768x64xi32, #tpu.memory_space<hbm>>
    tpu.enqueue_indirect_dma source(%dma_start3A_20 : memref<132768x64xi32, #tpu.memory_space<hbm>>) target(%dma_start3A_15 : memref<96x64xi32, #tpu.memory_space<vmem>>) offsets(%dma_start3A_17 : memref<96xi32, #tpu.memory_space<vmem>>) semaphore(%arg9 : memref<!tpu.dma_semaphore, #tpu.memory_space<semaphore_mem>>)
    %scan3A = arith.constant 0 : i32
    %scan3A_21 = arith.constant 0 : i32
    %scan3A_22 = arith.constant 64 : i32
    %scan3A_23 = arith.addi %scan3A_21, %scan3A_22 : i32
    %scan3A_24 = arith.constant 1 : i32
    scf.for %scan3A_41 = %scan3A_21 to %scan3A_23 step %scan3A_24  : i32 {
      %mul3A_42 = arith.constant 2 : i32
      %mul3A_43 = arith.muli %mul3A_42, %scan3A_41 : i32
      %mul3A_44 = arith.constant 2 : i32
      %mul3A_45 = arith.muli %mul3A_44, %scan3A_41 : i32
      %add3A_46 = arith.constant 1 : i32
      %add3A_47 = arith.addi %mul3A_45, %add3A_46 : i32
      %mul3A_48 = arith.constant 208 : i32
      %mul3A_49 = arith.muli %add3A_47, %mul3A_48 : i32
      %dma_start3A_50 = arith.constant 0 : i32
      %dma_start3A_51 = arith.constant 0 : i32
      %dma_start3A_52 = tpu.memref_slice %arg7[%dma_start3A_50, %dma_start3A_51] : memref<208x64xi32, #tpu.memory_space<vmem>> -> memref<112x64xi32, #tpu.memory_space<vmem>>
      %dma_start3A_53 = tpu.memref_slice %arg5[%mul3A_49] : memref<26624xi32, #tpu.memory_space<vmem>> -> memref<112xi32, #tpu.memory_space<vmem>>
      %dma_start3A_54 = arith.constant 0 : i32
      %dma_start3A_55 = arith.constant 0 : i32
      %dma_start3A_56 = tpu.memref_slice %arg2[%dma_start3A_54, %dma_start3A_55] : memref<132768x64xi32, #tpu.memory_space<hbm>> -> memref<132768x64xi32, #tpu.memory_space<hbm>>
      tpu.enqueue_indirect_dma source(%dma_start3A_56 : memref<132768x64xi32, #tpu.memory_space<hbm>>) target(%dma_start3A_52 : memref<112x64xi32, #tpu.memory_space<vmem>>) offsets(%dma_start3A_53 : memref<112xi32, #tpu.memory_space<vmem>>) semaphore(%arg10 : memref<!tpu.dma_semaphore, #tpu.memory_space<semaphore_mem>>)
      %mul3A_57 = arith.constant 208 : i32
      %mul3A_58 = arith.muli %add3A_47, %mul3A_57 : i32
      %add3A_59 = arith.constant 112 : i32
      %add3A_60 = arith.addi %mul3A_58, %add3A_59 : i32
      %dma_start3A_61 = arith.constant 112 : i32
      %dma_start3A_62 = arith.constant 0 : i32
      %dma_start3A_63 = tpu.memref_slice %arg7[%dma_start3A_61, %dma_start3A_62] : memref<208x64xi32, #tpu.memory_space<vmem>> -> memref<96x64xi32, #tpu.memory_space<vmem>>
      %dma_start3A_64 = tpu.memref_slice %arg5[%add3A_60] : memref<26624xi32, #tpu.memory_space<vmem>> -> memref<96xi32, #tpu.memory_space<vmem>>
      %dma_start3A_65 = arith.constant 0 : i32
      %dma_start3A_66 = arith.constant 0 : i32
      %dma_start3A_67 = tpu.memref_slice %arg2[%dma_start3A_65, %dma_start3A_66] : memref<132768x64xi32, #tpu.memory_space<hbm>> -> memref<132768x64xi32, #tpu.memory_space<hbm>>
      tpu.enqueue_indirect_dma source(%dma_start3A_67 : memref<132768x64xi32, #tpu.memory_space<hbm>>) target(%dma_start3A_63 : memref<96x64xi32, #tpu.memory_space<vmem>>) offsets(%dma_start3A_64 : memref<96xi32, #tpu.memory_space<vmem>>) semaphore(%arg10 : memref<!tpu.dma_semaphore, #tpu.memory_space<semaphore_mem>>)
      %mul3A_68 = arith.constant 208 : i32
      %mul3A_69 = arith.muli %mul3A_43, %mul3A_68 : i32
      %dma_wait3A_70 = arith.constant 0 : i32
      %dma_wait3A_71 = arith.constant 0 : i32
      %dma_wait3A_72 = tpu.memref_slice %arg6[%dma_wait3A_70, %dma_wait3A_71] : memref<208x64xi32, #tpu.memory_space<vmem>> -> memref<112x64xi32, #tpu.memory_space<vmem>>
      %dma_wait3A_73 = tpu.memref_slice %arg5[%mul3A_69] : memref<26624xi32, #tpu.memory_space<vmem>> -> memref<112xi32, #tpu.memory_space<vmem>>
      %dma_wait3A_74 = arith.constant 0 : i32
      %dma_wait3A_75 = arith.constant 0 : i32
      %dma_wait3A_76 = tpu.memref_slice %arg2[%dma_wait3A_74, %dma_wait3A_75] : memref<132768x64xi32, #tpu.memory_space<hbm>> -> memref<132768x64xi32, #tpu.memory_space<hbm>>
      tpu.wait_indirect_dma semaphore(%arg9 : memref<!tpu.dma_semaphore, #tpu.memory_space<semaphore_mem>>) src(%dma_wait3A_76 : memref<132768x64xi32, #tpu.memory_space<hbm>>) dst(%dma_wait3A_72 : memref<112x64xi32, #tpu.memory_space<vmem>>)
      %mul3A_77 = arith.constant 208 : i32
      %mul3A_78 = arith.muli %mul3A_43, %mul3A_77 : i32
      %add3A_79 = arith.constant 112 : i32
      %add3A_80 = arith.addi %mul3A_78, %add3A_79 : i32
      %dma_wait3A_81 = arith.constant 112 : i32
      %dma_wait3A_82 = arith.constant 0 : i32
      %dma_wait3A_83 = tpu.memref_slice %arg6[%dma_wait3A_81, %dma_wait3A_82] : memref<208x64xi32, #tpu.memory_space<vmem>> -> memref<96x64xi32, #tpu.memory_space<vmem>>
      %dma_wait3A_84 = tpu.memref_slice %arg5[%add3A_80] : memref<26624xi32, #tpu.memory_space<vmem>> -> memref<96xi32, #tpu.memory_space<vmem>>
      %dma_wait3A_85 = arith.constant 0 : i32
      %dma_wait3A_86 = arith.constant 0 : i32
      %dma_wait3A_87 = tpu.memref_slice %arg2[%dma_wait3A_85, %dma_wait3A_86] : memref<132768x64xi32, #tpu.memory_space<hbm>> -> memref<132768x64xi32, #tpu.memory_space<hbm>>
      tpu.wait_indirect_dma semaphore(%arg9 : memref<!tpu.dma_semaphore, #tpu.memory_space<semaphore_mem>>) src(%dma_wait3A_87 : memref<132768x64xi32, #tpu.memory_space<hbm>>) dst(%dma_wait3A_83 : memref<96x64xi32, #tpu.memory_space<vmem>>)
      %broadcast_in_dim3A_88 = arith.constant 0.000000e+00 : f32
      %broadcast_in_dim3A_89 = vector.broadcast %broadcast_in_dim3A_88 : f32 to vector<16xf32>
      %broadcast_in_dim3A_90 = arith.constant 0.000000e+00 : f32
      %broadcast_in_dim3A_91 = vector.broadcast %broadcast_in_dim3A_90 : f32 to vector<16xf32>
      %broadcast_in_dim3A_92 = arith.constant 0.000000e+00 : f32
      %broadcast_in_dim3A_93 = vector.broadcast %broadcast_in_dim3A_92 : f32 to vector<16xf32>
      %broadcast_in_dim3A_94 = arith.constant 0.000000e+00 : f32
      %broadcast_in_dim3A_95 = vector.broadcast %broadcast_in_dim3A_94 : f32 to vector<16xf32>
      %broadcast_in_dim3A_96 = arith.constant 0.000000e+00 : f32
      %broadcast_in_dim3A_97 = vector.broadcast %broadcast_in_dim3A_96 : f32 to vector<16xf32>
      %broadcast_in_dim3A_98 = arith.constant 0.000000e+00 : f32
      %broadcast_in_dim3A_99 = vector.broadcast %broadcast_in_dim3A_98 : f32 to vector<16xf32>
      %broadcast_in_dim3A_100 = arith.constant 0.000000e+00 : f32
      %broadcast_in_dim3A_101 = vector.broadcast %broadcast_in_dim3A_100 : f32 to vector<16xf32>
      %broadcast_in_dim3A_102 = arith.constant 0.000000e+00 : f32
      %broadcast_in_dim3A_103 = vector.broadcast %broadcast_in_dim3A_102 : f32 to vector<16xf32>
      %scan3A_104 = arith.constant 0 : i32
      %scan3A_105 = arith.constant 13 : i32
      %scan3A_106 = arith.addi %scan3A_104, %scan3A_105 : i32
      %scan3A_107 = arith.constant 1 : i32
      %scan3A_108:8 = scf.for %scan3A_254 = %scan3A_104 to %scan3A_106 step %scan3A_107 iter_args(%scan3A_255 = %broadcast_in_dim3A_89, %scan3A_256 = %broadcast_in_dim3A_91, %scan3A_257 = %broadcast_in_dim3A_93, %scan3A_258 = %broadcast_in_dim3A_95, %scan3A_259 = %broadcast_in_dim3A_97, %scan3A_260 = %broadcast_in_dim3A_99, %scan3A_261 = %broadcast_in_dim3A_101, %scan3A_262 = %broadcast_in_dim3A_103) -> (vector<16xf32>, vector<16xf32>, vector<16xf32>, vector<16xf32>, vector<16xf32>, vector<16xf32>, vector<16xf32>, vector<16xf32>)  : i32 {
        %mul3A_263 = arith.constant 16 : i32
        %mul3A_264 = arith.muli %scan3A_254, %mul3A_263 : i32
        %add3A_265 = arith.constant 0 : i32
        %add3A_266 = arith.addi %mul3A_264, %add3A_265 : i32
        %get3A = arith.index_cast %add3A_266 : i32 to index
        %get3A_267 = arith.constant 0 : index
        %get3A_268 = tpu.vector_load %arg6[%get3A, %get3A_267] {strides = array<i32>} : memref<208x64xi32, #tpu.memory_space<vmem>>, vector<1x16xi32>,
        %get3A_269 = vector.shape_cast %get3A_268 : vector<1x16xi32> to vector<16xi32>
        %shift_left3A = arith.constant 16 : i32
        %shift_left3A_270 = vector.broadcast %shift_left3A : i32 to vector<16xi32>
        %shift_left3A_271 = arith.shli %get3A_269, %shift_left3A_270 : vector<16xi32>
        %bitcast_convert_type3A = tpu.bitcast %shift_left3A_271 : vector<16xi32> -> vector<16xf32>
        %add3A_272 = arith.addf %scan3A_255, %bitcast_convert_type3A : vector<16xf32>
        %and3A = arith.andi %get3A_269, %broadcast_in_dim3A_5 : vector<16xi32>
        %bitcast_convert_type3A_273 = tpu.bitcast %and3A : vector<16xi32> -> vector<16xf32>
        %add3A_274 = arith.addf %scan3A_256, %bitcast_convert_type3A_273 : vector<16xf32>
        %add3A_275 = arith.constant 0 : i32
        %add3A_276 = arith.addi %mul3A_264, %add3A_275 : i32
        %get3A_277 = arith.index_cast %add3A_276 : i32 to index
        %get3A_278 = arith.constant 16 : index
        %get3A_279 = tpu.vector_load %arg6[%get3A_277, %get3A_278] {strides = array<i32>} : memref<208x64xi32, #tpu.memory_space<vmem>>, vector<1x16xi32>,
        %get3A_280 = vector.shape_cast %get3A_279 : vector<1x16xi32> to vector<16xi32>
        %shift_left3A_281 = arith.constant 16 : i32
        %shift_left3A_282 = vector.broadcast %shift_left3A_281 : i32 to vector<16xi32>
        %shift_left3A_283 = arith.shli %get3A_280, %shift_left3A_282 : vector<16xi32>
        %bitcast_convert_type3A_284 = tpu.bitcast %shift_left3A_283 : vector<16xi32> -> vector<16xf32>
        %add3A_285 = arith.addf %scan3A_257, %bitcast_convert_type3A_284 : vector<16xf32>
        %and3A_286 = arith.andi %get3A_280, %broadcast_in_dim3A_5 : vector<16xi32>
        %bitcast_convert_type3A_287 = tpu.bitcast %and3A_286 : vector<16xi32> -> vector<16xf32>
        %add3A_288 = arith.addf %scan3A_258, %bitcast_convert_type3A_287 : vector<16xf32>
        %add3A_289 = arith.constant 0 : i32
        %add3A_290 = arith.addi %mul3A_264, %add3A_289 : i32
        %get3A_291 = arith.index_cast %add3A_290 : i32 to index
        %get3A_292 = arith.constant 32 : index
        %get3A_293 = tpu.vector_load %arg6[%get3A_291, %get3A_292] {strides = array<i32>} : memref<208x64xi32, #tpu.memory_space<vmem>>, vector<1x16xi32>,
        %get3A_294 = vector.shape_cast %get3A_293 : vector<1x16xi32> to vector<16xi32>
        %shift_left3A_295 = arith.constant 16 : i32
        %shift_left3A_296 = vector.broadcast %shift_left3A_295 : i32 to vector<16xi32>
        %shift_left3A_297 = arith.shli %get3A_294, %shift_left3A_296 : vector<16xi32>
        %bitcast_convert_type3A_298 = tpu.bitcast %shift_left3A_297 : vector<16xi32> -> vector<16xf32>
        %add3A_299 = arith.addf %scan3A_259, %bitcast_convert_type3A_298 : vector<16xf32>
        %and3A_300 = arith.andi %get3A_294, %broadcast_in_dim3A_5 : vector<16xi32>
        %bitcast_convert_type3A_301 = tpu.bitcast %and3A_300 : vector<16xi32> -> vector<16xf32>
        %add3A_302 = arith.addf %scan3A_260, %bitcast_convert_type3A_301 : vector<16xf32>
        %add3A_303 = arith.constant 0 : i32
        %add3A_304 = arith.addi %mul3A_264, %add3A_303 : i32
        %get3A_305 = arith.index_cast %add3A_304 : i32 to index
        %get3A_306 = arith.constant 48 : index
        %get3A_307 = tpu.vector_load %arg6[%get3A_305, %get3A_306] {strides = array<i32>} : memref<208x64xi32, #tpu.memory_space<vmem>>, vector<1x16xi32>,
        %get3A_308 = vector.shape_cast %get3A_307 : vector<1x16xi32> to vector<16xi32>
        %shift_left3A_309 = arith.constant 16 : i32
        %shift_left3A_310 = vector.broadcast %shift_left3A_309 : i32 to vector<16xi32>
        %shift_left3A_311 = arith.shli %get3A_308, %shift_left3A_310 : vector<16xi32>
        %bitcast_convert_type3A_312 = tpu.bitcast %shift_left3A_311 : vector<16xi32> -> vector<16xf32>
        %add3A_313 = arith.addf %scan3A_261, %bitcast_convert_type3A_312 : vector<16xf32>
        %and3A_314 = arith.andi %get3A_308, %broadcast_in_dim3A_5 : vector<16xi32>
        %bitcast_convert_type3A_315 = tpu.bitcast %and3A_314 : vector<16xi32> -> vector<16xf32>
        %add3A_316 = arith.addf %scan3A_262, %bitcast_convert_type3A_315 : vector<16xf32>
        %add3A_317 = arith.constant 1 : i32
        %add3A_318 = arith.addi %mul3A_264, %add3A_317 : i32
        %get3A_319 = arith.index_cast %add3A_318 : i32 to index
        %get3A_320 = arith.constant 0 : index
        %get3A_321 = tpu.vector_load %arg6[%get3A_319, %get3A_320] {strides = array<i32>} : memref<208x64xi32, #tpu.memory_space<vmem>>, vector<1x16xi32>,
        %get3A_322 = vector.shape_cast %get3A_321 : vector<1x16xi32> to vector<16xi32>
        %shift_left3A_323 = arith.constant 16 : i32
        %shift_left3A_324 = vector.broadcast %shift_left3A_323 : i32 to vector<16xi32>
        %shift_left3A_325 = arith.shli %get3A_322, %shift_left3A_324 : vector<16xi32>
        %bitcast_convert_type3A_326 = tpu.bitcast %shift_left3A_325 : vector<16xi32> -> vector<16xf32>
        %add3A_327 = arith.addf %add3A_272, %bitcast_convert_type3A_326 : vector<16xf32>
        %and3A_328 = arith.andi %get3A_322, %broadcast_in_dim3A_5 : vector<16xi32>
        %bitcast_convert_type3A_329 = tpu.bitcast %and3A_328 : vector<16xi32> -> vector<16xf32>
        %add3A_330 = arith.addf %add3A_274, %bitcast_convert_type3A_329 : vector<16xf32>
        %add3A_331 = arith.constant 1 : i32
        %add3A_332 = arith.addi %mul3A_264, %add3A_331 : i32
        %get3A_333 = arith.index_cast %add3A_332 : i32 to index
        %get3A_334 = arith.constant 16 : index
        %get3A_335 = tpu.vector_load %arg6[%get3A_333, %get3A_334] {strides = array<i32>} : memref<208x64xi32, #tpu.memory_space<vmem>>, vector<1x16xi32>,
        %get3A_336 = vector.shape_cast %get3A_335 : vector<1x16xi32> to vector<16xi32>
        %shift_left3A_337 = arith.constant 16 : i32
        %shift_left3A_338 = vector.broadcast %shift_left3A_337 : i32 to vector<16xi32>
        %shift_left3A_339 = arith.shli %get3A_336, %shift_left3A_338 : vector<16xi32>
        %bitcast_convert_type3A_340 = tpu.bitcast %shift_left3A_339 : vector<16xi32> -> vector<16xf32>
        %add3A_341 = arith.addf %add3A_285, %bitcast_convert_type3A_340 : vector<16xf32>
        %and3A_342 = arith.andi %get3A_336, %broadcast_in_dim3A_5 : vector<16xi32>
        %bitcast_convert_type3A_343 = tpu.bitcast %and3A_342 : vector<16xi32> -> vector<16xf32>
        %add3A_344 = arith.addf %add3A_288, %bitcast_convert_type3A_343 : vector<16xf32>
        %add3A_345 = arith.constant 1 : i32
        %add3A_346 = arith.addi %mul3A_264, %add3A_345 : i32
        %get3A_347 = arith.index_cast %add3A_346 : i32 to index
        %get3A_348 = arith.constant 32 : index
        %get3A_349 = tpu.vector_load %arg6[%get3A_347, %get3A_348] {strides = array<i32>} : memref<208x64xi32, #tpu.memory_space<vmem>>, vector<1x16xi32>,
        %get3A_350 = vector.shape_cast %get3A_349 : vector<1x16xi32> to vector<16xi32>
        %shift_left3A_351 = arith.constant 16 : i32
        %shift_left3A_352 = vector.broadcast %shift_left3A_351 : i32 to vector<16xi32>
        %shift_left3A_353 = arith.shli %get3A_350, %shift_left3A_352 : vector<16xi32>
        %bitcast_convert_type3A_354 = tpu.bitcast %shift_left3A_353 : vector<16xi32> -> vector<16xf32>
        %add3A_355 = arith.addf %add3A_299, %bitcast_convert_type3A_354 : vector<16xf32>
        %and3A_356 = arith.andi %get3A_350, %broadcast_in_dim3A_5 : vector<16xi32>
        %bitcast_convert_type3A_357 = tpu.bitcast %and3A_356 : vector<16xi32> -> vector<16xf32>
        %add3A_358 = arith.addf %add3A_302, %bitcast_convert_type3A_357 : vector<16xf32>
        %add3A_359 = arith.constant 1 : i32
        %add3A_360 = arith.addi %mul3A_264, %add3A_359 : i32
        %get3A_361 = arith.index_cast %add3A_360 : i32 to index
        %get3A_362 = arith.constant 48 : index
        %get3A_363 = tpu.vector_load %arg6[%get3A_361, %get3A_362] {strides = array<i32>} : memref<208x64xi32, #tpu.memory_space<vmem>>, vector<1x16xi32>,
        %get3A_364 = vector.shape_cast %get3A_363 : vector<1x16xi32> to vector<16xi32>
        %shift_left3A_365 = arith.constant 16 : i32
        %shift_left3A_366 = vector.broadcast %shift_left3A_365 : i32 to vector<16xi32>
        %shift_left3A_367 = arith.shli %get3A_364, %shift_left3A_366 : vector<16xi32>
        %bitcast_convert_type3A_368 = tpu.bitcast %shift_left3A_367 : vector<16xi32> -> vector<16xf32>
        %add3A_369 = arith.addf %add3A_313, %bitcast_convert_type3A_368 : vector<16xf32>
        %and3A_370 = arith.andi %get3A_364, %broadcast_in_dim3A_5 : vector<16xi32>
        %bitcast_convert_type3A_371 = tpu.bitcast %and3A_370 : vector<16xi32> -> vector<16xf32>
        %add3A_372 = arith.addf %add3A_316, %bitcast_convert_type3A_371 : vector<16xf32>
        %add3A_373 = arith.constant 2 : i32
        %add3A_374 = arith.addi %mul3A_264, %add3A_373 : i32
        %get3A_375 = arith.index_cast %add3A_374 : i32 to index
        %get3A_376 = arith.constant 0 : index
        %get3A_377 = tpu.vector_load %arg6[%get3A_375, %get3A_376] {strides = array<i32>} : memref<208x64xi32, #tpu.memory_space<vmem>>, vector<1x16xi32>,
        %get3A_378 = vector.shape_cast %get3A_377 : vector<1x16xi32> to vector<16xi32>
        %shift_left3A_379 = arith.constant 16 : i32
        %shift_left3A_380 = vector.broadcast %shift_left3A_379 : i32 to vector<16xi32>
        %shift_left3A_381 = arith.shli %get3A_378, %shift_left3A_380 : vector<16xi32>
        %bitcast_convert_type3A_382 = tpu.bitcast %shift_left3A_381 : vector<16xi32> -> vector<16xf32>
        %add3A_383 = arith.addf %add3A_327, %bitcast_convert_type3A_382 : vector<16xf32>
        %and3A_384 = arith.andi %get3A_378, %broadcast_in_dim3A_5 : vector<16xi32>
        %bitcast_convert_type3A_385 = tpu.bitcast %and3A_384 : vector<16xi32> -> vector<16xf32>
        %add3A_386 = arith.addf %add3A_330, %bitcast_convert_type3A_385 : vector<16xf32>
        %add3A_387 = arith.constant 2 : i32
        %add3A_388 = arith.addi %mul3A_264, %add3A_387 : i32
        %get3A_389 = arith.index_cast %add3A_388 : i32 to index
        %get3A_390 = arith.constant 16 : index
        %get3A_391 = tpu.vector_load %arg6[%get3A_389, %get3A_390] {strides = array<i32>} : memref<208x64xi32, #tpu.memory_space<vmem>>, vector<1x16xi32>,
        %get3A_392 = vector.shape_cast %get3A_391 : vector<1x16xi32> to vector<16xi32>
        %shift_left3A_393 = arith.constant 16 : i32
        %shift_left3A_394 = vector.broadcast %shift_left3A_393 : i32 to vector<16xi32>
        %shift_left3A_395 = arith.shli %get3A_392, %shift_left3A_394 : vector<16xi32>
        %bitcast_convert_type3A_396 = tpu.bitcast %shift_left3A_395 : vector<16xi32> -> vector<16xf32>
        %add3A_397 = arith.addf %add3A_341, %bitcast_convert_type3A_396 : vector<16xf32>
        %and3A_398 = arith.andi %get3A_392, %broadcast_in_dim3A_5 : vector<16xi32>
        %bitcast_convert_type3A_399 = tpu.bitcast %and3A_398 : vector<16xi32> -> vector<16xf32>
        %add3A_400 = arith.addf %add3A_344, %bitcast_convert_type3A_399 : vector<16xf32>
        %add3A_401 = arith.constant 2 : i32
        %add3A_402 = arith.addi %mul3A_264, %add3A_401 : i32
        %get3A_403 = arith.index_cast %add3A_402 : i32 to index
        %get3A_404 = arith.constant 32 : index
        %get3A_405 = tpu.vector_load %arg6[%get3A_403, %get3A_404] {strides = array<i32>} : memref<208x64xi32, #tpu.memory_space<vmem>>, vector<1x16xi32>,
        %get3A_406 = vector.shape_cast %get3A_405 : vector<1x16xi32> to vector<16xi32>
        %shift_left3A_407 = arith.constant 16 : i32
        %shift_left3A_408 = vector.broadcast %shift_left3A_407 : i32 to vector<16xi32>
        %shift_left3A_409 = arith.shli %get3A_406, %shift_left3A_408 : vector<16xi32>
        %bitcast_convert_type3A_410 = tpu.bitcast %shift_left3A_409 : vector<16xi32> -> vector<16xf32>
        %add3A_411 = arith.addf %add3A_355, %bitcast_convert_type3A_410 : vector<16xf32>
        %and3A_412 = arith.andi %get3A_406, %broadcast_in_dim3A_5 : vector<16xi32>
        %bitcast_convert_type3A_413 = tpu.bitcast %and3A_412 : vector<16xi32> -> vector<16xf32>
        %add3A_414 = arith.addf %add3A_358, %bitcast_convert_type3A_413 : vector<16xf32>
        %add3A_415 = arith.constant 2 : i32
        %add3A_416 = arith.addi %mul3A_264, %add3A_415 : i32
        %get3A_417 = arith.index_cast %add3A_416 : i32 to index
        %get3A_418 = arith.constant 48 : index
        %get3A_419 = tpu.vector_load %arg6[%get3A_417, %get3A_418] {strides = array<i32>} : memref<208x64xi32, #tpu.memory_space<vmem>>, vector<1x16xi32>,
        %get3A_420 = vector.shape_cast %get3A_419 : vector<1x16xi32> to vector<16xi32>
        %shift_left3A_421 = arith.constant 16 : i32
        %shift_left3A_422 = vector.broadcast %shift_left3A_421 : i32 to vector<16xi32>
        %shift_left3A_423 = arith.shli %get3A_420, %shift_left3A_422 : vector<16xi32>
        %bitcast_convert_type3A_424 = tpu.bitcast %shift_left3A_423 : vector<16xi32> -> vector<16xf32>
        %add3A_425 = arith.addf %add3A_369, %bitcast_convert_type3A_424 : vector<16xf32>
        %and3A_426 = arith.andi %get3A_420, %broadcast_in_dim3A_5 : vector<16xi32>
        %bitcast_convert_type3A_427 = tpu.bitcast %and3A_426 : vector<16xi32> -> vector<16xf32>
        %add3A_428 = arith.addf %add3A_372, %bitcast_convert_type3A_427 : vector<16xf32>
        %add3A_429 = arith.constant 3 : i32
        %add3A_430 = arith.addi %mul3A_264, %add3A_429 : i32
        %get3A_431 = arith.index_cast %add3A_430 : i32 to index
        %get3A_432 = arith.constant 0 : index
        %get3A_433 = tpu.vector_load %arg6[%get3A_431, %get3A_432] {strides = array<i32>} : memref<208x64xi32, #tpu.memory_space<vmem>>, vector<1x16xi32>,
        %get3A_434 = vector.shape_cast %get3A_433 : vector<1x16xi32> to vector<16xi32>
        %shift_left3A_435 = arith.constant 16 : i32
        %shift_left3A_436 = vector.broadcast %shift_left3A_435 : i32 to vector<16xi32>
        %shift_left3A_437 = arith.shli %get3A_434, %shift_left3A_436 : vector<16xi32>
        %bitcast_convert_type3A_438 = tpu.bitcast %shift_left3A_437 : vector<16xi32> -> vector<16xf32>
        %add3A_439 = arith.addf %add3A_383, %bitcast_convert_type3A_438 : vector<16xf32>
        %and3A_440 = arith.andi %get3A_434, %broadcast_in_dim3A_5 : vector<16xi32>
        %bitcast_convert_type3A_441 = tpu.bitcast %and3A_440 : vector<16xi32> -> vector<16xf32>
        %add3A_442 = arith.addf %add3A_386, %bitcast_convert_type3A_441 : vector<16xf32>
        %add3A_443 = arith.constant 3 : i32
        %add3A_444 = arith.addi %mul3A_264, %add3A_443 : i32
        %get3A_445 = arith.index_cast %add3A_444 : i32 to index
        %get3A_446 = arith.constant 16 : index
        %get3A_447 = tpu.vector_load %arg6[%get3A_445, %get3A_446] {strides = array<i32>} : memref<208x64xi32, #tpu.memory_space<vmem>>, vector<1x16xi32>,
        %get3A_448 = vector.shape_cast %get3A_447 : vector<1x16xi32> to vector<16xi32>
        %shift_left3A_449 = arith.constant 16 : i32
        %shift_left3A_450 = vector.broadcast %shift_left3A_449 : i32 to vector<16xi32>
        %shift_left3A_451 = arith.shli %get3A_448, %shift_left3A_450 : vector<16xi32>
        %bitcast_convert_type3A_452 = tpu.bitcast %shift_left3A_451 : vector<16xi32> -> vector<16xf32>
        %add3A_453 = arith.addf %add3A_397, %bitcast_convert_type3A_452 : vector<16xf32>
        %and3A_454 = arith.andi %get3A_448, %broadcast_in_dim3A_5 : vector<16xi32>
        %bitcast_convert_type3A_455 = tpu.bitcast %and3A_454 : vector<16xi32> -> vector<16xf32>
        %add3A_456 = arith.addf %add3A_400, %bitcast_convert_type3A_455 : vector<16xf32>
        %add3A_457 = arith.constant 3 : i32
        %add3A_458 = arith.addi %mul3A_264, %add3A_457 : i32
        %get3A_459 = arith.index_cast %add3A_458 : i32 to index
        %get3A_460 = arith.constant 32 : index
        %get3A_461 = tpu.vector_load %arg6[%get3A_459, %get3A_460] {strides = array<i32>} : memref<208x64xi32, #tpu.memory_space<vmem>>, vector<1x16xi32>,
        %get3A_462 = vector.shape_cast %get3A_461 : vector<1x16xi32> to vector<16xi32>
        %shift_left3A_463 = arith.constant 16 : i32
        %shift_left3A_464 = vector.broadcast %shift_left3A_463 : i32 to vector<16xi32>
        %shift_left3A_465 = arith.shli %get3A_462, %shift_left3A_464 : vector<16xi32>
        %bitcast_convert_type3A_466 = tpu.bitcast %shift_left3A_465 : vector<16xi32> -> vector<16xf32>
        %add3A_467 = arith.addf %add3A_411, %bitcast_convert_type3A_466 : vector<16xf32>
        %and3A_468 = arith.andi %get3A_462, %broadcast_in_dim3A_5 : vector<16xi32>
        %bitcast_convert_type3A_469 = tpu.bitcast %and3A_468 : vector<16xi32> -> vector<16xf32>
        %add3A_470 = arith.addf %add3A_414, %bitcast_convert_type3A_469 : vector<16xf32>
        %add3A_471 = arith.constant 3 : i32
        %add3A_472 = arith.addi %mul3A_264, %add3A_471 : i32
        %get3A_473 = arith.index_cast %add3A_472 : i32 to index
        %get3A_474 = arith.constant 48 : index
        %get3A_475 = tpu.vector_load %arg6[%get3A_473, %get3A_474] {strides = array<i32>} : memref<208x64xi32, #tpu.memory_space<vmem>>, vector<1x16xi32>,
        %get3A_476 = vector.shape_cast %get3A_475 : vector<1x16xi32> to vector<16xi32>
        %shift_left3A_477 = arith.constant 16 : i32
        %shift_left3A_478 = vector.broadcast %shift_left3A_477 : i32 to vector<16xi32>
        %shift_left3A_479 = arith.shli %get3A_476, %shift_left3A_478 : vector<16xi32>
        %bitcast_convert_type3A_480 = tpu.bitcast %shift_left3A_479 : vector<16xi32> -> vector<16xf32>
        %add3A_481 = arith.addf %add3A_425, %bitcast_convert_type3A_480 : vector<16xf32>
        %and3A_482 = arith.andi %get3A_476, %broadcast_in_dim3A_5 : vector<16xi32>
        %bitcast_convert_type3A_483 = tpu.bitcast %and3A_482 : vector<16xi32> -> vector<16xf32>
        %add3A_484 = arith.addf %add3A_428, %bitcast_convert_type3A_483 : vector<16xf32>
        %add3A_485 = arith.constant 4 : i32
        %add3A_486 = arith.addi %mul3A_264, %add3A_485 : i32
        %get3A_487 = arith.index_cast %add3A_486 : i32 to index
        %get3A_488 = arith.constant 0 : index
        %get3A_489 = tpu.vector_load %arg6[%get3A_487, %get3A_488] {strides = array<i32>} : memref<208x64xi32, #tpu.memory_space<vmem>>, vector<1x16xi32>,
        %get3A_490 = vector.shape_cast %get3A_489 : vector<1x16xi32> to vector<16xi32>
        %shift_left3A_491 = arith.constant 16 : i32
        %shift_left3A_492 = vector.broadcast %shift_left3A_491 : i32 to vector<16xi32>
        %shift_left3A_493 = arith.shli %get3A_490, %shift_left3A_492 : vector<16xi32>
        %bitcast_convert_type3A_494 = tpu.bitcast %shift_left3A_493 : vector<16xi32> -> vector<16xf32>
        %add3A_495 = arith.addf %add3A_439, %bitcast_convert_type3A_494 : vector<16xf32>
        %and3A_496 = arith.andi %get3A_490, %broadcast_in_dim3A_5 : vector<16xi32>
        %bitcast_convert_type3A_497 = tpu.bitcast %and3A_496 : vector<16xi32> -> vector<16xf32>
        %add3A_498 = arith.addf %add3A_442, %bitcast_convert_type3A_497 : vector<16xf32>
        %add3A_499 = arith.constant 4 : i32
        %add3A_500 = arith.addi %mul3A_264, %add3A_499 : i32
        %get3A_501 = arith.index_cast %add3A_500 : i32 to index
        %get3A_502 = arith.constant 16 : index
        %get3A_503 = tpu.vector_load %arg6[%get3A_501, %get3A_502] {strides = array<i32>} : memref<208x64xi32, #tpu.memory_space<vmem>>, vector<1x16xi32>,
        %get3A_504 = vector.shape_cast %get3A_503 : vector<1x16xi32> to vector<16xi32>
        %shift_left3A_505 = arith.constant 16 : i32
        %shift_left3A_506 = vector.broadcast %shift_left3A_505 : i32 to vector<16xi32>
        %shift_left3A_507 = arith.shli %get3A_504, %shift_left3A_506 : vector<16xi32>
        %bitcast_convert_type3A_508 = tpu.bitcast %shift_left3A_507 : vector<16xi32> -> vector<16xf32>
        %add3A_509 = arith.addf %add3A_453, %bitcast_convert_type3A_508 : vector<16xf32>
        %and3A_510 = arith.andi %get3A_504, %broadcast_in_dim3A_5 : vector<16xi32>
        %bitcast_convert_type3A_511 = tpu.bitcast %and3A_510 : vector<16xi32> -> vector<16xf32>
        %add3A_512 = arith.addf %add3A_456, %bitcast_convert_type3A_511 : vector<16xf32>
        %add3A_513 = arith.constant 4 : i32
        %add3A_514 = arith.addi %mul3A_264, %add3A_513 : i32
        %get3A_515 = arith.index_cast %add3A_514 : i32 to index
        %get3A_516 = arith.constant 32 : index
        %get3A_517 = tpu.vector_load %arg6[%get3A_515, %get3A_516] {strides = array<i32>} : memref<208x64xi32, #tpu.memory_space<vmem>>, vector<1x16xi32>,
        %get3A_518 = vector.shape_cast %get3A_517 : vector<1x16xi32> to vector<16xi32>
        %shift_left3A_519 = arith.constant 16 : i32
        %shift_left3A_520 = vector.broadcast %shift_left3A_519 : i32 to vector<16xi32>
        %shift_left3A_521 = arith.shli %get3A_518, %shift_left3A_520 : vector<16xi32>
        %bitcast_convert_type3A_522 = tpu.bitcast %shift_left3A_521 : vector<16xi32> -> vector<16xf32>
        %add3A_523 = arith.addf %add3A_467, %bitcast_convert_type3A_522 : vector<16xf32>
        %and3A_524 = arith.andi %get3A_518, %broadcast_in_dim3A_5 : vector<16xi32>
        %bitcast_convert_type3A_525 = tpu.bitcast %and3A_524 : vector<16xi32> -> vector<16xf32>
        %add3A_526 = arith.addf %add3A_470, %bitcast_convert_type3A_525 : vector<16xf32>
        %add3A_527 = arith.constant 4 : i32
        %add3A_528 = arith.addi %mul3A_264, %add3A_527 : i32
        %get3A_529 = arith.index_cast %add3A_528 : i32 to index
        %get3A_530 = arith.constant 48 : index
        %get3A_531 = tpu.vector_load %arg6[%get3A_529, %get3A_530] {strides = array<i32>} : memref<208x64xi32, #tpu.memory_space<vmem>>, vector<1x16xi32>,
        %get3A_532 = vector.shape_cast %get3A_531 : vector<1x16xi32> to vector<16xi32>
        %shift_left3A_533 = arith.constant 16 : i32
        %shift_left3A_534 = vector.broadcast %shift_left3A_533 : i32 to vector<16xi32>
        %shift_left3A_535 = arith.shli %get3A_532, %shift_left3A_534 : vector<16xi32>
        %bitcast_convert_type3A_536 = tpu.bitcast %shift_left3A_535 : vector<16xi32> -> vector<16xf32>
        %add3A_537 = arith.addf %add3A_481, %bitcast_convert_type3A_536 : vector<16xf32>
        %and3A_538 = arith.andi %get3A_532, %broadcast_in_dim3A_5 : vector<16xi32>
        %bitcast_convert_type3A_539 = tpu.bitcast %and3A_538 : vector<16xi32> -> vector<16xf32>
        %add3A_540 = arith.addf %add3A_484, %bitcast_convert_type3A_539 : vector<16xf32>
        %add3A_541 = arith.constant 5 : i32
        %add3A_542 = arith.addi %mul3A_264, %add3A_541 : i32
        %get3A_543 = arith.index_cast %add3A_542 : i32 to index
        %get3A_544 = arith.constant 0 : index
        %get3A_545 = tpu.vector_load %arg6[%get3A_543, %get3A_544] {strides = array<i32>} : memref<208x64xi32, #tpu.memory_space<vmem>>, vector<1x16xi32>,
        %get3A_546 = vector.shape_cast %get3A_545 : vector<1x16xi32> to vector<16xi32>
        %shift_left3A_547 = arith.constant 16 : i32
        %shift_left3A_548 = vector.broadcast %shift_left3A_547 : i32 to vector<16xi32>
        %shift_left3A_549 = arith.shli %get3A_546, %shift_left3A_548 : vector<16xi32>
        %bitcast_convert_type3A_550 = tpu.bitcast %shift_left3A_549 : vector<16xi32> -> vector<16xf32>
        %add3A_551 = arith.addf %add3A_495, %bitcast_convert_type3A_550 : vector<16xf32>
        %and3A_552 = arith.andi %get3A_546, %broadcast_in_dim3A_5 : vector<16xi32>
        %bitcast_convert_type3A_553 = tpu.bitcast %and3A_552 : vector<16xi32> -> vector<16xf32>
        %add3A_554 = arith.addf %add3A_498, %bitcast_convert_type3A_553 : vector<16xf32>
        %add3A_555 = arith.constant 5 : i32
        %add3A_556 = arith.addi %mul3A_264, %add3A_555 : i32
        %get3A_557 = arith.index_cast %add3A_556 : i32 to index
        %get3A_558 = arith.constant 16 : index
        %get3A_559 = tpu.vector_load %arg6[%get3A_557, %get3A_558] {strides = array<i32>} : memref<208x64xi32, #tpu.memory_space<vmem>>, vector<1x16xi32>,
        %get3A_560 = vector.shape_cast %get3A_559 : vector<1x16xi32> to vector<16xi32>
        %shift_left3A_561 = arith.constant 16 : i32
        %shift_left3A_562 = vector.broadcast %shift_left3A_561 : i32 to vector<16xi32>
        %shift_left3A_563 = arith.shli %get3A_560, %shift_left3A_562 : vector<16xi32>
        %bitcast_convert_type3A_564 = tpu.bitcast %shift_left3A_563 : vector<16xi32> -> vector<16xf32>
        %add3A_565 = arith.addf %add3A_509, %bitcast_convert_type3A_564 : vector<16xf32>
        %and3A_566 = arith.andi %get3A_560, %broadcast_in_dim3A_5 : vector<16xi32>
        %bitcast_convert_type3A_567 = tpu.bitcast %and3A_566 : vector<16xi32> -> vector<16xf32>
        %add3A_568 = arith.addf %add3A_512, %bitcast_convert_type3A_567 : vector<16xf32>
        %add3A_569 = arith.constant 5 : i32
        %add3A_570 = arith.addi %mul3A_264, %add3A_569 : i32
        %get3A_571 = arith.index_cast %add3A_570 : i32 to index
        %get3A_572 = arith.constant 32 : index
        %get3A_573 = tpu.vector_load %arg6[%get3A_571, %get3A_572] {strides = array<i32>} : memref<208x64xi32, #tpu.memory_space<vmem>>, vector<1x16xi32>,
        %get3A_574 = vector.shape_cast %get3A_573 : vector<1x16xi32> to vector<16xi32>
        %shift_left3A_575 = arith.constant 16 : i32
        %shift_left3A_576 = vector.broadcast %shift_left3A_575 : i32 to vector<16xi32>
        %shift_left3A_577 = arith.shli %get3A_574, %shift_left3A_576 : vector<16xi32>
        %bitcast_convert_type3A_578 = tpu.bitcast %shift_left3A_577 : vector<16xi32> -> vector<16xf32>
        %add3A_579 = arith.addf %add3A_523, %bitcast_convert_type3A_578 : vector<16xf32>
        %and3A_580 = arith.andi %get3A_574, %broadcast_in_dim3A_5 : vector<16xi32>
        %bitcast_convert_type3A_581 = tpu.bitcast %and3A_580 : vector<16xi32> -> vector<16xf32>
        %add3A_582 = arith.addf %add3A_526, %bitcast_convert_type3A_581 : vector<16xf32>
        %add3A_583 = arith.constant 5 : i32
        %add3A_584 = arith.addi %mul3A_264, %add3A_583 : i32
        %get3A_585 = arith.index_cast %add3A_584 : i32 to index
        %get3A_586 = arith.constant 48 : index
        %get3A_587 = tpu.vector_load %arg6[%get3A_585, %get3A_586] {strides = array<i32>} : memref<208x64xi32, #tpu.memory_space<vmem>>, vector<1x16xi32>,
        %get3A_588 = vector.shape_cast %get3A_587 : vector<1x16xi32> to vector<16xi32>
        %shift_left3A_589 = arith.constant 16 : i32
        %shift_left3A_590 = vector.broadcast %shift_left3A_589 : i32 to vector<16xi32>
        %shift_left3A_591 = arith.shli %get3A_588, %shift_left3A_590 : vector<16xi32>
        %bitcast_convert_type3A_592 = tpu.bitcast %shift_left3A_591 : vector<16xi32> -> vector<16xf32>
        %add3A_593 = arith.addf %add3A_537, %bitcast_convert_type3A_592 : vector<16xf32>
        %and3A_594 = arith.andi %get3A_588, %broadcast_in_dim3A_5 : vector<16xi32>
        %bitcast_convert_type3A_595 = tpu.bitcast %and3A_594 : vector<16xi32> -> vector<16xf32>
        %add3A_596 = arith.addf %add3A_540, %bitcast_convert_type3A_595 : vector<16xf32>
        %add3A_597 = arith.constant 6 : i32
        %add3A_598 = arith.addi %mul3A_264, %add3A_597 : i32
        %get3A_599 = arith.index_cast %add3A_598 : i32 to index
        %get3A_600 = arith.constant 0 : index
        %get3A_601 = tpu.vector_load %arg6[%get3A_599, %get3A_600] {strides = array<i32>} : memref<208x64xi32, #tpu.memory_space<vmem>>, vector<1x16xi32>,
        %get3A_602 = vector.shape_cast %get3A_601 : vector<1x16xi32> to vector<16xi32>
        %shift_left3A_603 = arith.constant 16 : i32
        %shift_left3A_604 = vector.broadcast %shift_left3A_603 : i32 to vector<16xi32>
        %shift_left3A_605 = arith.shli %get3A_602, %shift_left3A_604 : vector<16xi32>
        %bitcast_convert_type3A_606 = tpu.bitcast %shift_left3A_605 : vector<16xi32> -> vector<16xf32>
        %add3A_607 = arith.addf %add3A_551, %bitcast_convert_type3A_606 : vector<16xf32>
        %and3A_608 = arith.andi %get3A_602, %broadcast_in_dim3A_5 : vector<16xi32>
        %bitcast_convert_type3A_609 = tpu.bitcast %and3A_608 : vector<16xi32> -> vector<16xf32>
        %add3A_610 = arith.addf %add3A_554, %bitcast_convert_type3A_609 : vector<16xf32>
        %add3A_611 = arith.constant 6 : i32
        %add3A_612 = arith.addi %mul3A_264, %add3A_611 : i32
        %get3A_613 = arith.index_cast %add3A_612 : i32 to index
        %get3A_614 = arith.constant 16 : index
        %get3A_615 = tpu.vector_load %arg6[%get3A_613, %get3A_614] {strides = array<i32>} : memref<208x64xi32, #tpu.memory_space<vmem>>, vector<1x16xi32>,
        %get3A_616 = vector.shape_cast %get3A_615 : vector<1x16xi32> to vector<16xi32>
        %shift_left3A_617 = arith.constant 16 : i32
        %shift_left3A_618 = vector.broadcast %shift_left3A_617 : i32 to vector<16xi32>
        %shift_left3A_619 = arith.shli %get3A_616, %shift_left3A_618 : vector<16xi32>
        %bitcast_convert_type3A_620 = tpu.bitcast %shift_left3A_619 : vector<16xi32> -> vector<16xf32>
        %add3A_621 = arith.addf %add3A_565, %bitcast_convert_type3A_620 : vector<16xf32>
        %and3A_622 = arith.andi %get3A_616, %broadcast_in_dim3A_5 : vector<16xi32>
        %bitcast_convert_type3A_623 = tpu.bitcast %and3A_622 : vector<16xi32> -> vector<16xf32>
        %add3A_624 = arith.addf %add3A_568, %bitcast_convert_type3A_623 : vector<16xf32>
        %add3A_625 = arith.constant 6 : i32
        %add3A_626 = arith.addi %mul3A_264, %add3A_625 : i32
        %get3A_627 = arith.index_cast %add3A_626 : i32 to index
        %get3A_628 = arith.constant 32 : index
        %get3A_629 = tpu.vector_load %arg6[%get3A_627, %get3A_628] {strides = array<i32>} : memref<208x64xi32, #tpu.memory_space<vmem>>, vector<1x16xi32>,
        %get3A_630 = vector.shape_cast %get3A_629 : vector<1x16xi32> to vector<16xi32>
        %shift_left3A_631 = arith.constant 16 : i32
        %shift_left3A_632 = vector.broadcast %shift_left3A_631 : i32 to vector<16xi32>
        %shift_left3A_633 = arith.shli %get3A_630, %shift_left3A_632 : vector<16xi32>
        %bitcast_convert_type3A_634 = tpu.bitcast %shift_left3A_633 : vector<16xi32> -> vector<16xf32>
        %add3A_635 = arith.addf %add3A_579, %bitcast_convert_type3A_634 : vector<16xf32>
        %and3A_636 = arith.andi %get3A_630, %broadcast_in_dim3A_5 : vector<16xi32>
        %bitcast_convert_type3A_637 = tpu.bitcast %and3A_636 : vector<16xi32> -> vector<16xf32>
        %add3A_638 = arith.addf %add3A_582, %bitcast_convert_type3A_637 : vector<16xf32>
        %add3A_639 = arith.constant 6 : i32
        %add3A_640 = arith.addi %mul3A_264, %add3A_639 : i32
        %get3A_641 = arith.index_cast %add3A_640 : i32 to index
        %get3A_642 = arith.constant 48 : index
        %get3A_643 = tpu.vector_load %arg6[%get3A_641, %get3A_642] {strides = array<i32>} : memref<208x64xi32, #tpu.memory_space<vmem>>, vector<1x16xi32>,
        %get3A_644 = vector.shape_cast %get3A_643 : vector<1x16xi32> to vector<16xi32>
        %shift_left3A_645 = arith.constant 16 : i32
        %shift_left3A_646 = vector.broadcast %shift_left3A_645 : i32 to vector<16xi32>
        %shift_left3A_647 = arith.shli %get3A_644, %shift_left3A_646 : vector<16xi32>
        %bitcast_convert_type3A_648 = tpu.bitcast %shift_left3A_647 : vector<16xi32> -> vector<16xf32>
        %add3A_649 = arith.addf %add3A_593, %bitcast_convert_type3A_648 : vector<16xf32>
        %and3A_650 = arith.andi %get3A_644, %broadcast_in_dim3A_5 : vector<16xi32>
        %bitcast_convert_type3A_651 = tpu.bitcast %and3A_650 : vector<16xi32> -> vector<16xf32>
        %add3A_652 = arith.addf %add3A_596, %bitcast_convert_type3A_651 : vector<16xf32>
        %add3A_653 = arith.constant 7 : i32
        %add3A_654 = arith.addi %mul3A_264, %add3A_653 : i32
        %get3A_655 = arith.index_cast %add3A_654 : i32 to index
        %get3A_656 = arith.constant 0 : index
        %get3A_657 = tpu.vector_load %arg6[%get3A_655, %get3A_656] {strides = array<i32>} : memref<208x64xi32, #tpu.memory_space<vmem>>, vector<1x16xi32>,
        %get3A_658 = vector.shape_cast %get3A_657 : vector<1x16xi32> to vector<16xi32>
        %shift_left3A_659 = arith.constant 16 : i32
        %shift_left3A_660 = vector.broadcast %shift_left3A_659 : i32 to vector<16xi32>
        %shift_left3A_661 = arith.shli %get3A_658, %shift_left3A_660 : vector<16xi32>
        %bitcast_convert_type3A_662 = tpu.bitcast %shift_left3A_661 : vector<16xi32> -> vector<16xf32>
        %add3A_663 = arith.addf %add3A_607, %bitcast_convert_type3A_662 : vector<16xf32>
        %and3A_664 = arith.andi %get3A_658, %broadcast_in_dim3A_5 : vector<16xi32>
        %bitcast_convert_type3A_665 = tpu.bitcast %and3A_664 : vector<16xi32> -> vector<16xf32>
        %add3A_666 = arith.addf %add3A_610, %bitcast_convert_type3A_665 : vector<16xf32>
        %add3A_667 = arith.constant 7 : i32
        %add3A_668 = arith.addi %mul3A_264, %add3A_667 : i32
        %get3A_669 = arith.index_cast %add3A_668 : i32 to index
        %get3A_670 = arith.constant 16 : index
        %get3A_671 = tpu.vector_load %arg6[%get3A_669, %get3A_670] {strides = array<i32>} : memref<208x64xi32, #tpu.memory_space<vmem>>, vector<1x16xi32>,
        %get3A_672 = vector.shape_cast %get3A_671 : vector<1x16xi32> to vector<16xi32>
        %shift_left3A_673 = arith.constant 16 : i32
        %shift_left3A_674 = vector.broadcast %shift_left3A_673 : i32 to vector<16xi32>
        %shift_left3A_675 = arith.shli %get3A_672, %shift_left3A_674 : vector<16xi32>
        %bitcast_convert_type3A_676 = tpu.bitcast %shift_left3A_675 : vector<16xi32> -> vector<16xf32>
        %add3A_677 = arith.addf %add3A_621, %bitcast_convert_type3A_676 : vector<16xf32>
        %and3A_678 = arith.andi %get3A_672, %broadcast_in_dim3A_5 : vector<16xi32>
        %bitcast_convert_type3A_679 = tpu.bitcast %and3A_678 : vector<16xi32> -> vector<16xf32>
        %add3A_680 = arith.addf %add3A_624, %bitcast_convert_type3A_679 : vector<16xf32>
        %add3A_681 = arith.constant 7 : i32
        %add3A_682 = arith.addi %mul3A_264, %add3A_681 : i32
        %get3A_683 = arith.index_cast %add3A_682 : i32 to index
        %get3A_684 = arith.constant 32 : index
        %get3A_685 = tpu.vector_load %arg6[%get3A_683, %get3A_684] {strides = array<i32>} : memref<208x64xi32, #tpu.memory_space<vmem>>, vector<1x16xi32>,
        %get3A_686 = vector.shape_cast %get3A_685 : vector<1x16xi32> to vector<16xi32>
        %shift_left3A_687 = arith.constant 16 : i32
        %shift_left3A_688 = vector.broadcast %shift_left3A_687 : i32 to vector<16xi32>
        %shift_left3A_689 = arith.shli %get3A_686, %shift_left3A_688 : vector<16xi32>
        %bitcast_convert_type3A_690 = tpu.bitcast %shift_left3A_689 : vector<16xi32> -> vector<16xf32>
        %add3A_691 = arith.addf %add3A_635, %bitcast_convert_type3A_690 : vector<16xf32>
        %and3A_692 = arith.andi %get3A_686, %broadcast_in_dim3A_5 : vector<16xi32>
        %bitcast_convert_type3A_693 = tpu.bitcast %and3A_692 : vector<16xi32> -> vector<16xf32>
        %add3A_694 = arith.addf %add3A_638, %bitcast_convert_type3A_693 : vector<16xf32>
        %add3A_695 = arith.constant 7 : i32
        %add3A_696 = arith.addi %mul3A_264, %add3A_695 : i32
        %get3A_697 = arith.index_cast %add3A_696 : i32 to index
        %get3A_698 = arith.constant 48 : index
        %get3A_699 = tpu.vector_load %arg6[%get3A_697, %get3A_698] {strides = array<i32>} : memref<208x64xi32, #tpu.memory_space<vmem>>, vector<1x16xi32>,
        %get3A_700 = vector.shape_cast %get3A_699 : vector<1x16xi32> to vector<16xi32>
        %shift_left3A_701 = arith.constant 16 : i32
        %shift_left3A_702 = vector.broadcast %shift_left3A_701 : i32 to vector<16xi32>
        %shift_left3A_703 = arith.shli %get3A_700, %shift_left3A_702 : vector<16xi32>
        %bitcast_convert_type3A_704 = tpu.bitcast %shift_left3A_703 : vector<16xi32> -> vector<16xf32>
        %add3A_705 = arith.addf %add3A_649, %bitcast_convert_type3A_704 : vector<16xf32>
        %and3A_706 = arith.andi %get3A_700, %broadcast_in_dim3A_5 : vector<16xi32>
        %bitcast_convert_type3A_707 = tpu.bitcast %and3A_706 : vector<16xi32> -> vector<16xf32>
        %add3A_708 = arith.addf %add3A_652, %bitcast_convert_type3A_707 : vector<16xf32>
        %add3A_709 = arith.constant 8 : i32
        %add3A_710 = arith.addi %mul3A_264, %add3A_709 : i32
        %get3A_711 = arith.index_cast %add3A_710 : i32 to index
        %get3A_712 = arith.constant 0 : index
        %get3A_713 = tpu.vector_load %arg6[%get3A_711, %get3A_712] {strides = array<i32>} : memref<208x64xi32, #tpu.memory_space<vmem>>, vector<1x16xi32>,
        %get3A_714 = vector.shape_cast %get3A_713 : vector<1x16xi32> to vector<16xi32>
        %shift_left3A_715 = arith.constant 16 : i32
        %shift_left3A_716 = vector.broadcast %shift_left3A_715 : i32 to vector<16xi32>
        %shift_left3A_717 = arith.shli %get3A_714, %shift_left3A_716 : vector<16xi32>
        %bitcast_convert_type3A_718 = tpu.bitcast %shift_left3A_717 : vector<16xi32> -> vector<16xf32>
        %add3A_719 = arith.addf %add3A_663, %bitcast_convert_type3A_718 : vector<16xf32>
        %and3A_720 = arith.andi %get3A_714, %broadcast_in_dim3A_5 : vector<16xi32>
        %bitcast_convert_type3A_721 = tpu.bitcast %and3A_720 : vector<16xi32> -> vector<16xf32>
        %add3A_722 = arith.addf %add3A_666, %bitcast_convert_type3A_721 : vector<16xf32>
        %add3A_723 = arith.constant 8 : i32
        %add3A_724 = arith.addi %mul3A_264, %add3A_723 : i32
        %get3A_725 = arith.index_cast %add3A_724 : i32 to index
        %get3A_726 = arith.constant 16 : index
        %get3A_727 = tpu.vector_load %arg6[%get3A_725, %get3A_726] {strides = array<i32>} : memref<208x64xi32, #tpu.memory_space<vmem>>, vector<1x16xi32>,
        %get3A_728 = vector.shape_cast %get3A_727 : vector<1x16xi32> to vector<16xi32>
        %shift_left3A_729 = arith.constant 16 : i32
        %shift_left3A_730 = vector.broadcast %shift_left3A_729 : i32 to vector<16xi32>
        %shift_left3A_731 = arith.shli %get3A_728, %shift_left3A_730 : vector<16xi32>
        %bitcast_convert_type3A_732 = tpu.bitcast %shift_left3A_731 : vector<16xi32> -> vector<16xf32>
        %add3A_733 = arith.addf %add3A_677, %bitcast_convert_type3A_732 : vector<16xf32>
        %and3A_734 = arith.andi %get3A_728, %broadcast_in_dim3A_5 : vector<16xi32>
        %bitcast_convert_type3A_735 = tpu.bitcast %and3A_734 : vector<16xi32> -> vector<16xf32>
        %add3A_736 = arith.addf %add3A_680, %bitcast_convert_type3A_735 : vector<16xf32>
        %add3A_737 = arith.constant 8 : i32
        %add3A_738 = arith.addi %mul3A_264, %add3A_737 : i32
        %get3A_739 = arith.index_cast %add3A_738 : i32 to index
        %get3A_740 = arith.constant 32 : index
        %get3A_741 = tpu.vector_load %arg6[%get3A_739, %get3A_740] {strides = array<i32>} : memref<208x64xi32, #tpu.memory_space<vmem>>, vector<1x16xi32>,
        %get3A_742 = vector.shape_cast %get3A_741 : vector<1x16xi32> to vector<16xi32>
        %shift_left3A_743 = arith.constant 16 : i32
        %shift_left3A_744 = vector.broadcast %shift_left3A_743 : i32 to vector<16xi32>
        %shift_left3A_745 = arith.shli %get3A_742, %shift_left3A_744 : vector<16xi32>
        %bitcast_convert_type3A_746 = tpu.bitcast %shift_left3A_745 : vector<16xi32> -> vector<16xf32>
        %add3A_747 = arith.addf %add3A_691, %bitcast_convert_type3A_746 : vector<16xf32>
        %and3A_748 = arith.andi %get3A_742, %broadcast_in_dim3A_5 : vector<16xi32>
        %bitcast_convert_type3A_749 = tpu.bitcast %and3A_748 : vector<16xi32> -> vector<16xf32>
        %add3A_750 = arith.addf %add3A_694, %bitcast_convert_type3A_749 : vector<16xf32>
        %add3A_751 = arith.constant 8 : i32
        %add3A_752 = arith.addi %mul3A_264, %add3A_751 : i32
        %get3A_753 = arith.index_cast %add3A_752 : i32 to index
        %get3A_754 = arith.constant 48 : index
        %get3A_755 = tpu.vector_load %arg6[%get3A_753, %get3A_754] {strides = array<i32>} : memref<208x64xi32, #tpu.memory_space<vmem>>, vector<1x16xi32>,
        %get3A_756 = vector.shape_cast %get3A_755 : vector<1x16xi32> to vector<16xi32>
        %shift_left3A_757 = arith.constant 16 : i32
        %shift_left3A_758 = vector.broadcast %shift_left3A_757 : i32 to vector<16xi32>
        %shift_left3A_759 = arith.shli %get3A_756, %shift_left3A_758 : vector<16xi32>
        %bitcast_convert_type3A_760 = tpu.bitcast %shift_left3A_759 : vector<16xi32> -> vector<16xf32>
        %add3A_761 = arith.addf %add3A_705, %bitcast_convert_type3A_760 : vector<16xf32>
        %and3A_762 = arith.andi %get3A_756, %broadcast_in_dim3A_5 : vector<16xi32>
        %bitcast_convert_type3A_763 = tpu.bitcast %and3A_762 : vector<16xi32> -> vector<16xf32>
        %add3A_764 = arith.addf %add3A_708, %bitcast_convert_type3A_763 : vector<16xf32>
        %add3A_765 = arith.constant 9 : i32
        %add3A_766 = arith.addi %mul3A_264, %add3A_765 : i32
        %get3A_767 = arith.index_cast %add3A_766 : i32 to index
        %get3A_768 = arith.constant 0 : index
        %get3A_769 = tpu.vector_load %arg6[%get3A_767, %get3A_768] {strides = array<i32>} : memref<208x64xi32, #tpu.memory_space<vmem>>, vector<1x16xi32>,
        %get3A_770 = vector.shape_cast %get3A_769 : vector<1x16xi32> to vector<16xi32>
        %shift_left3A_771 = arith.constant 16 : i32
        %shift_left3A_772 = vector.broadcast %shift_left3A_771 : i32 to vector<16xi32>
        %shift_left3A_773 = arith.shli %get3A_770, %shift_left3A_772 : vector<16xi32>
        %bitcast_convert_type3A_774 = tpu.bitcast %shift_left3A_773 : vector<16xi32> -> vector<16xf32>
        %add3A_775 = arith.addf %add3A_719, %bitcast_convert_type3A_774 : vector<16xf32>
        %and3A_776 = arith.andi %get3A_770, %broadcast_in_dim3A_5 : vector<16xi32>
        %bitcast_convert_type3A_777 = tpu.bitcast %and3A_776 : vector<16xi32> -> vector<16xf32>
        %add3A_778 = arith.addf %add3A_722, %bitcast_convert_type3A_777 : vector<16xf32>
        %add3A_779 = arith.constant 9 : i32
        %add3A_780 = arith.addi %mul3A_264, %add3A_779 : i32
        %get3A_781 = arith.index_cast %add3A_780 : i32 to index
        %get3A_782 = arith.constant 16 : index
        %get3A_783 = tpu.vector_load %arg6[%get3A_781, %get3A_782] {strides = array<i32>} : memref<208x64xi32, #tpu.memory_space<vmem>>, vector<1x16xi32>,
        %get3A_784 = vector.shape_cast %get3A_783 : vector<1x16xi32> to vector<16xi32>
        %shift_left3A_785 = arith.constant 16 : i32
        %shift_left3A_786 = vector.broadcast %shift_left3A_785 : i32 to vector<16xi32>
        %shift_left3A_787 = arith.shli %get3A_784, %shift_left3A_786 : vector<16xi32>
        %bitcast_convert_type3A_788 = tpu.bitcast %shift_left3A_787 : vector<16xi32> -> vector<16xf32>
        %add3A_789 = arith.addf %add3A_733, %bitcast_convert_type3A_788 : vector<16xf32>
        %and3A_790 = arith.andi %get3A_784, %broadcast_in_dim3A_5 : vector<16xi32>
        %bitcast_convert_type3A_791 = tpu.bitcast %and3A_790 : vector<16xi32> -> vector<16xf32>
        %add3A_792 = arith.addf %add3A_736, %bitcast_convert_type3A_791 : vector<16xf32>
        %add3A_793 = arith.constant 9 : i32
        %add3A_794 = arith.addi %mul3A_264, %add3A_793 : i32
        %get3A_795 = arith.index_cast %add3A_794 : i32 to index
        %get3A_796 = arith.constant 32 : index
        %get3A_797 = tpu.vector_load %arg6[%get3A_795, %get3A_796] {strides = array<i32>} : memref<208x64xi32, #tpu.memory_space<vmem>>, vector<1x16xi32>,
        %get3A_798 = vector.shape_cast %get3A_797 : vector<1x16xi32> to vector<16xi32>
        %shift_left3A_799 = arith.constant 16 : i32
        %shift_left3A_800 = vector.broadcast %shift_left3A_799 : i32 to vector<16xi32>
        %shift_left3A_801 = arith.shli %get3A_798, %shift_left3A_800 : vector<16xi32>
        %bitcast_convert_type3A_802 = tpu.bitcast %shift_left3A_801 : vector<16xi32> -> vector<16xf32>
        %add3A_803 = arith.addf %add3A_747, %bitcast_convert_type3A_802 : vector<16xf32>
        %and3A_804 = arith.andi %get3A_798, %broadcast_in_dim3A_5 : vector<16xi32>
        %bitcast_convert_type3A_805 = tpu.bitcast %and3A_804 : vector<16xi32> -> vector<16xf32>
        %add3A_806 = arith.addf %add3A_750, %bitcast_convert_type3A_805 : vector<16xf32>
        %add3A_807 = arith.constant 9 : i32
        %add3A_808 = arith.addi %mul3A_264, %add3A_807 : i32
        %get3A_809 = arith.index_cast %add3A_808 : i32 to index
        %get3A_810 = arith.constant 48 : index
        %get3A_811 = tpu.vector_load %arg6[%get3A_809, %get3A_810] {strides = array<i32>} : memref<208x64xi32, #tpu.memory_space<vmem>>, vector<1x16xi32>,
        %get3A_812 = vector.shape_cast %get3A_811 : vector<1x16xi32> to vector<16xi32>
        %shift_left3A_813 = arith.constant 16 : i32
        %shift_left3A_814 = vector.broadcast %shift_left3A_813 : i32 to vector<16xi32>
        %shift_left3A_815 = arith.shli %get3A_812, %shift_left3A_814 : vector<16xi32>
        %bitcast_convert_type3A_816 = tpu.bitcast %shift_left3A_815 : vector<16xi32> -> vector<16xf32>
        %add3A_817 = arith.addf %add3A_761, %bitcast_convert_type3A_816 : vector<16xf32>
        %and3A_818 = arith.andi %get3A_812, %broadcast_in_dim3A_5 : vector<16xi32>
        %bitcast_convert_type3A_819 = tpu.bitcast %and3A_818 : vector<16xi32> -> vector<16xf32>
        %add3A_820 = arith.addf %add3A_764, %bitcast_convert_type3A_819 : vector<16xf32>
        %add3A_821 = arith.constant 10 : i32
        %add3A_822 = arith.addi %mul3A_264, %add3A_821 : i32
        %get3A_823 = arith.index_cast %add3A_822 : i32 to index
        %get3A_824 = arith.constant 0 : index
        %get3A_825 = tpu.vector_load %arg6[%get3A_823, %get3A_824] {strides = array<i32>} : memref<208x64xi32, #tpu.memory_space<vmem>>, vector<1x16xi32>,
        %get3A_826 = vector.shape_cast %get3A_825 : vector<1x16xi32> to vector<16xi32>
        %shift_left3A_827 = arith.constant 16 : i32
        %shift_left3A_828 = vector.broadcast %shift_left3A_827 : i32 to vector<16xi32>
        %shift_left3A_829 = arith.shli %get3A_826, %shift_left3A_828 : vector<16xi32>
        %bitcast_convert_type3A_830 = tpu.bitcast %shift_left3A_829 : vector<16xi32> -> vector<16xf32>
        %add3A_831 = arith.addf %add3A_775, %bitcast_convert_type3A_830 : vector<16xf32>
        %and3A_832 = arith.andi %get3A_826, %broadcast_in_dim3A_5 : vector<16xi32>
        %bitcast_convert_type3A_833 = tpu.bitcast %and3A_832 : vector<16xi32> -> vector<16xf32>
        %add3A_834 = arith.addf %add3A_778, %bitcast_convert_type3A_833 : vector<16xf32>
        %add3A_835 = arith.constant 10 : i32
        %add3A_836 = arith.addi %mul3A_264, %add3A_835 : i32
        %get3A_837 = arith.index_cast %add3A_836 : i32 to index
        %get3A_838 = arith.constant 16 : index
        %get3A_839 = tpu.vector_load %arg6[%get3A_837, %get3A_838] {strides = array<i32>} : memref<208x64xi32, #tpu.memory_space<vmem>>, vector<1x16xi32>,
        %get3A_840 = vector.shape_cast %get3A_839 : vector<1x16xi32> to vector<16xi32>
        %shift_left3A_841 = arith.constant 16 : i32
        %shift_left3A_842 = vector.broadcast %shift_left3A_841 : i32 to vector<16xi32>
        %shift_left3A_843 = arith.shli %get3A_840, %shift_left3A_842 : vector<16xi32>
        %bitcast_convert_type3A_844 = tpu.bitcast %shift_left3A_843 : vector<16xi32> -> vector<16xf32>
        %add3A_845 = arith.addf %add3A_789, %bitcast_convert_type3A_844 : vector<16xf32>
        %and3A_846 = arith.andi %get3A_840, %broadcast_in_dim3A_5 : vector<16xi32>
        %bitcast_convert_type3A_847 = tpu.bitcast %and3A_846 : vector<16xi32> -> vector<16xf32>
        %add3A_848 = arith.addf %add3A_792, %bitcast_convert_type3A_847 : vector<16xf32>
        %add3A_849 = arith.constant 10 : i32
        %add3A_850 = arith.addi %mul3A_264, %add3A_849 : i32
        %get3A_851 = arith.index_cast %add3A_850 : i32 to index
        %get3A_852 = arith.constant 32 : index
        %get3A_853 = tpu.vector_load %arg6[%get3A_851, %get3A_852] {strides = array<i32>} : memref<208x64xi32, #tpu.memory_space<vmem>>, vector<1x16xi32>,
        %get3A_854 = vector.shape_cast %get3A_853 : vector<1x16xi32> to vector<16xi32>
        %shift_left3A_855 = arith.constant 16 : i32
        %shift_left3A_856 = vector.broadcast %shift_left3A_855 : i32 to vector<16xi32>
        %shift_left3A_857 = arith.shli %get3A_854, %shift_left3A_856 : vector<16xi32>
        %bitcast_convert_type3A_858 = tpu.bitcast %shift_left3A_857 : vector<16xi32> -> vector<16xf32>
        %add3A_859 = arith.addf %add3A_803, %bitcast_convert_type3A_858 : vector<16xf32>
        %and3A_860 = arith.andi %get3A_854, %broadcast_in_dim3A_5 : vector<16xi32>
        %bitcast_convert_type3A_861 = tpu.bitcast %and3A_860 : vector<16xi32> -> vector<16xf32>
        %add3A_862 = arith.addf %add3A_806, %bitcast_convert_type3A_861 : vector<16xf32>
        %add3A_863 = arith.constant 10 : i32
        %add3A_864 = arith.addi %mul3A_264, %add3A_863 : i32
        %get3A_865 = arith.index_cast %add3A_864 : i32 to index
        %get3A_866 = arith.constant 48 : index
        %get3A_867 = tpu.vector_load %arg6[%get3A_865, %get3A_866] {strides = array<i32>} : memref<208x64xi32, #tpu.memory_space<vmem>>, vector<1x16xi32>,
        %get3A_868 = vector.shape_cast %get3A_867 : vector<1x16xi32> to vector<16xi32>
        %shift_left3A_869 = arith.constant 16 : i32
        %shift_left3A_870 = vector.broadcast %shift_left3A_869 : i32 to vector<16xi32>
        %shift_left3A_871 = arith.shli %get3A_868, %shift_left3A_870 : vector<16xi32>
        %bitcast_convert_type3A_872 = tpu.bitcast %shift_left3A_871 : vector<16xi32> -> vector<16xf32>
        %add3A_873 = arith.addf %add3A_817, %bitcast_convert_type3A_872 : vector<16xf32>
        %and3A_874 = arith.andi %get3A_868, %broadcast_in_dim3A_5 : vector<16xi32>
        %bitcast_convert_type3A_875 = tpu.bitcast %and3A_874 : vector<16xi32> -> vector<16xf32>
        %add3A_876 = arith.addf %add3A_820, %bitcast_convert_type3A_875 : vector<16xf32>
        %add3A_877 = arith.constant 11 : i32
        %add3A_878 = arith.addi %mul3A_264, %add3A_877 : i32
        %get3A_879 = arith.index_cast %add3A_878 : i32 to index
        %get3A_880 = arith.constant 0 : index
        %get3A_881 = tpu.vector_load %arg6[%get3A_879, %get3A_880] {strides = array<i32>} : memref<208x64xi32, #tpu.memory_space<vmem>>, vector<1x16xi32>,
        %get3A_882 = vector.shape_cast %get3A_881 : vector<1x16xi32> to vector<16xi32>
        %shift_left3A_883 = arith.constant 16 : i32
        %shift_left3A_884 = vector.broadcast %shift_left3A_883 : i32 to vector<16xi32>
        %shift_left3A_885 = arith.shli %get3A_882, %shift_left3A_884 : vector<16xi32>
        %bitcast_convert_type3A_886 = tpu.bitcast %shift_left3A_885 : vector<16xi32> -> vector<16xf32>
        %add3A_887 = arith.addf %add3A_831, %bitcast_convert_type3A_886 : vector<16xf32>
        %and3A_888 = arith.andi %get3A_882, %broadcast_in_dim3A_5 : vector<16xi32>
        %bitcast_convert_type3A_889 = tpu.bitcast %and3A_888 : vector<16xi32> -> vector<16xf32>
        %add3A_890 = arith.addf %add3A_834, %bitcast_convert_type3A_889 : vector<16xf32>
        %add3A_891 = arith.constant 11 : i32
        %add3A_892 = arith.addi %mul3A_264, %add3A_891 : i32
        %get3A_893 = arith.index_cast %add3A_892 : i32 to index
        %get3A_894 = arith.constant 16 : index
        %get3A_895 = tpu.vector_load %arg6[%get3A_893, %get3A_894] {strides = array<i32>} : memref<208x64xi32, #tpu.memory_space<vmem>>, vector<1x16xi32>,
        %get3A_896 = vector.shape_cast %get3A_895 : vector<1x16xi32> to vector<16xi32>
        %shift_left3A_897 = arith.constant 16 : i32
        %shift_left3A_898 = vector.broadcast %shift_left3A_897 : i32 to vector<16xi32>
        %shift_left3A_899 = arith.shli %get3A_896, %shift_left3A_898 : vector<16xi32>
        %bitcast_convert_type3A_900 = tpu.bitcast %shift_left3A_899 : vector<16xi32> -> vector<16xf32>
        %add3A_901 = arith.addf %add3A_845, %bitcast_convert_type3A_900 : vector<16xf32>
        %and3A_902 = arith.andi %get3A_896, %broadcast_in_dim3A_5 : vector<16xi32>
        %bitcast_convert_type3A_903 = tpu.bitcast %and3A_902 : vector<16xi32> -> vector<16xf32>
        %add3A_904 = arith.addf %add3A_848, %bitcast_convert_type3A_903 : vector<16xf32>
        %add3A_905 = arith.constant 11 : i32
        %add3A_906 = arith.addi %mul3A_264, %add3A_905 : i32
        %get3A_907 = arith.index_cast %add3A_906 : i32 to index
        %get3A_908 = arith.constant 32 : index
        %get3A_909 = tpu.vector_load %arg6[%get3A_907, %get3A_908] {strides = array<i32>} : memref<208x64xi32, #tpu.memory_space<vmem>>, vector<1x16xi32>,
        %get3A_910 = vector.shape_cast %get3A_909 : vector<1x16xi32> to vector<16xi32>
        %shift_left3A_911 = arith.constant 16 : i32
        %shift_left3A_912 = vector.broadcast %shift_left3A_911 : i32 to vector<16xi32>
        %shift_left3A_913 = arith.shli %get3A_910, %shift_left3A_912 : vector<16xi32>
        %bitcast_convert_type3A_914 = tpu.bitcast %shift_left3A_913 : vector<16xi32> -> vector<16xf32>
        %add3A_915 = arith.addf %add3A_859, %bitcast_convert_type3A_914 : vector<16xf32>
        %and3A_916 = arith.andi %get3A_910, %broadcast_in_dim3A_5 : vector<16xi32>
        %bitcast_convert_type3A_917 = tpu.bitcast %and3A_916 : vector<16xi32> -> vector<16xf32>
        %add3A_918 = arith.addf %add3A_862, %bitcast_convert_type3A_917 : vector<16xf32>
        %add3A_919 = arith.constant 11 : i32
        %add3A_920 = arith.addi %mul3A_264, %add3A_919 : i32
        %get3A_921 = arith.index_cast %add3A_920 : i32 to index
        %get3A_922 = arith.constant 48 : index
        %get3A_923 = tpu.vector_load %arg6[%get3A_921, %get3A_922] {strides = array<i32>} : memref<208x64xi32, #tpu.memory_space<vmem>>, vector<1x16xi32>,
        %get3A_924 = vector.shape_cast %get3A_923 : vector<1x16xi32> to vector<16xi32>
        %shift_left3A_925 = arith.constant 16 : i32
        %shift_left3A_926 = vector.broadcast %shift_left3A_925 : i32 to vector<16xi32>
        %shift_left3A_927 = arith.shli %get3A_924, %shift_left3A_926 : vector<16xi32>
        %bitcast_convert_type3A_928 = tpu.bitcast %shift_left3A_927 : vector<16xi32> -> vector<16xf32>
        %add3A_929 = arith.addf %add3A_873, %bitcast_convert_type3A_928 : vector<16xf32>
        %and3A_930 = arith.andi %get3A_924, %broadcast_in_dim3A_5 : vector<16xi32>
        %bitcast_convert_type3A_931 = tpu.bitcast %and3A_930 : vector<16xi32> -> vector<16xf32>
        %add3A_932 = arith.addf %add3A_876, %bitcast_convert_type3A_931 : vector<16xf32>
        %add3A_933 = arith.constant 12 : i32
        %add3A_934 = arith.addi %mul3A_264, %add3A_933 : i32
        %get3A_935 = arith.index_cast %add3A_934 : i32 to index
        %get3A_936 = arith.constant 0 : index
        %get3A_937 = tpu.vector_load %arg6[%get3A_935, %get3A_936] {strides = array<i32>} : memref<208x64xi32, #tpu.memory_space<vmem>>, vector<1x16xi32>,
        %get3A_938 = vector.shape_cast %get3A_937 : vector<1x16xi32> to vector<16xi32>
        %shift_left3A_939 = arith.constant 16 : i32
        %shift_left3A_940 = vector.broadcast %shift_left3A_939 : i32 to vector<16xi32>
        %shift_left3A_941 = arith.shli %get3A_938, %shift_left3A_940 : vector<16xi32>
        %bitcast_convert_type3A_942 = tpu.bitcast %shift_left3A_941 : vector<16xi32> -> vector<16xf32>
        %add3A_943 = arith.addf %add3A_887, %bitcast_convert_type3A_942 : vector<16xf32>
        %and3A_944 = arith.andi %get3A_938, %broadcast_in_dim3A_5 : vector<16xi32>
        %bitcast_convert_type3A_945 = tpu.bitcast %and3A_944 : vector<16xi32> -> vector<16xf32>
        %add3A_946 = arith.addf %add3A_890, %bitcast_convert_type3A_945 : vector<16xf32>
        %add3A_947 = arith.constant 12 : i32
        %add3A_948 = arith.addi %mul3A_264, %add3A_947 : i32
        %get3A_949 = arith.index_cast %add3A_948 : i32 to index
        %get3A_950 = arith.constant 16 : index
        %get3A_951 = tpu.vector_load %arg6[%get3A_949, %get3A_950] {strides = array<i32>} : memref<208x64xi32, #tpu.memory_space<vmem>>, vector<1x16xi32>,
        %get3A_952 = vector.shape_cast %get3A_951 : vector<1x16xi32> to vector<16xi32>
        %shift_left3A_953 = arith.constant 16 : i32
        %shift_left3A_954 = vector.broadcast %shift_left3A_953 : i32 to vector<16xi32>
        %shift_left3A_955 = arith.shli %get3A_952, %shift_left3A_954 : vector<16xi32>
        %bitcast_convert_type3A_956 = tpu.bitcast %shift_left3A_955 : vector<16xi32> -> vector<16xf32>
        %add3A_957 = arith.addf %add3A_901, %bitcast_convert_type3A_956 : vector<16xf32>
        %and3A_958 = arith.andi %get3A_952, %broadcast_in_dim3A_5 : vector<16xi32>
        %bitcast_convert_type3A_959 = tpu.bitcast %and3A_958 : vector<16xi32> -> vector<16xf32>
        %add3A_960 = arith.addf %add3A_904, %bitcast_convert_type3A_959 : vector<16xf32>
        %add3A_961 = arith.constant 12 : i32
        %add3A_962 = arith.addi %mul3A_264, %add3A_961 : i32
        %get3A_963 = arith.index_cast %add3A_962 : i32 to index
        %get3A_964 = arith.constant 32 : index
        %get3A_965 = tpu.vector_load %arg6[%get3A_963, %get3A_964] {strides = array<i32>} : memref<208x64xi32, #tpu.memory_space<vmem>>, vector<1x16xi32>,
        %get3A_966 = vector.shape_cast %get3A_965 : vector<1x16xi32> to vector<16xi32>
        %shift_left3A_967 = arith.constant 16 : i32
        %shift_left3A_968 = vector.broadcast %shift_left3A_967 : i32 to vector<16xi32>
        %shift_left3A_969 = arith.shli %get3A_966, %shift_left3A_968 : vector<16xi32>
        %bitcast_convert_type3A_970 = tpu.bitcast %shift_left3A_969 : vector<16xi32> -> vector<16xf32>
        %add3A_971 = arith.addf %add3A_915, %bitcast_convert_type3A_970 : vector<16xf32>
        %and3A_972 = arith.andi %get3A_966, %broadcast_in_dim3A_5 : vector<16xi32>
        %bitcast_convert_type3A_973 = tpu.bitcast %and3A_972 : vector<16xi32> -> vector<16xf32>
        %add3A_974 = arith.addf %add3A_918, %bitcast_convert_type3A_973 : vector<16xf32>
        %add3A_975 = arith.constant 12 : i32
        %add3A_976 = arith.addi %mul3A_264, %add3A_975 : i32
        %get3A_977 = arith.index_cast %add3A_976 : i32 to index
        %get3A_978 = arith.constant 48 : index
        %get3A_979 = tpu.vector_load %arg6[%get3A_977, %get3A_978] {strides = array<i32>} : memref<208x64xi32, #tpu.memory_space<vmem>>, vector<1x16xi32>,
        %get3A_980 = vector.shape_cast %get3A_979 : vector<1x16xi32> to vector<16xi32>
        %shift_left3A_981 = arith.constant 16 : i32
        %shift_left3A_982 = vector.broadcast %shift_left3A_981 : i32 to vector<16xi32>
        %shift_left3A_983 = arith.shli %get3A_980, %shift_left3A_982 : vector<16xi32>
        %bitcast_convert_type3A_984 = tpu.bitcast %shift_left3A_983 : vector<16xi32> -> vector<16xf32>
        %add3A_985 = arith.addf %add3A_929, %bitcast_convert_type3A_984 : vector<16xf32>
        %and3A_986 = arith.andi %get3A_980, %broadcast_in_dim3A_5 : vector<16xi32>
        %bitcast_convert_type3A_987 = tpu.bitcast %and3A_986 : vector<16xi32> -> vector<16xf32>
        %add3A_988 = arith.addf %add3A_932, %bitcast_convert_type3A_987 : vector<16xf32>
        %add3A_989 = arith.constant 13 : i32
        %add3A_990 = arith.addi %mul3A_264, %add3A_989 : i32
        %get3A_991 = arith.index_cast %add3A_990 : i32 to index
        %get3A_992 = arith.constant 0 : index
        %get3A_993 = tpu.vector_load %arg6[%get3A_991, %get3A_992] {strides = array<i32>} : memref<208x64xi32, #tpu.memory_space<vmem>>, vector<1x16xi32>,
        %get3A_994 = vector.shape_cast %get3A_993 : vector<1x16xi32> to vector<16xi32>
        %shift_left3A_995 = arith.constant 16 : i32
        %shift_left3A_996 = vector.broadcast %shift_left3A_995 : i32 to vector<16xi32>
        %shift_left3A_997 = arith.shli %get3A_994, %shift_left3A_996 : vector<16xi32>
        %bitcast_convert_type3A_998 = tpu.bitcast %shift_left3A_997 : vector<16xi32> -> vector<16xf32>
        %add3A_999 = arith.addf %add3A_943, %bitcast_convert_type3A_998 : vector<16xf32>
        %and3A_1000 = arith.andi %get3A_994, %broadcast_in_dim3A_5 : vector<16xi32>
        %bitcast_convert_type3A_1001 = tpu.bitcast %and3A_1000 : vector<16xi32> -> vector<16xf32>
        %add3A_1002 = arith.addf %add3A_946, %bitcast_convert_type3A_1001 : vector<16xf32>
        %add3A_1003 = arith.constant 13 : i32
        %add3A_1004 = arith.addi %mul3A_264, %add3A_1003 : i32
        %get3A_1005 = arith.index_cast %add3A_1004 : i32 to index
        %get3A_1006 = arith.constant 16 : index
        %get3A_1007 = tpu.vector_load %arg6[%get3A_1005, %get3A_1006] {strides = array<i32>} : memref<208x64xi32, #tpu.memory_space<vmem>>, vector<1x16xi32>,
        %get3A_1008 = vector.shape_cast %get3A_1007 : vector<1x16xi32> to vector<16xi32>
        %shift_left3A_1009 = arith.constant 16 : i32
        %shift_left3A_1010 = vector.broadcast %shift_left3A_1009 : i32 to vector<16xi32>
        %shift_left3A_1011 = arith.shli %get3A_1008, %shift_left3A_1010 : vector<16xi32>
        %bitcast_convert_type3A_1012 = tpu.bitcast %shift_left3A_1011 : vector<16xi32> -> vector<16xf32>
        %add3A_1013 = arith.addf %add3A_957, %bitcast_convert_type3A_1012 : vector<16xf32>
        %and3A_1014 = arith.andi %get3A_1008, %broadcast_in_dim3A_5 : vector<16xi32>
        %bitcast_convert_type3A_1015 = tpu.bitcast %and3A_1014 : vector<16xi32> -> vector<16xf32>
        %add3A_1016 = arith.addf %add3A_960, %bitcast_convert_type3A_1015 : vector<16xf32>
        %add3A_1017 = arith.constant 13 : i32
        %add3A_1018 = arith.addi %mul3A_264, %add3A_1017 : i32
        %get3A_1019 = arith.index_cast %add3A_1018 : i32 to index
        %get3A_1020 = arith.constant 32 : index
        %get3A_1021 = tpu.vector_load %arg6[%get3A_1019, %get3A_1020] {strides = array<i32>} : memref<208x64xi32, #tpu.memory_space<vmem>>, vector<1x16xi32>,
        %get3A_1022 = vector.shape_cast %get3A_1021 : vector<1x16xi32> to vector<16xi32>
        %shift_left3A_1023 = arith.constant 16 : i32
        %shift_left3A_1024 = vector.broadcast %shift_left3A_1023 : i32 to vector<16xi32>
        %shift_left3A_1025 = arith.shli %get3A_1022, %shift_left3A_1024 : vector<16xi32>
        %bitcast_convert_type3A_1026 = tpu.bitcast %shift_left3A_1025 : vector<16xi32> -> vector<16xf32>
        %add3A_1027 = arith.addf %add3A_971, %bitcast_convert_type3A_1026 : vector<16xf32>
        %and3A_1028 = arith.andi %get3A_1022, %broadcast_in_dim3A_5 : vector<16xi32>
        %bitcast_convert_type3A_1029 = tpu.bitcast %and3A_1028 : vector<16xi32> -> vector<16xf32>
        %add3A_1030 = arith.addf %add3A_974, %bitcast_convert_type3A_1029 : vector<16xf32>
        %add3A_1031 = arith.constant 13 : i32
        %add3A_1032 = arith.addi %mul3A_264, %add3A_1031 : i32
        %get3A_1033 = arith.index_cast %add3A_1032 : i32 to index
        %get3A_1034 = arith.constant 48 : index
        %get3A_1035 = tpu.vector_load %arg6[%get3A_1033, %get3A_1034] {strides = array<i32>} : memref<208x64xi32, #tpu.memory_space<vmem>>, vector<1x16xi32>,
        %get3A_1036 = vector.shape_cast %get3A_1035 : vector<1x16xi32> to vector<16xi32>
        %shift_left3A_1037 = arith.constant 16 : i32
        %shift_left3A_1038 = vector.broadcast %shift_left3A_1037 : i32 to vector<16xi32>
        %shift_left3A_1039 = arith.shli %get3A_1036, %shift_left3A_1038 : vector<16xi32>
        %bitcast_convert_type3A_1040 = tpu.bitcast %shift_left3A_1039 : vector<16xi32> -> vector<16xf32>
        %add3A_1041 = arith.addf %add3A_985, %bitcast_convert_type3A_1040 : vector<16xf32>
        %and3A_1042 = arith.andi %get3A_1036, %broadcast_in_dim3A_5 : vector<16xi32>
        %bitcast_convert_type3A_1043 = tpu.bitcast %and3A_1042 : vector<16xi32> -> vector<16xf32>
        %add3A_1044 = arith.addf %add3A_988, %bitcast_convert_type3A_1043 : vector<16xf32>
        %add3A_1045 = arith.constant 14 : i32
        %add3A_1046 = arith.addi %mul3A_264, %add3A_1045 : i32
        %get3A_1047 = arith.index_cast %add3A_1046 : i32 to index
        %get3A_1048 = arith.constant 0 : index
        %get3A_1049 = tpu.vector_load %arg6[%get3A_1047, %get3A_1048] {strides = array<i32>} : memref<208x64xi32, #tpu.memory_space<vmem>>, vector<1x16xi32>,
        %get3A_1050 = vector.shape_cast %get3A_1049 : vector<1x16xi32> to vector<16xi32>
        %shift_left3A_1051 = arith.constant 16 : i32
        %shift_left3A_1052 = vector.broadcast %shift_left3A_1051 : i32 to vector<16xi32>
        %shift_left3A_1053 = arith.shli %get3A_1050, %shift_left3A_1052 : vector<16xi32>
        %bitcast_convert_type3A_1054 = tpu.bitcast %shift_left3A_1053 : vector<16xi32> -> vector<16xf32>
        %add3A_1055 = arith.addf %add3A_999, %bitcast_convert_type3A_1054 : vector<16xf32>
        %and3A_1056 = arith.andi %get3A_1050, %broadcast_in_dim3A_5 : vector<16xi32>
        %bitcast_convert_type3A_1057 = tpu.bitcast %and3A_1056 : vector<16xi32> -> vector<16xf32>
        %add3A_1058 = arith.addf %add3A_1002, %bitcast_convert_type3A_1057 : vector<16xf32>
        %add3A_1059 = arith.constant 14 : i32
        %add3A_1060 = arith.addi %mul3A_264, %add3A_1059 : i32
        %get3A_1061 = arith.index_cast %add3A_1060 : i32 to index
        %get3A_1062 = arith.constant 16 : index
        %get3A_1063 = tpu.vector_load %arg6[%get3A_1061, %get3A_1062] {strides = array<i32>} : memref<208x64xi32, #tpu.memory_space<vmem>>, vector<1x16xi32>,
        %get3A_1064 = vector.shape_cast %get3A_1063 : vector<1x16xi32> to vector<16xi32>
        %shift_left3A_1065 = arith.constant 16 : i32
        %shift_left3A_1066 = vector.broadcast %shift_left3A_1065 : i32 to vector<16xi32>
        %shift_left3A_1067 = arith.shli %get3A_1064, %shift_left3A_1066 : vector<16xi32>
        %bitcast_convert_type3A_1068 = tpu.bitcast %shift_left3A_1067 : vector<16xi32> -> vector<16xf32>
        %add3A_1069 = arith.addf %add3A_1013, %bitcast_convert_type3A_1068 : vector<16xf32>
        %and3A_1070 = arith.andi %get3A_1064, %broadcast_in_dim3A_5 : vector<16xi32>
        %bitcast_convert_type3A_1071 = tpu.bitcast %and3A_1070 : vector<16xi32> -> vector<16xf32>
        %add3A_1072 = arith.addf %add3A_1016, %bitcast_convert_type3A_1071 : vector<16xf32>
        %add3A_1073 = arith.constant 14 : i32
        %add3A_1074 = arith.addi %mul3A_264, %add3A_1073 : i32
        %get3A_1075 = arith.index_cast %add3A_1074 : i32 to index
        %get3A_1076 = arith.constant 32 : index
        %get3A_1077 = tpu.vector_load %arg6[%get3A_1075, %get3A_1076] {strides = array<i32>} : memref<208x64xi32, #tpu.memory_space<vmem>>, vector<1x16xi32>,
        %get3A_1078 = vector.shape_cast %get3A_1077 : vector<1x16xi32> to vector<16xi32>
        %shift_left3A_1079 = arith.constant 16 : i32
        %shift_left3A_1080 = vector.broadcast %shift_left3A_1079 : i32 to vector<16xi32>
        %shift_left3A_1081 = arith.shli %get3A_1078, %shift_left3A_1080 : vector<16xi32>
        %bitcast_convert_type3A_1082 = tpu.bitcast %shift_left3A_1081 : vector<16xi32> -> vector<16xf32>
        %add3A_1083 = arith.addf %add3A_1027, %bitcast_convert_type3A_1082 : vector<16xf32>
        %and3A_1084 = arith.andi %get3A_1078, %broadcast_in_dim3A_5 : vector<16xi32>
        %bitcast_convert_type3A_1085 = tpu.bitcast %and3A_1084 : vector<16xi32> -> vector<16xf32>
        %add3A_1086 = arith.addf %add3A_1030, %bitcast_convert_type3A_1085 : vector<16xf32>
        %add3A_1087 = arith.constant 14 : i32
        %add3A_1088 = arith.addi %mul3A_264, %add3A_1087 : i32
        %get3A_1089 = arith.index_cast %add3A_1088 : i32 to index
        %get3A_1090 = arith.constant 48 : index
        %get3A_1091 = tpu.vector_load %arg6[%get3A_1089, %get3A_1090] {strides = array<i32>} : memref<208x64xi32, #tpu.memory_space<vmem>>, vector<1x16xi32>,
        %get3A_1092 = vector.shape_cast %get3A_1091 : vector<1x16xi32> to vector<16xi32>
        %shift_left3A_1093 = arith.constant 16 : i32
        %shift_left3A_1094 = vector.broadcast %shift_left3A_1093 : i32 to vector<16xi32>
        %shift_left3A_1095 = arith.shli %get3A_1092, %shift_left3A_1094 : vector<16xi32>
        %bitcast_convert_type3A_1096 = tpu.bitcast %shift_left3A_1095 : vector<16xi32> -> vector<16xf32>
        %add3A_1097 = arith.addf %add3A_1041, %bitcast_convert_type3A_1096 : vector<16xf32>
        %and3A_1098 = arith.andi %get3A_1092, %broadcast_in_dim3A_5 : vector<16xi32>
        %bitcast_convert_type3A_1099 = tpu.bitcast %and3A_1098 : vector<16xi32> -> vector<16xf32>
        %add3A_1100 = arith.addf %add3A_1044, %bitcast_convert_type3A_1099 : vector<16xf32>
        %add3A_1101 = arith.constant 15 : i32
        %add3A_1102 = arith.addi %mul3A_264, %add3A_1101 : i32
        %get3A_1103 = arith.index_cast %add3A_1102 : i32 to index
        %get3A_1104 = arith.constant 0 : index
        %get3A_1105 = tpu.vector_load %arg6[%get3A_1103, %get3A_1104] {strides = array<i32>} : memref<208x64xi32, #tpu.memory_space<vmem>>, vector<1x16xi32>,
        %get3A_1106 = vector.shape_cast %get3A_1105 : vector<1x16xi32> to vector<16xi32>
        %shift_left3A_1107 = arith.constant 16 : i32
        %shift_left3A_1108 = vector.broadcast %shift_left3A_1107 : i32 to vector<16xi32>
        %shift_left3A_1109 = arith.shli %get3A_1106, %shift_left3A_1108 : vector<16xi32>
        %bitcast_convert_type3A_1110 = tpu.bitcast %shift_left3A_1109 : vector<16xi32> -> vector<16xf32>
        %add3A_1111 = arith.addf %add3A_1055, %bitcast_convert_type3A_1110 : vector<16xf32>
        %and3A_1112 = arith.andi %get3A_1106, %broadcast_in_dim3A_5 : vector<16xi32>
        %bitcast_convert_type3A_1113 = tpu.bitcast %and3A_1112 : vector<16xi32> -> vector<16xf32>
        %add3A_1114 = arith.addf %add3A_1058, %bitcast_convert_type3A_1113 : vector<16xf32>
        %add3A_1115 = arith.constant 15 : i32
        %add3A_1116 = arith.addi %mul3A_264, %add3A_1115 : i32
        %get3A_1117 = arith.index_cast %add3A_1116 : i32 to index
        %get3A_1118 = arith.constant 16 : index
        %get3A_1119 = tpu.vector_load %arg6[%get3A_1117, %get3A_1118] {strides = array<i32>} : memref<208x64xi32, #tpu.memory_space<vmem>>, vector<1x16xi32>,
        %get3A_1120 = vector.shape_cast %get3A_1119 : vector<1x16xi32> to vector<16xi32>
        %shift_left3A_1121 = arith.constant 16 : i32
        %shift_left3A_1122 = vector.broadcast %shift_left3A_1121 : i32 to vector<16xi32>
        %shift_left3A_1123 = arith.shli %get3A_1120, %shift_left3A_1122 : vector<16xi32>
        %bitcast_convert_type3A_1124 = tpu.bitcast %shift_left3A_1123 : vector<16xi32> -> vector<16xf32>
        %add3A_1125 = arith.addf %add3A_1069, %bitcast_convert_type3A_1124 : vector<16xf32>
        %and3A_1126 = arith.andi %get3A_1120, %broadcast_in_dim3A_5 : vector<16xi32>
        %bitcast_convert_type3A_1127 = tpu.bitcast %and3A_1126 : vector<16xi32> -> vector<16xf32>
        %add3A_1128 = arith.addf %add3A_1072, %bitcast_convert_type3A_1127 : vector<16xf32>
        %add3A_1129 = arith.constant 15 : i32
        %add3A_1130 = arith.addi %mul3A_264, %add3A_1129 : i32
        %get3A_1131 = arith.index_cast %add3A_1130 : i32 to index
        %get3A_1132 = arith.constant 32 : index
        %get3A_1133 = tpu.vector_load %arg6[%get3A_1131, %get3A_1132] {strides = array<i32>} : memref<208x64xi32, #tpu.memory_space<vmem>>, vector<1x16xi32>,
        %get3A_1134 = vector.shape_cast %get3A_1133 : vector<1x16xi32> to vector<16xi32>
        %shift_left3A_1135 = arith.constant 16 : i32
        %shift_left3A_1136 = vector.broadcast %shift_left3A_1135 : i32 to vector<16xi32>
        %shift_left3A_1137 = arith.shli %get3A_1134, %shift_left3A_1136 : vector<16xi32>
        %bitcast_convert_type3A_1138 = tpu.bitcast %shift_left3A_1137 : vector<16xi32> -> vector<16xf32>
        %add3A_1139 = arith.addf %add3A_1083, %bitcast_convert_type3A_1138 : vector<16xf32>
        %and3A_1140 = arith.andi %get3A_1134, %broadcast_in_dim3A_5 : vector<16xi32>
        %bitcast_convert_type3A_1141 = tpu.bitcast %and3A_1140 : vector<16xi32> -> vector<16xf32>
        %add3A_1142 = arith.addf %add3A_1086, %bitcast_convert_type3A_1141 : vector<16xf32>
        %add3A_1143 = arith.constant 15 : i32
        %add3A_1144 = arith.addi %mul3A_264, %add3A_1143 : i32
        %get3A_1145 = arith.index_cast %add3A_1144 : i32 to index
        %get3A_1146 = arith.constant 48 : index
        %get3A_1147 = tpu.vector_load %arg6[%get3A_1145, %get3A_1146] {strides = array<i32>} : memref<208x64xi32, #tpu.memory_space<vmem>>, vector<1x16xi32>,
        %get3A_1148 = vector.shape_cast %get3A_1147 : vector<1x16xi32> to vector<16xi32>
        %shift_left3A_1149 = arith.constant 16 : i32
        %shift_left3A_1150 = vector.broadcast %shift_left3A_1149 : i32 to vector<16xi32>
        %shift_left3A_1151 = arith.shli %get3A_1148, %shift_left3A_1150 : vector<16xi32>
        %bitcast_convert_type3A_1152 = tpu.bitcast %shift_left3A_1151 : vector<16xi32> -> vector<16xf32>
        %add3A_1153 = arith.addf %add3A_1097, %bitcast_convert_type3A_1152 : vector<16xf32>
        %and3A_1154 = arith.andi %get3A_1148, %broadcast_in_dim3A_5 : vector<16xi32>
        %bitcast_convert_type3A_1155 = tpu.bitcast %and3A_1154 : vector<16xi32> -> vector<16xf32>
        %add3A_1156 = arith.addf %add3A_1100, %bitcast_convert_type3A_1155 : vector<16xf32>
        scf.yield %add3A_1111, %add3A_1114, %add3A_1125, %add3A_1128, %add3A_1139, %add3A_1142, %add3A_1153, %add3A_1156 : vector<16xf32>, vector<16xf32>, vector<16xf32>, vector<16xf32>, vector<16xf32>, vector<16xf32>, vector<16xf32>, vector<16xf32>
      }
      %scan3A_109 = arith.constant 13 : i32
      %swap3A = arith.index_cast %mul3A_43 : i32 to index
      %swap3A_110 = arith.constant 0 : index
      %swap3A_111 = tpu.vector_load %arg8[%swap3A, %swap3A_110] {strides = array<i32>} : memref<128x128xf32, #tpu.memory_space<vmem>>, vector<1x16xf32>,
      %swap3A_112 = vector.shape_cast %swap3A_111 : vector<1x16xf32> to vector<16xf32>
      %swap3A_113 = vector.shape_cast %scan3A_108#0 : vector<16xf32> to vector<1x16xf32>
      tpu.vector_store %arg8[%swap3A, %swap3A_110], %swap3A_113 {strides = array<i32>} : memref<128x128xf32, #tpu.memory_space<vmem>>, vector<1x16xf32>,
      %swap3A_114 = arith.index_cast %mul3A_43 : i32 to index
      %swap3A_115 = arith.constant 16 : index
      %swap3A_116 = tpu.vector_load %arg8[%swap3A_114, %swap3A_115] {strides = array<i32>} : memref<128x128xf32, #tpu.memory_space<vmem>>, vector<1x16xf32>,
      %swap3A_117 = vector.shape_cast %swap3A_116 : vector<1x16xf32> to vector<16xf32>
      %swap3A_118 = vector.shape_cast %scan3A_108#1 : vector<16xf32> to vector<1x16xf32>
      tpu.vector_store %arg8[%swap3A_114, %swap3A_115], %swap3A_118 {strides = array<i32>} : memref<128x128xf32, #tpu.memory_space<vmem>>, vector<1x16xf32>,
      %swap3A_119 = arith.index_cast %mul3A_43 : i32 to index
      %swap3A_120 = arith.constant 32 : index
      %swap3A_121 = tpu.vector_load %arg8[%swap3A_119, %swap3A_120] {strides = array<i32>} : memref<128x128xf32, #tpu.memory_space<vmem>>, vector<1x16xf32>,
      %swap3A_122 = vector.shape_cast %swap3A_121 : vector<1x16xf32> to vector<16xf32>
      %swap3A_123 = vector.shape_cast %scan3A_108#2 : vector<16xf32> to vector<1x16xf32>
      tpu.vector_store %arg8[%swap3A_119, %swap3A_120], %swap3A_123 {strides = array<i32>} : memref<128x128xf32, #tpu.memory_space<vmem>>, vector<1x16xf32>,
      %swap3A_124 = arith.index_cast %mul3A_43 : i32 to index
      %swap3A_125 = arith.constant 48 : index
      %swap3A_126 = tpu.vector_load %arg8[%swap3A_124, %swap3A_125] {strides = array<i32>} : memref<128x128xf32, #tpu.memory_space<vmem>>, vector<1x16xf32>,
      %swap3A_127 = vector.shape_cast %swap3A_126 : vector<1x16xf32> to vector<16xf32>
      %swap3A_128 = vector.shape_cast %scan3A_108#3 : vector<16xf32> to vector<1x16xf32>
      tpu.vector_store %arg8[%swap3A_124, %swap3A_125], %swap3A_128 {strides = array<i32>} : memref<128x128xf32, #tpu.memory_space<vmem>>, vector<1x16xf32>,
      %swap3A_129 = arith.index_cast %mul3A_43 : i32 to index
      %swap3A_130 = arith.constant 64 : index
      %swap3A_131 = tpu.vector_load %arg8[%swap3A_129, %swap3A_130] {strides = array<i32>} : memref<128x128xf32, #tpu.memory_space<vmem>>, vector<1x16xf32>,
      %swap3A_132 = vector.shape_cast %swap3A_131 : vector<1x16xf32> to vector<16xf32>
      %swap3A_133 = vector.shape_cast %scan3A_108#4 : vector<16xf32> to vector<1x16xf32>
      tpu.vector_store %arg8[%swap3A_129, %swap3A_130], %swap3A_133 {strides = array<i32>} : memref<128x128xf32, #tpu.memory_space<vmem>>, vector<1x16xf32>,
      %swap3A_134 = arith.index_cast %mul3A_43 : i32 to index
      %swap3A_135 = arith.constant 80 : index
      %swap3A_136 = tpu.vector_load %arg8[%swap3A_134, %swap3A_135] {strides = array<i32>} : memref<128x128xf32, #tpu.memory_space<vmem>>, vector<1x16xf32>,
      %swap3A_137 = vector.shape_cast %swap3A_136 : vector<1x16xf32> to vector<16xf32>
      %swap3A_138 = vector.shape_cast %scan3A_108#5 : vector<16xf32> to vector<1x16xf32>
      tpu.vector_store %arg8[%swap3A_134, %swap3A_135], %swap3A_138 {strides = array<i32>} : memref<128x128xf32, #tpu.memory_space<vmem>>, vector<1x16xf32>,
      %swap3A_139 = arith.index_cast %mul3A_43 : i32 to index
      %swap3A_140 = arith.constant 96 : index
      %swap3A_141 = tpu.vector_load %arg8[%swap3A_139, %swap3A_140] {strides = array<i32>} : memref<128x128xf32, #tpu.memory_space<vmem>>, vector<1x16xf32>,
      %swap3A_142 = vector.shape_cast %swap3A_141 : vector<1x16xf32> to vector<16xf32>
      %swap3A_143 = vector.shape_cast %scan3A_108#6 : vector<16xf32> to vector<1x16xf32>
      tpu.vector_store %arg8[%swap3A_139, %swap3A_140], %swap3A_143 {strides = array<i32>} : memref<128x128xf32, #tpu.memory_space<vmem>>, vector<1x16xf32>,
      %swap3A_144 = arith.index_cast %mul3A_43 : i32 to index
      %swap3A_145 = arith.constant 112 : index
      %swap3A_146 = tpu.vector_load %arg8[%swap3A_144, %swap3A_145] {strides = array<i32>} : memref<128x128xf32, #tpu.memory_space<vmem>>, vector<1x16xf32>,
      %swap3A_147 = vector.shape_cast %swap3A_146 : vector<1x16xf32> to vector<16xf32>
      %swap3A_148 = vector.shape_cast %scan3A_108#7 : vector<16xf32> to vector<1x16xf32>
      tpu.vector_store %arg8[%swap3A_144, %swap3A_145], %swap3A_148 {strides = array<i32>} : memref<128x128xf32, #tpu.memory_space<vmem>>, vector<1x16xf32>,
      %add3A_149 = arith.constant 2 : i32
      %add3A_150 = arith.addi %mul3A_43, %add3A_149 : i32
      %rem3A = arith.constant 128 : i32
      %rem3A_151 = arith.remsi %add3A_150, %rem3A : i32
      %mul3A_152 = arith.constant 208 : i32
      %mul3A_153 = arith.muli %rem3A_151, %mul3A_152 : i32
      %dma_start3A_154 = arith.constant 0 : i32
      %dma_start3A_155 = arith.constant 0 : i32
      %dma_start3A_156 = tpu.memref_slice %arg6[%dma_start3A_154, %dma_start3A_155] : memref<208x64xi32, #tpu.memory_space<vmem>> -> memref<112x64xi32, #tpu.memory_space<vmem>>
      %dma_start3A_157 = tpu.memref_slice %arg5[%mul3A_153] : memref<26624xi32, #tpu.memory_space<vmem>> -> memref<112xi32, #tpu.memory_space<vmem>>
      %dma_start3A_158 = arith.constant 0 : i32
      %dma_start3A_159 = arith.constant 0 : i32
      %dma_start3A_160 = tpu.memref_slice %arg2[%dma_start3A_158, %dma_start3A_159] : memref<132768x64xi32, #tpu.memory_space<hbm>> -> memref<132768x64xi32, #tpu.memory_space<hbm>>
      tpu.enqueue_indirect_dma source(%dma_start3A_160 : memref<132768x64xi32, #tpu.memory_space<hbm>>) target(%dma_start3A_156 : memref<112x64xi32, #tpu.memory_space<vmem>>) offsets(%dma_start3A_157 : memref<112xi32, #tpu.memory_space<vmem>>) semaphore(%arg9 : memref<!tpu.dma_semaphore, #tpu.memory_space<semaphore_mem>>)
      %mul3A_161 = arith.constant 208 : i32
      %mul3A_162 = arith.muli %rem3A_151, %mul3A_161 : i32
      %add3A_163 = arith.constant 112 : i32
      %add3A_164 = arith.addi %mul3A_162, %add3A_163 : i32
      %dma_start3A_165 = arith.constant 112 : i32
      %dma_start3A_166 = arith.constant 0 : i32
      %dma_start3A_167 = tpu.memref_slice %arg6[%dma_start3A_165, %dma_start3A_166] : memref<208x64xi32, #tpu.memory_space<vmem>> -> memref<96x64xi32, #tpu.memory_space<vmem>>
      %dma_start3A_168 = tpu.memref_slice %arg5[%add3A_164] : memref<26624xi32, #tpu.memory_space<vmem>> -> memref<96xi32, #tpu.memory_space<vmem>>
      %dma_start3A_169 = arith.constant 0 : i32
      %dma_start3A_170 = arith.constant 0 : i32
      %dma_start3A_171 = tpu.memref_slice %arg2[%dma_start3A_169, %dma_start3A_170] : memref<132768x64xi32, #tpu.memory_space<hbm>> -> memref<132768x64xi32, #tpu.memory_space<hbm>>
      tpu.enqueue_indirect_dma source(%dma_start3A_171 : memref<132768x64xi32, #tpu.memory_space<hbm>>) target(%dma_start3A_167 : memref<96x64xi32, #tpu.memory_space<vmem>>) offsets(%dma_start3A_168 : memref<96xi32, #tpu.memory_space<vmem>>) semaphore(%arg9 : memref<!tpu.dma_semaphore, #tpu.memory_space<semaphore_mem>>)
      %mul3A_172 = arith.constant 208 : i32
      %mul3A_173 = arith.muli %add3A_47, %mul3A_172 : i32
      %dma_wait3A_174 = arith.constant 0 : i32
      %dma_wait3A_175 = arith.constant 0 : i32
      %dma_wait3A_176 = tpu.memref_slice %arg7[%dma_wait3A_174, %dma_wait3A_175] : memref<208x64xi32, #tpu.memory_space<vmem>> -> memref<112x64xi32, #tpu.memory_space<vmem>>
      %dma_wait3A_177 = tpu.memref_slice %arg5[%mul3A_173] : memref<26624xi32, #tpu.memory_space<vmem>> -> memref<112xi32, #tpu.memory_space<vmem>>
      %dma_wait3A_178 = arith.constant 0 : i32
      %dma_wait3A_179 = arith.constant 0 : i32
      %dma_wait3A_180 = tpu.memref_slice %arg2[%dma_wait3A_178, %dma_wait3A_179] : memref<132768x64xi32, #tpu.memory_space<hbm>> -> memref<132768x64xi32, #tpu.memory_space<hbm>>
      tpu.wait_indirect_dma semaphore(%arg10 : memref<!tpu.dma_semaphore, #tpu.memory_space<semaphore_mem>>) src(%dma_wait3A_180 : memref<132768x64xi32, #tpu.memory_space<hbm>>) dst(%dma_wait3A_176 : memref<112x64xi32, #tpu.memory_space<vmem>>)
      %mul3A_181 = arith.constant 208 : i32
      %mul3A_182 = arith.muli %add3A_47, %mul3A_181 : i32
      %add3A_183 = arith.constant 112 : i32
      %add3A_184 = arith.addi %mul3A_182, %add3A_183 : i32
      %dma_wait3A_185 = arith.constant 112 : i32
      %dma_wait3A_186 = arith.constant 0 : i32
      %dma_wait3A_187 = tpu.memref_slice %arg7[%dma_wait3A_185, %dma_wait3A_186] : memref<208x64xi32, #tpu.memory_space<vmem>> -> memref<96x64xi32, #tpu.memory_space<vmem>>
      %dma_wait3A_188 = tpu.memref_slice %arg5[%add3A_184] : memref<26624xi32, #tpu.memory_space<vmem>> -> memref<96xi32, #tpu.memory_space<vmem>>
      %dma_wait3A_189 = arith.constant 0 : i32
      %dma_wait3A_190 = arith.constant 0 : i32
      %dma_wait3A_191 = tpu.memref_slice %arg2[%dma_wait3A_189, %dma_wait3A_190] : memref<132768x64xi32, #tpu.memory_space<hbm>> -> memref<132768x64xi32, #tpu.memory_space<hbm>>
      tpu.wait_indirect_dma semaphore(%arg10 : memref<!tpu.dma_semaphore, #tpu.memory_space<semaphore_mem>>) src(%dma_wait3A_191 : memref<132768x64xi32, #tpu.memory_space<hbm>>) dst(%dma_wait3A_187 : memref<96x64xi32, #tpu.memory_space<vmem>>)
      %broadcast_in_dim3A_192 = arith.constant 0.000000e+00 : f32
      %broadcast_in_dim3A_193 = vector.broadcast %broadcast_in_dim3A_192 : f32 to vector<16xf32>
      %broadcast_in_dim3A_194 = arith.constant 0.000000e+00 : f32
      %broadcast_in_dim3A_195 = vector.broadcast %broadcast_in_dim3A_194 : f32 to vector<16xf32>
      %broadcast_in_dim3A_196 = arith.constant 0.000000e+00 : f32
      %broadcast_in_dim3A_197 = vector.broadcast %broadcast_in_dim3A_196 : f32 to vector<16xf32>
      %broadcast_in_dim3A_198 = arith.constant 0.000000e+00 : f32
      %broadcast_in_dim3A_199 = vector.broadcast %broadcast_in_dim3A_198 : f32 to vector<16xf32>
      %broadcast_in_dim3A_200 = arith.constant 0.000000e+00 : f32
      %broadcast_in_dim3A_201 = vector.broadcast %broadcast_in_dim3A_200 : f32 to vector<16xf32>
      %broadcast_in_dim3A_202 = arith.constant 0.000000e+00 : f32
      %broadcast_in_dim3A_203 = vector.broadcast %broadcast_in_dim3A_202 : f32 to vector<16xf32>
      %broadcast_in_dim3A_204 = arith.constant 0.000000e+00 : f32
      %broadcast_in_dim3A_205 = vector.broadcast %broadcast_in_dim3A_204 : f32 to vector<16xf32>
      %broadcast_in_dim3A_206 = arith.constant 0.000000e+00 : f32
      %broadcast_in_dim3A_207 = vector.broadcast %broadcast_in_dim3A_206 : f32 to vector<16xf32>
      %scan3A_208 = arith.constant 0 : i32
      %scan3A_209 = arith.constant 13 : i32
      %scan3A_210 = arith.addi %scan3A_208, %scan3A_209 : i32
      %scan3A_211 = arith.constant 1 : i32
      %scan3A_212:8 = scf.for %scan3A_254 = %scan3A_208 to %scan3A_210 step %scan3A_211 iter_args(%scan3A_255 = %broadcast_in_dim3A_193, %scan3A_256 = %broadcast_in_dim3A_195, %scan3A_257 = %broadcast_in_dim3A_197, %scan3A_258 = %broadcast_in_dim3A_199, %scan3A_259 = %broadcast_in_dim3A_201, %scan3A_260 = %broadcast_in_dim3A_203, %scan3A_261 = %broadcast_in_dim3A_205, %scan3A_262 = %broadcast_in_dim3A_207) -> (vector<16xf32>, vector<16xf32>, vector<16xf32>, vector<16xf32>, vector<16xf32>, vector<16xf32>, vector<16xf32>, vector<16xf32>)  : i32 {
        %mul3A_263 = arith.constant 16 : i32
        %mul3A_264 = arith.muli %scan3A_254, %mul3A_263 : i32
        %add3A_265 = arith.constant 0 : i32
        %add3A_266 = arith.addi %mul3A_264, %add3A_265 : i32
        %get3A = arith.index_cast %add3A_266 : i32 to index
        %get3A_267 = arith.constant 0 : index
        %get3A_268 = tpu.vector_load %arg7[%get3A, %get3A_267] {strides = array<i32>} : memref<208x64xi32, #tpu.memory_space<vmem>>, vector<1x16xi32>,
        %get3A_269 = vector.shape_cast %get3A_268 : vector<1x16xi32> to vector<16xi32>
        %shift_left3A = arith.constant 16 : i32
        %shift_left3A_270 = vector.broadcast %shift_left3A : i32 to vector<16xi32>
        %shift_left3A_271 = arith.shli %get3A_269, %shift_left3A_270 : vector<16xi32>
        %bitcast_convert_type3A = tpu.bitcast %shift_left3A_271 : vector<16xi32> -> vector<16xf32>
        %add3A_272 = arith.addf %scan3A_255, %bitcast_convert_type3A : vector<16xf32>
        %and3A = arith.andi %get3A_269, %broadcast_in_dim3A_5 : vector<16xi32>
        %bitcast_convert_type3A_273 = tpu.bitcast %and3A : vector<16xi32> -> vector<16xf32>
        %add3A_274 = arith.addf %scan3A_256, %bitcast_convert_type3A_273 : vector<16xf32>
        %add3A_275 = arith.constant 0 : i32
        %add3A_276 = arith.addi %mul3A_264, %add3A_275 : i32
        %get3A_277 = arith.index_cast %add3A_276 : i32 to index
        %get3A_278 = arith.constant 16 : index
        %get3A_279 = tpu.vector_load %arg7[%get3A_277, %get3A_278] {strides = array<i32>} : memref<208x64xi32, #tpu.memory_space<vmem>>, vector<1x16xi32>,
        %get3A_280 = vector.shape_cast %get3A_279 : vector<1x16xi32> to vector<16xi32>
        %shift_left3A_281 = arith.constant 16 : i32
        %shift_left3A_282 = vector.broadcast %shift_left3A_281 : i32 to vector<16xi32>
        %shift_left3A_283 = arith.shli %get3A_280, %shift_left3A_282 : vector<16xi32>
        %bitcast_convert_type3A_284 = tpu.bitcast %shift_left3A_283 : vector<16xi32> -> vector<16xf32>
        %add3A_285 = arith.addf %scan3A_257, %bitcast_convert_type3A_284 : vector<16xf32>
        %and3A_286 = arith.andi %get3A_280, %broadcast_in_dim3A_5 : vector<16xi32>
        %bitcast_convert_type3A_287 = tpu.bitcast %and3A_286 : vector<16xi32> -> vector<16xf32>
        %add3A_288 = arith.addf %scan3A_258, %bitcast_convert_type3A_287 : vector<16xf32>
        %add3A_289 = arith.constant 0 : i32
        %add3A_290 = arith.addi %mul3A_264, %add3A_289 : i32
        %get3A_291 = arith.index_cast %add3A_290 : i32 to index
        %get3A_292 = arith.constant 32 : index
        %get3A_293 = tpu.vector_load %arg7[%get3A_291, %get3A_292] {strides = array<i32>} : memref<208x64xi32, #tpu.memory_space<vmem>>, vector<1x16xi32>,
        %get3A_294 = vector.shape_cast %get3A_293 : vector<1x16xi32> to vector<16xi32>
        %shift_left3A_295 = arith.constant 16 : i32
        %shift_left3A_296 = vector.broadcast %shift_left3A_295 : i32 to vector<16xi32>
        %shift_left3A_297 = arith.shli %get3A_294, %shift_left3A_296 : vector<16xi32>
        %bitcast_convert_type3A_298 = tpu.bitcast %shift_left3A_297 : vector<16xi32> -> vector<16xf32>
        %add3A_299 = arith.addf %scan3A_259, %bitcast_convert_type3A_298 : vector<16xf32>
        %and3A_300 = arith.andi %get3A_294, %broadcast_in_dim3A_5 : vector<16xi32>
        %bitcast_convert_type3A_301 = tpu.bitcast %and3A_300 : vector<16xi32> -> vector<16xf32>
        %add3A_302 = arith.addf %scan3A_260, %bitcast_convert_type3A_301 : vector<16xf32>
        %add3A_303 = arith.constant 0 : i32
        %add3A_304 = arith.addi %mul3A_264, %add3A_303 : i32
        %get3A_305 = arith.index_cast %add3A_304 : i32 to index
        %get3A_306 = arith.constant 48 : index
        %get3A_307 = tpu.vector_load %arg7[%get3A_305, %get3A_306] {strides = array<i32>} : memref<208x64xi32, #tpu.memory_space<vmem>>, vector<1x16xi32>,
        %get3A_308 = vector.shape_cast %get3A_307 : vector<1x16xi32> to vector<16xi32>
        %shift_left3A_309 = arith.constant 16 : i32
        %shift_left3A_310 = vector.broadcast %shift_left3A_309 : i32 to vector<16xi32>
        %shift_left3A_311 = arith.shli %get3A_308, %shift_left3A_310 : vector<16xi32>
        %bitcast_convert_type3A_312 = tpu.bitcast %shift_left3A_311 : vector<16xi32> -> vector<16xf32>
        %add3A_313 = arith.addf %scan3A_261, %bitcast_convert_type3A_312 : vector<16xf32>
        %and3A_314 = arith.andi %get3A_308, %broadcast_in_dim3A_5 : vector<16xi32>
        %bitcast_convert_type3A_315 = tpu.bitcast %and3A_314 : vector<16xi32> -> vector<16xf32>
        %add3A_316 = arith.addf %scan3A_262, %bitcast_convert_type3A_315 : vector<16xf32>
        %add3A_317 = arith.constant 1 : i32
        %add3A_318 = arith.addi %mul3A_264, %add3A_317 : i32
        %get3A_319 = arith.index_cast %add3A_318 : i32 to index
        %get3A_320 = arith.constant 0 : index
        %get3A_321 = tpu.vector_load %arg7[%get3A_319, %get3A_320] {strides = array<i32>} : memref<208x64xi32, #tpu.memory_space<vmem>>, vector<1x16xi32>,
        %get3A_322 = vector.shape_cast %get3A_321 : vector<1x16xi32> to vector<16xi32>
        %shift_left3A_323 = arith.constant 16 : i32
        %shift_left3A_324 = vector.broadcast %shift_left3A_323 : i32 to vector<16xi32>
        %shift_left3A_325 = arith.shli %get3A_322, %shift_left3A_324 : vector<16xi32>
        %bitcast_convert_type3A_326 = tpu.bitcast %shift_left3A_325 : vector<16xi32> -> vector<16xf32>
        %add3A_327 = arith.addf %add3A_272, %bitcast_convert_type3A_326 : vector<16xf32>
        %and3A_328 = arith.andi %get3A_322, %broadcast_in_dim3A_5 : vector<16xi32>
        %bitcast_convert_type3A_329 = tpu.bitcast %and3A_328 : vector<16xi32> -> vector<16xf32>
        %add3A_330 = arith.addf %add3A_274, %bitcast_convert_type3A_329 : vector<16xf32>
        %add3A_331 = arith.constant 1 : i32
        %add3A_332 = arith.addi %mul3A_264, %add3A_331 : i32
        %get3A_333 = arith.index_cast %add3A_332 : i32 to index
        %get3A_334 = arith.constant 16 : index
        %get3A_335 = tpu.vector_load %arg7[%get3A_333, %get3A_334] {strides = array<i32>} : memref<208x64xi32, #tpu.memory_space<vmem>>, vector<1x16xi32>,
        %get3A_336 = vector.shape_cast %get3A_335 : vector<1x16xi32> to vector<16xi32>
        %shift_left3A_337 = arith.constant 16 : i32
        %shift_left3A_338 = vector.broadcast %shift_left3A_337 : i32 to vector<16xi32>
        %shift_left3A_339 = arith.shli %get3A_336, %shift_left3A_338 : vector<16xi32>
        %bitcast_convert_type3A_340 = tpu.bitcast %shift_left3A_339 : vector<16xi32> -> vector<16xf32>
        %add3A_341 = arith.addf %add3A_285, %bitcast_convert_type3A_340 : vector<16xf32>
        %and3A_342 = arith.andi %get3A_336, %broadcast_in_dim3A_5 : vector<16xi32>
        %bitcast_convert_type3A_343 = tpu.bitcast %and3A_342 : vector<16xi32> -> vector<16xf32>
        %add3A_344 = arith.addf %add3A_288, %bitcast_convert_type3A_343 : vector<16xf32>
        %add3A_345 = arith.constant 1 : i32
        %add3A_346 = arith.addi %mul3A_264, %add3A_345 : i32
        %get3A_347 = arith.index_cast %add3A_346 : i32 to index
        %get3A_348 = arith.constant 32 : index
        %get3A_349 = tpu.vector_load %arg7[%get3A_347, %get3A_348] {strides = array<i32>} : memref<208x64xi32, #tpu.memory_space<vmem>>, vector<1x16xi32>,
        %get3A_350 = vector.shape_cast %get3A_349 : vector<1x16xi32> to vector<16xi32>
        %shift_left3A_351 = arith.constant 16 : i32
        %shift_left3A_352 = vector.broadcast %shift_left3A_351 : i32 to vector<16xi32>
        %shift_left3A_353 = arith.shli %get3A_350, %shift_left3A_352 : vector<16xi32>
        %bitcast_convert_type3A_354 = tpu.bitcast %shift_left3A_353 : vector<16xi32> -> vector<16xf32>
        %add3A_355 = arith.addf %add3A_299, %bitcast_convert_type3A_354 : vector<16xf32>
        %and3A_356 = arith.andi %get3A_350, %broadcast_in_dim3A_5 : vector<16xi32>
        %bitcast_convert_type3A_357 = tpu.bitcast %and3A_356 : vector<16xi32> -> vector<16xf32>
        %add3A_358 = arith.addf %add3A_302, %bitcast_convert_type3A_357 : vector<16xf32>
        %add3A_359 = arith.constant 1 : i32
        %add3A_360 = arith.addi %mul3A_264, %add3A_359 : i32
        %get3A_361 = arith.index_cast %add3A_360 : i32 to index
        %get3A_362 = arith.constant 48 : index
        %get3A_363 = tpu.vector_load %arg7[%get3A_361, %get3A_362] {strides = array<i32>} : memref<208x64xi32, #tpu.memory_space<vmem>>, vector<1x16xi32>,
        %get3A_364 = vector.shape_cast %get3A_363 : vector<1x16xi32> to vector<16xi32>
        %shift_left3A_365 = arith.constant 16 : i32
        %shift_left3A_366 = vector.broadcast %shift_left3A_365 : i32 to vector<16xi32>
        %shift_left3A_367 = arith.shli %get3A_364, %shift_left3A_366 : vector<16xi32>
        %bitcast_convert_type3A_368 = tpu.bitcast %shift_left3A_367 : vector<16xi32> -> vector<16xf32>
        %add3A_369 = arith.addf %add3A_313, %bitcast_convert_type3A_368 : vector<16xf32>
        %and3A_370 = arith.andi %get3A_364, %broadcast_in_dim3A_5 : vector<16xi32>
        %bitcast_convert_type3A_371 = tpu.bitcast %and3A_370 : vector<16xi32> -> vector<16xf32>
        %add3A_372 = arith.addf %add3A_316, %bitcast_convert_type3A_371 : vector<16xf32>
        %add3A_373 = arith.constant 2 : i32
        %add3A_374 = arith.addi %mul3A_264, %add3A_373 : i32
        %get3A_375 = arith.index_cast %add3A_374 : i32 to index
        %get3A_376 = arith.constant 0 : index
        %get3A_377 = tpu.vector_load %arg7[%get3A_375, %get3A_376] {strides = array<i32>} : memref<208x64xi32, #tpu.memory_space<vmem>>, vector<1x16xi32>,
        %get3A_378 = vector.shape_cast %get3A_377 : vector<1x16xi32> to vector<16xi32>
        %shift_left3A_379 = arith.constant 16 : i32
        %shift_left3A_380 = vector.broadcast %shift_left3A_379 : i32 to vector<16xi32>
        %shift_left3A_381 = arith.shli %get3A_378, %shift_left3A_380 : vector<16xi32>
        %bitcast_convert_type3A_382 = tpu.bitcast %shift_left3A_381 : vector<16xi32> -> vector<16xf32>
        %add3A_383 = arith.addf %add3A_327, %bitcast_convert_type3A_382 : vector<16xf32>
        %and3A_384 = arith.andi %get3A_378, %broadcast_in_dim3A_5 : vector<16xi32>
        %bitcast_convert_type3A_385 = tpu.bitcast %and3A_384 : vector<16xi32> -> vector<16xf32>
        %add3A_386 = arith.addf %add3A_330, %bitcast_convert_type3A_385 : vector<16xf32>
        %add3A_387 = arith.constant 2 : i32
        %add3A_388 = arith.addi %mul3A_264, %add3A_387 : i32
        %get3A_389 = arith.index_cast %add3A_388 : i32 to index
        %get3A_390 = arith.constant 16 : index
        %get3A_391 = tpu.vector_load %arg7[%get3A_389, %get3A_390] {strides = array<i32>} : memref<208x64xi32, #tpu.memory_space<vmem>>, vector<1x16xi32>,
        %get3A_392 = vector.shape_cast %get3A_391 : vector<1x16xi32> to vector<16xi32>
        %shift_left3A_393 = arith.constant 16 : i32
        %shift_left3A_394 = vector.broadcast %shift_left3A_393 : i32 to vector<16xi32>
        %shift_left3A_395 = arith.shli %get3A_392, %shift_left3A_394 : vector<16xi32>
        %bitcast_convert_type3A_396 = tpu.bitcast %shift_left3A_395 : vector<16xi32> -> vector<16xf32>
        %add3A_397 = arith.addf %add3A_341, %bitcast_convert_type3A_396 : vector<16xf32>
        %and3A_398 = arith.andi %get3A_392, %broadcast_in_dim3A_5 : vector<16xi32>
        %bitcast_convert_type3A_399 = tpu.bitcast %and3A_398 : vector<16xi32> -> vector<16xf32>
        %add3A_400 = arith.addf %add3A_344, %bitcast_convert_type3A_399 : vector<16xf32>
        %add3A_401 = arith.constant 2 : i32
        %add3A_402 = arith.addi %mul3A_264, %add3A_401 : i32
        %get3A_403 = arith.index_cast %add3A_402 : i32 to index
        %get3A_404 = arith.constant 32 : index
        %get3A_405 = tpu.vector_load %arg7[%get3A_403, %get3A_404] {strides = array<i32>} : memref<208x64xi32, #tpu.memory_space<vmem>>, vector<1x16xi32>,
        %get3A_406 = vector.shape_cast %get3A_405 : vector<1x16xi32> to vector<16xi32>
        %shift_left3A_407 = arith.constant 16 : i32
        %shift_left3A_408 = vector.broadcast %shift_left3A_407 : i32 to vector<16xi32>
        %shift_left3A_409 = arith.shli %get3A_406, %shift_left3A_408 : vector<16xi32>
        %bitcast_convert_type3A_410 = tpu.bitcast %shift_left3A_409 : vector<16xi32> -> vector<16xf32>
        %add3A_411 = arith.addf %add3A_355, %bitcast_convert_type3A_410 : vector<16xf32>
        %and3A_412 = arith.andi %get3A_406, %broadcast_in_dim3A_5 : vector<16xi32>
        %bitcast_convert_type3A_413 = tpu.bitcast %and3A_412 : vector<16xi32> -> vector<16xf32>
        %add3A_414 = arith.addf %add3A_358, %bitcast_convert_type3A_413 : vector<16xf32>
        %add3A_415 = arith.constant 2 : i32
        %add3A_416 = arith.addi %mul3A_264, %add3A_415 : i32
        %get3A_417 = arith.index_cast %add3A_416 : i32 to index
        %get3A_418 = arith.constant 48 : index
        %get3A_419 = tpu.vector_load %arg7[%get3A_417, %get3A_418] {strides = array<i32>} : memref<208x64xi32, #tpu.memory_space<vmem>>, vector<1x16xi32>,
        %get3A_420 = vector.shape_cast %get3A_419 : vector<1x16xi32> to vector<16xi32>
        %shift_left3A_421 = arith.constant 16 : i32
        %shift_left3A_422 = vector.broadcast %shift_left3A_421 : i32 to vector<16xi32>
        %shift_left3A_423 = arith.shli %get3A_420, %shift_left3A_422 : vector<16xi32>
        %bitcast_convert_type3A_424 = tpu.bitcast %shift_left3A_423 : vector<16xi32> -> vector<16xf32>
        %add3A_425 = arith.addf %add3A_369, %bitcast_convert_type3A_424 : vector<16xf32>
        %and3A_426 = arith.andi %get3A_420, %broadcast_in_dim3A_5 : vector<16xi32>
        %bitcast_convert_type3A_427 = tpu.bitcast %and3A_426 : vector<16xi32> -> vector<16xf32>
        %add3A_428 = arith.addf %add3A_372, %bitcast_convert_type3A_427 : vector<16xf32>
        %add3A_429 = arith.constant 3 : i32
        %add3A_430 = arith.addi %mul3A_264, %add3A_429 : i32
        %get3A_431 = arith.index_cast %add3A_430 : i32 to index
        %get3A_432 = arith.constant 0 : index
        %get3A_433 = tpu.vector_load %arg7[%get3A_431, %get3A_432] {strides = array<i32>} : memref<208x64xi32, #tpu.memory_space<vmem>>, vector<1x16xi32>,
        %get3A_434 = vector.shape_cast %get3A_433 : vector<1x16xi32> to vector<16xi32>
        %shift_left3A_435 = arith.constant 16 : i32
        %shift_left3A_436 = vector.broadcast %shift_left3A_435 : i32 to vector<16xi32>
        %shift_left3A_437 = arith.shli %get3A_434, %shift_left3A_436 : vector<16xi32>
        %bitcast_convert_type3A_438 = tpu.bitcast %shift_left3A_437 : vector<16xi32> -> vector<16xf32>
        %add3A_439 = arith.addf %add3A_383, %bitcast_convert_type3A_438 : vector<16xf32>
        %and3A_440 = arith.andi %get3A_434, %broadcast_in_dim3A_5 : vector<16xi32>
        %bitcast_convert_type3A_441 = tpu.bitcast %and3A_440 : vector<16xi32> -> vector<16xf32>
        %add3A_442 = arith.addf %add3A_386, %bitcast_convert_type3A_441 : vector<16xf32>
        %add3A_443 = arith.constant 3 : i32
        %add3A_444 = arith.addi %mul3A_264, %add3A_443 : i32
        %get3A_445 = arith.index_cast %add3A_444 : i32 to index
        %get3A_446 = arith.constant 16 : index
        %get3A_447 = tpu.vector_load %arg7[%get3A_445, %get3A_446] {strides = array<i32>} : memref<208x64xi32, #tpu.memory_space<vmem>>, vector<1x16xi32>,
        %get3A_448 = vector.shape_cast %get3A_447 : vector<1x16xi32> to vector<16xi32>
        %shift_left3A_449 = arith.constant 16 : i32
        %shift_left3A_450 = vector.broadcast %shift_left3A_449 : i32 to vector<16xi32>
        %shift_left3A_451 = arith.shli %get3A_448, %shift_left3A_450 : vector<16xi32>
        %bitcast_convert_type3A_452 = tpu.bitcast %shift_left3A_451 : vector<16xi32> -> vector<16xf32>
        %add3A_453 = arith.addf %add3A_397, %bitcast_convert_type3A_452 : vector<16xf32>
        %and3A_454 = arith.andi %get3A_448, %broadcast_in_dim3A_5 : vector<16xi32>
        %bitcast_convert_type3A_455 = tpu.bitcast %and3A_454 : vector<16xi32> -> vector<16xf32>
        %add3A_456 = arith.addf %add3A_400, %bitcast_convert_type3A_455 : vector<16xf32>
        %add3A_457 = arith.constant 3 : i32
        %add3A_458 = arith.addi %mul3A_264, %add3A_457 : i32
        %get3A_459 = arith.index_cast %add3A_458 : i32 to index
        %get3A_460 = arith.constant 32 : index
        %get3A_461 = tpu.vector_load %arg7[%get3A_459, %get3A_460] {strides = array<i32>} : memref<208x64xi32, #tpu.memory_space<vmem>>, vector<1x16xi32>,
        %get3A_462 = vector.shape_cast %get3A_461 : vector<1x16xi32> to vector<16xi32>
        %shift_left3A_463 = arith.constant 16 : i32
        %shift_left3A_464 = vector.broadcast %shift_left3A_463 : i32 to vector<16xi32>
        %shift_left3A_465 = arith.shli %get3A_462, %shift_left3A_464 : vector<16xi32>
        %bitcast_convert_type3A_466 = tpu.bitcast %shift_left3A_465 : vector<16xi32> -> vector<16xf32>
        %add3A_467 = arith.addf %add3A_411, %bitcast_convert_type3A_466 : vector<16xf32>
        %and3A_468 = arith.andi %get3A_462, %broadcast_in_dim3A_5 : vector<16xi32>
        %bitcast_convert_type3A_469 = tpu.bitcast %and3A_468 : vector<16xi32> -> vector<16xf32>
        %add3A_470 = arith.addf %add3A_414, %bitcast_convert_type3A_469 : vector<16xf32>
        %add3A_471 = arith.constant 3 : i32
        %add3A_472 = arith.addi %mul3A_264, %add3A_471 : i32
        %get3A_473 = arith.index_cast %add3A_472 : i32 to index
        %get3A_474 = arith.constant 48 : index
        %get3A_475 = tpu.vector_load %arg7[%get3A_473, %get3A_474] {strides = array<i32>} : memref<208x64xi32, #tpu.memory_space<vmem>>, vector<1x16xi32>,
        %get3A_476 = vector.shape_cast %get3A_475 : vector<1x16xi32> to vector<16xi32>
        %shift_left3A_477 = arith.constant 16 : i32
        %shift_left3A_478 = vector.broadcast %shift_left3A_477 : i32 to vector<16xi32>
        %shift_left3A_479 = arith.shli %get3A_476, %shift_left3A_478 : vector<16xi32>
        %bitcast_convert_type3A_480 = tpu.bitcast %shift_left3A_479 : vector<16xi32> -> vector<16xf32>
        %add3A_481 = arith.addf %add3A_425, %bitcast_convert_type3A_480 : vector<16xf32>
        %and3A_482 = arith.andi %get3A_476, %broadcast_in_dim3A_5 : vector<16xi32>
        %bitcast_convert_type3A_483 = tpu.bitcast %and3A_482 : vector<16xi32> -> vector<16xf32>
        %add3A_484 = arith.addf %add3A_428, %bitcast_convert_type3A_483 : vector<16xf32>
        %add3A_485 = arith.constant 4 : i32
        %add3A_486 = arith.addi %mul3A_264, %add3A_485 : i32
        %get3A_487 = arith.index_cast %add3A_486 : i32 to index
        %get3A_488 = arith.constant 0 : index
        %get3A_489 = tpu.vector_load %arg7[%get3A_487, %get3A_488] {strides = array<i32>} : memref<208x64xi32, #tpu.memory_space<vmem>>, vector<1x16xi32>,
        %get3A_490 = vector.shape_cast %get3A_489 : vector<1x16xi32> to vector<16xi32>
        %shift_left3A_491 = arith.constant 16 : i32
        %shift_left3A_492 = vector.broadcast %shift_left3A_491 : i32 to vector<16xi32>
        %shift_left3A_493 = arith.shli %get3A_490, %shift_left3A_492 : vector<16xi32>
        %bitcast_convert_type3A_494 = tpu.bitcast %shift_left3A_493 : vector<16xi32> -> vector<16xf32>
        %add3A_495 = arith.addf %add3A_439, %bitcast_convert_type3A_494 : vector<16xf32>
        %and3A_496 = arith.andi %get3A_490, %broadcast_in_dim3A_5 : vector<16xi32>
        %bitcast_convert_type3A_497 = tpu.bitcast %and3A_496 : vector<16xi32> -> vector<16xf32>
        %add3A_498 = arith.addf %add3A_442, %bitcast_convert_type3A_497 : vector<16xf32>
        %add3A_499 = arith.constant 4 : i32
        %add3A_500 = arith.addi %mul3A_264, %add3A_499 : i32
        %get3A_501 = arith.index_cast %add3A_500 : i32 to index
        %get3A_502 = arith.constant 16 : index
        %get3A_503 = tpu.vector_load %arg7[%get3A_501, %get3A_502] {strides = array<i32>} : memref<208x64xi32, #tpu.memory_space<vmem>>, vector<1x16xi32>,
        %get3A_504 = vector.shape_cast %get3A_503 : vector<1x16xi32> to vector<16xi32>
        %shift_left3A_505 = arith.constant 16 : i32
        %shift_left3A_506 = vector.broadcast %shift_left3A_505 : i32 to vector<16xi32>
        %shift_left3A_507 = arith.shli %get3A_504, %shift_left3A_506 : vector<16xi32>
        %bitcast_convert_type3A_508 = tpu.bitcast %shift_left3A_507 : vector<16xi32> -> vector<16xf32>
        %add3A_509 = arith.addf %add3A_453, %bitcast_convert_type3A_508 : vector<16xf32>
        %and3A_510 = arith.andi %get3A_504, %broadcast_in_dim3A_5 : vector<16xi32>
        %bitcast_convert_type3A_511 = tpu.bitcast %and3A_510 : vector<16xi32> -> vector<16xf32>
        %add3A_512 = arith.addf %add3A_456, %bitcast_convert_type3A_511 : vector<16xf32>
        %add3A_513 = arith.constant 4 : i32
        %add3A_514 = arith.addi %mul3A_264, %add3A_513 : i32
        %get3A_515 = arith.index_cast %add3A_514 : i32 to index
        %get3A_516 = arith.constant 32 : index
        %get3A_517 = tpu.vector_load %arg7[%get3A_515, %get3A_516] {strides = array<i32>} : memref<208x64xi32, #tpu.memory_space<vmem>>, vector<1x16xi32>,
        %get3A_518 = vector.shape_cast %get3A_517 : vector<1x16xi32> to vector<16xi32>
        %shift_left3A_519 = arith.constant 16 : i32
        %shift_left3A_520 = vector.broadcast %shift_left3A_519 : i32 to vector<16xi32>
        %shift_left3A_521 = arith.shli %get3A_518, %shift_left3A_520 : vector<16xi32>
        %bitcast_convert_type3A_522 = tpu.bitcast %shift_left3A_521 : vector<16xi32> -> vector<16xf32>
        %add3A_523 = arith.addf %add3A_467, %bitcast_convert_type3A_522 : vector<16xf32>
        %and3A_524 = arith.andi %get3A_518, %broadcast_in_dim3A_5 : vector<16xi32>
        %bitcast_convert_type3A_525 = tpu.bitcast %and3A_524 : vector<16xi32> -> vector<16xf32>
        %add3A_526 = arith.addf %add3A_470, %bitcast_convert_type3A_525 : vector<16xf32>
        %add3A_527 = arith.constant 4 : i32
        %add3A_528 = arith.addi %mul3A_264, %add3A_527 : i32
        %get3A_529 = arith.index_cast %add3A_528 : i32 to index
        %get3A_530 = arith.constant 48 : index
        %get3A_531 = tpu.vector_load %arg7[%get3A_529, %get3A_530] {strides = array<i32>} : memref<208x64xi32, #tpu.memory_space<vmem>>, vector<1x16xi32>,
        %get3A_532 = vector.shape_cast %get3A_531 : vector<1x16xi32> to vector<16xi32>
        %shift_left3A_533 = arith.constant 16 : i32
        %shift_left3A_534 = vector.broadcast %shift_left3A_533 : i32 to vector<16xi32>
        %shift_left3A_535 = arith.shli %get3A_532, %shift_left3A_534 : vector<16xi32>
        %bitcast_convert_type3A_536 = tpu.bitcast %shift_left3A_535 : vector<16xi32> -> vector<16xf32>
        %add3A_537 = arith.addf %add3A_481, %bitcast_convert_type3A_536 : vector<16xf32>
        %and3A_538 = arith.andi %get3A_532, %broadcast_in_dim3A_5 : vector<16xi32>
        %bitcast_convert_type3A_539 = tpu.bitcast %and3A_538 : vector<16xi32> -> vector<16xf32>
        %add3A_540 = arith.addf %add3A_484, %bitcast_convert_type3A_539 : vector<16xf32>
        %add3A_541 = arith.constant 5 : i32
        %add3A_542 = arith.addi %mul3A_264, %add3A_541 : i32
        %get3A_543 = arith.index_cast %add3A_542 : i32 to index
        %get3A_544 = arith.constant 0 : index
        %get3A_545 = tpu.vector_load %arg7[%get3A_543, %get3A_544] {strides = array<i32>} : memref<208x64xi32, #tpu.memory_space<vmem>>, vector<1x16xi32>,
        %get3A_546 = vector.shape_cast %get3A_545 : vector<1x16xi32> to vector<16xi32>
        %shift_left3A_547 = arith.constant 16 : i32
        %shift_left3A_548 = vector.broadcast %shift_left3A_547 : i32 to vector<16xi32>
        %shift_left3A_549 = arith.shli %get3A_546, %shift_left3A_548 : vector<16xi32>
        %bitcast_convert_type3A_550 = tpu.bitcast %shift_left3A_549 : vector<16xi32> -> vector<16xf32>
        %add3A_551 = arith.addf %add3A_495, %bitcast_convert_type3A_550 : vector<16xf32>
        %and3A_552 = arith.andi %get3A_546, %broadcast_in_dim3A_5 : vector<16xi32>
        %bitcast_convert_type3A_553 = tpu.bitcast %and3A_552 : vector<16xi32> -> vector<16xf32>
        %add3A_554 = arith.addf %add3A_498, %bitcast_convert_type3A_553 : vector<16xf32>
        %add3A_555 = arith.constant 5 : i32
        %add3A_556 = arith.addi %mul3A_264, %add3A_555 : i32
        %get3A_557 = arith.index_cast %add3A_556 : i32 to index
        %get3A_558 = arith.constant 16 : index
        %get3A_559 = tpu.vector_load %arg7[%get3A_557, %get3A_558] {strides = array<i32>} : memref<208x64xi32, #tpu.memory_space<vmem>>, vector<1x16xi32>,
        %get3A_560 = vector.shape_cast %get3A_559 : vector<1x16xi32> to vector<16xi32>
        %shift_left3A_561 = arith.constant 16 : i32
        %shift_left3A_562 = vector.broadcast %shift_left3A_561 : i32 to vector<16xi32>
        %shift_left3A_563 = arith.shli %get3A_560, %shift_left3A_562 : vector<16xi32>
        %bitcast_convert_type3A_564 = tpu.bitcast %shift_left3A_563 : vector<16xi32> -> vector<16xf32>
        %add3A_565 = arith.addf %add3A_509, %bitcast_convert_type3A_564 : vector<16xf32>
        %and3A_566 = arith.andi %get3A_560, %broadcast_in_dim3A_5 : vector<16xi32>
        %bitcast_convert_type3A_567 = tpu.bitcast %and3A_566 : vector<16xi32> -> vector<16xf32>
        %add3A_568 = arith.addf %add3A_512, %bitcast_convert_type3A_567 : vector<16xf32>
        %add3A_569 = arith.constant 5 : i32
        %add3A_570 = arith.addi %mul3A_264, %add3A_569 : i32
        %get3A_571 = arith.index_cast %add3A_570 : i32 to index
        %get3A_572 = arith.constant 32 : index
        %get3A_573 = tpu.vector_load %arg7[%get3A_571, %get3A_572] {strides = array<i32>} : memref<208x64xi32, #tpu.memory_space<vmem>>, vector<1x16xi32>,
        %get3A_574 = vector.shape_cast %get3A_573 : vector<1x16xi32> to vector<16xi32>
        %shift_left3A_575 = arith.constant 16 : i32
        %shift_left3A_576 = vector.broadcast %shift_left3A_575 : i32 to vector<16xi32>
        %shift_left3A_577 = arith.shli %get3A_574, %shift_left3A_576 : vector<16xi32>
        %bitcast_convert_type3A_578 = tpu.bitcast %shift_left3A_577 : vector<16xi32> -> vector<16xf32>
        %add3A_579 = arith.addf %add3A_523, %bitcast_convert_type3A_578 : vector<16xf32>
        %and3A_580 = arith.andi %get3A_574, %broadcast_in_dim3A_5 : vector<16xi32>
        %bitcast_convert_type3A_581 = tpu.bitcast %and3A_580 : vector<16xi32> -> vector<16xf32>
        %add3A_582 = arith.addf %add3A_526, %bitcast_convert_type3A_581 : vector<16xf32>
        %add3A_583 = arith.constant 5 : i32
        %add3A_584 = arith.addi %mul3A_264, %add3A_583 : i32
        %get3A_585 = arith.index_cast %add3A_584 : i32 to index
        %get3A_586 = arith.constant 48 : index
        %get3A_587 = tpu.vector_load %arg7[%get3A_585, %get3A_586] {strides = array<i32>} : memref<208x64xi32, #tpu.memory_space<vmem>>, vector<1x16xi32>,
        %get3A_588 = vector.shape_cast %get3A_587 : vector<1x16xi32> to vector<16xi32>
        %shift_left3A_589 = arith.constant 16 : i32
        %shift_left3A_590 = vector.broadcast %shift_left3A_589 : i32 to vector<16xi32>
        %shift_left3A_591 = arith.shli %get3A_588, %shift_left3A_590 : vector<16xi32>
        %bitcast_convert_type3A_592 = tpu.bitcast %shift_left3A_591 : vector<16xi32> -> vector<16xf32>
        %add3A_593 = arith.addf %add3A_537, %bitcast_convert_type3A_592 : vector<16xf32>
        %and3A_594 = arith.andi %get3A_588, %broadcast_in_dim3A_5 : vector<16xi32>
        %bitcast_convert_type3A_595 = tpu.bitcast %and3A_594 : vector<16xi32> -> vector<16xf32>
        %add3A_596 = arith.addf %add3A_540, %bitcast_convert_type3A_595 : vector<16xf32>
        %add3A_597 = arith.constant 6 : i32
        %add3A_598 = arith.addi %mul3A_264, %add3A_597 : i32
        %get3A_599 = arith.index_cast %add3A_598 : i32 to index
        %get3A_600 = arith.constant 0 : index
        %get3A_601 = tpu.vector_load %arg7[%get3A_599, %get3A_600] {strides = array<i32>} : memref<208x64xi32, #tpu.memory_space<vmem>>, vector<1x16xi32>,
        %get3A_602 = vector.shape_cast %get3A_601 : vector<1x16xi32> to vector<16xi32>
        %shift_left3A_603 = arith.constant 16 : i32
        %shift_left3A_604 = vector.broadcast %shift_left3A_603 : i32 to vector<16xi32>
        %shift_left3A_605 = arith.shli %get3A_602, %shift_left3A_604 : vector<16xi32>
        %bitcast_convert_type3A_606 = tpu.bitcast %shift_left3A_605 : vector<16xi32> -> vector<16xf32>
        %add3A_607 = arith.addf %add3A_551, %bitcast_convert_type3A_606 : vector<16xf32>
        %and3A_608 = arith.andi %get3A_602, %broadcast_in_dim3A_5 : vector<16xi32>
        %bitcast_convert_type3A_609 = tpu.bitcast %and3A_608 : vector<16xi32> -> vector<16xf32>
        %add3A_610 = arith.addf %add3A_554, %bitcast_convert_type3A_609 : vector<16xf32>
        %add3A_611 = arith.constant 6 : i32
        %add3A_612 = arith.addi %mul3A_264, %add3A_611 : i32
        %get3A_613 = arith.index_cast %add3A_612 : i32 to index
        %get3A_614 = arith.constant 16 : index
        %get3A_615 = tpu.vector_load %arg7[%get3A_613, %get3A_614] {strides = array<i32>} : memref<208x64xi32, #tpu.memory_space<vmem>>, vector<1x16xi32>,
        %get3A_616 = vector.shape_cast %get3A_615 : vector<1x16xi32> to vector<16xi32>
        %shift_left3A_617 = arith.constant 16 : i32
        %shift_left3A_618 = vector.broadcast %shift_left3A_617 : i32 to vector<16xi32>
        %shift_left3A_619 = arith.shli %get3A_616, %shift_left3A_618 : vector<16xi32>
        %bitcast_convert_type3A_620 = tpu.bitcast %shift_left3A_619 : vector<16xi32> -> vector<16xf32>
        %add3A_621 = arith.addf %add3A_565, %bitcast_convert_type3A_620 : vector<16xf32>
        %and3A_622 = arith.andi %get3A_616, %broadcast_in_dim3A_5 : vector<16xi32>
        %bitcast_convert_type3A_623 = tpu.bitcast %and3A_622 : vector<16xi32> -> vector<16xf32>
        %add3A_624 = arith.addf %add3A_568, %bitcast_convert_type3A_623 : vector<16xf32>
        %add3A_625 = arith.constant 6 : i32
        %add3A_626 = arith.addi %mul3A_264, %add3A_625 : i32
        %get3A_627 = arith.index_cast %add3A_626 : i32 to index
        %get3A_628 = arith.constant 32 : index
        %get3A_629 = tpu.vector_load %arg7[%get3A_627, %get3A_628] {strides = array<i32>} : memref<208x64xi32, #tpu.memory_space<vmem>>, vector<1x16xi32>,
        %get3A_630 = vector.shape_cast %get3A_629 : vector<1x16xi32> to vector<16xi32>
        %shift_left3A_631 = arith.constant 16 : i32
        %shift_left3A_632 = vector.broadcast %shift_left3A_631 : i32 to vector<16xi32>
        %shift_left3A_633 = arith.shli %get3A_630, %shift_left3A_632 : vector<16xi32>
        %bitcast_convert_type3A_634 = tpu.bitcast %shift_left3A_633 : vector<16xi32> -> vector<16xf32>
        %add3A_635 = arith.addf %add3A_579, %bitcast_convert_type3A_634 : vector<16xf32>
        %and3A_636 = arith.andi %get3A_630, %broadcast_in_dim3A_5 : vector<16xi32>
        %bitcast_convert_type3A_637 = tpu.bitcast %and3A_636 : vector<16xi32> -> vector<16xf32>
        %add3A_638 = arith.addf %add3A_582, %bitcast_convert_type3A_637 : vector<16xf32>
        %add3A_639 = arith.constant 6 : i32
        %add3A_640 = arith.addi %mul3A_264, %add3A_639 : i32
        %get3A_641 = arith.index_cast %add3A_640 : i32 to index
        %get3A_642 = arith.constant 48 : index
        %get3A_643 = tpu.vector_load %arg7[%get3A_641, %get3A_642] {strides = array<i32>} : memref<208x64xi32, #tpu.memory_space<vmem>>, vector<1x16xi32>,
        %get3A_644 = vector.shape_cast %get3A_643 : vector<1x16xi32> to vector<16xi32>
        %shift_left3A_645 = arith.constant 16 : i32
        %shift_left3A_646 = vector.broadcast %shift_left3A_645 : i32 to vector<16xi32>
        %shift_left3A_647 = arith.shli %get3A_644, %shift_left3A_646 : vector<16xi32>
        %bitcast_convert_type3A_648 = tpu.bitcast %shift_left3A_647 : vector<16xi32> -> vector<16xf32>
        %add3A_649 = arith.addf %add3A_593, %bitcast_convert_type3A_648 : vector<16xf32>
        %and3A_650 = arith.andi %get3A_644, %broadcast_in_dim3A_5 : vector<16xi32>
        %bitcast_convert_type3A_651 = tpu.bitcast %and3A_650 : vector<16xi32> -> vector<16xf32>
        %add3A_652 = arith.addf %add3A_596, %bitcast_convert_type3A_651 : vector<16xf32>
        %add3A_653 = arith.constant 7 : i32
        %add3A_654 = arith.addi %mul3A_264, %add3A_653 : i32
        %get3A_655 = arith.index_cast %add3A_654 : i32 to index
        %get3A_656 = arith.constant 0 : index
        %get3A_657 = tpu.vector_load %arg7[%get3A_655, %get3A_656] {strides = array<i32>} : memref<208x64xi32, #tpu.memory_space<vmem>>, vector<1x16xi32>,
        %get3A_658 = vector.shape_cast %get3A_657 : vector<1x16xi32> to vector<16xi32>
        %shift_left3A_659 = arith.constant 16 : i32
        %shift_left3A_660 = vector.broadcast %shift_left3A_659 : i32 to vector<16xi32>
        %shift_left3A_661 = arith.shli %get3A_658, %shift_left3A_660 : vector<16xi32>
        %bitcast_convert_type3A_662 = tpu.bitcast %shift_left3A_661 : vector<16xi32> -> vector<16xf32>
        %add3A_663 = arith.addf %add3A_607, %bitcast_convert_type3A_662 : vector<16xf32>
        %and3A_664 = arith.andi %get3A_658, %broadcast_in_dim3A_5 : vector<16xi32>
        %bitcast_convert_type3A_665 = tpu.bitcast %and3A_664 : vector<16xi32> -> vector<16xf32>
        %add3A_666 = arith.addf %add3A_610, %bitcast_convert_type3A_665 : vector<16xf32>
        %add3A_667 = arith.constant 7 : i32
        %add3A_668 = arith.addi %mul3A_264, %add3A_667 : i32
        %get3A_669 = arith.index_cast %add3A_668 : i32 to index
        %get3A_670 = arith.constant 16 : index
        %get3A_671 = tpu.vector_load %arg7[%get3A_669, %get3A_670] {strides = array<i32>} : memref<208x64xi32, #tpu.memory_space<vmem>>, vector<1x16xi32>,
        %get3A_672 = vector.shape_cast %get3A_671 : vector<1x16xi32> to vector<16xi32>
        %shift_left3A_673 = arith.constant 16 : i32
        %shift_left3A_674 = vector.broadcast %shift_left3A_673 : i32 to vector<16xi32>
        %shift_left3A_675 = arith.shli %get3A_672, %shift_left3A_674 : vector<16xi32>
        %bitcast_convert_type3A_676 = tpu.bitcast %shift_left3A_675 : vector<16xi32> -> vector<16xf32>
        %add3A_677 = arith.addf %add3A_621, %bitcast_convert_type3A_676 : vector<16xf32>
        %and3A_678 = arith.andi %get3A_672, %broadcast_in_dim3A_5 : vector<16xi32>
        %bitcast_convert_type3A_679 = tpu.bitcast %and3A_678 : vector<16xi32> -> vector<16xf32>
        %add3A_680 = arith.addf %add3A_624, %bitcast_convert_type3A_679 : vector<16xf32>
        %add3A_681 = arith.constant 7 : i32
        %add3A_682 = arith.addi %mul3A_264, %add3A_681 : i32
        %get3A_683 = arith.index_cast %add3A_682 : i32 to index
        %get3A_684 = arith.constant 32 : index
        %get3A_685 = tpu.vector_load %arg7[%get3A_683, %get3A_684] {strides = array<i32>} : memref<208x64xi32, #tpu.memory_space<vmem>>, vector<1x16xi32>,
        %get3A_686 = vector.shape_cast %get3A_685 : vector<1x16xi32> to vector<16xi32>
        %shift_left3A_687 = arith.constant 16 : i32
        %shift_left3A_688 = vector.broadcast %shift_left3A_687 : i32 to vector<16xi32>
        %shift_left3A_689 = arith.shli %get3A_686, %shift_left3A_688 : vector<16xi32>
        %bitcast_convert_type3A_690 = tpu.bitcast %shift_left3A_689 : vector<16xi32> -> vector<16xf32>
        %add3A_691 = arith.addf %add3A_635, %bitcast_convert_type3A_690 : vector<16xf32>
        %and3A_692 = arith.andi %get3A_686, %broadcast_in_dim3A_5 : vector<16xi32>
        %bitcast_convert_type3A_693 = tpu.bitcast %and3A_692 : vector<16xi32> -> vector<16xf32>
        %add3A_694 = arith.addf %add3A_638, %bitcast_convert_type3A_693 : vector<16xf32>
        %add3A_695 = arith.constant 7 : i32
        %add3A_696 = arith.addi %mul3A_264, %add3A_695 : i32
        %get3A_697 = arith.index_cast %add3A_696 : i32 to index
        %get3A_698 = arith.constant 48 : index
        %get3A_699 = tpu.vector_load %arg7[%get3A_697, %get3A_698] {strides = array<i32>} : memref<208x64xi32, #tpu.memory_space<vmem>>, vector<1x16xi32>,
        %get3A_700 = vector.shape_cast %get3A_699 : vector<1x16xi32> to vector<16xi32>
        %shift_left3A_701 = arith.constant 16 : i32
        %shift_left3A_702 = vector.broadcast %shift_left3A_701 : i32 to vector<16xi32>
        %shift_left3A_703 = arith.shli %get3A_700, %shift_left3A_702 : vector<16xi32>
        %bitcast_convert_type3A_704 = tpu.bitcast %shift_left3A_703 : vector<16xi32> -> vector<16xf32>
        %add3A_705 = arith.addf %add3A_649, %bitcast_convert_type3A_704 : vector<16xf32>
        %and3A_706 = arith.andi %get3A_700, %broadcast_in_dim3A_5 : vector<16xi32>
        %bitcast_convert_type3A_707 = tpu.bitcast %and3A_706 : vector<16xi32> -> vector<16xf32>
        %add3A_708 = arith.addf %add3A_652, %bitcast_convert_type3A_707 : vector<16xf32>
        %add3A_709 = arith.constant 8 : i32
        %add3A_710 = arith.addi %mul3A_264, %add3A_709 : i32
        %get3A_711 = arith.index_cast %add3A_710 : i32 to index
        %get3A_712 = arith.constant 0 : index
        %get3A_713 = tpu.vector_load %arg7[%get3A_711, %get3A_712] {strides = array<i32>} : memref<208x64xi32, #tpu.memory_space<vmem>>, vector<1x16xi32>,
        %get3A_714 = vector.shape_cast %get3A_713 : vector<1x16xi32> to vector<16xi32>
        %shift_left3A_715 = arith.constant 16 : i32
        %shift_left3A_716 = vector.broadcast %shift_left3A_715 : i32 to vector<16xi32>
        %shift_left3A_717 = arith.shli %get3A_714, %shift_left3A_716 : vector<16xi32>
        %bitcast_convert_type3A_718 = tpu.bitcast %shift_left3A_717 : vector<16xi32> -> vector<16xf32>
        %add3A_719 = arith.addf %add3A_663, %bitcast_convert_type3A_718 : vector<16xf32>
        %and3A_720 = arith.andi %get3A_714, %broadcast_in_dim3A_5 : vector<16xi32>
        %bitcast_convert_type3A_721 = tpu.bitcast %and3A_720 : vector<16xi32> -> vector<16xf32>
        %add3A_722 = arith.addf %add3A_666, %bitcast_convert_type3A_721 : vector<16xf32>
        %add3A_723 = arith.constant 8 : i32
        %add3A_724 = arith.addi %mul3A_264, %add3A_723 : i32
        %get3A_725 = arith.index_cast %add3A_724 : i32 to index
        %get3A_726 = arith.constant 16 : index
        %get3A_727 = tpu.vector_load %arg7[%get3A_725, %get3A_726] {strides = array<i32>} : memref<208x64xi32, #tpu.memory_space<vmem>>, vector<1x16xi32>,
        %get3A_728 = vector.shape_cast %get3A_727 : vector<1x16xi32> to vector<16xi32>
        %shift_left3A_729 = arith.constant 16 : i32
        %shift_left3A_730 = vector.broadcast %shift_left3A_729 : i32 to vector<16xi32>
        %shift_left3A_731 = arith.shli %get3A_728, %shift_left3A_730 : vector<16xi32>
        %bitcast_convert_type3A_732 = tpu.bitcast %shift_left3A_731 : vector<16xi32> -> vector<16xf32>
        %add3A_733 = arith.addf %add3A_677, %bitcast_convert_type3A_732 : vector<16xf32>
        %and3A_734 = arith.andi %get3A_728, %broadcast_in_dim3A_5 : vector<16xi32>
        %bitcast_convert_type3A_735 = tpu.bitcast %and3A_734 : vector<16xi32> -> vector<16xf32>
        %add3A_736 = arith.addf %add3A_680, %bitcast_convert_type3A_735 : vector<16xf32>
        %add3A_737 = arith.constant 8 : i32
        %add3A_738 = arith.addi %mul3A_264, %add3A_737 : i32
        %get3A_739 = arith.index_cast %add3A_738 : i32 to index
        %get3A_740 = arith.constant 32 : index
        %get3A_741 = tpu.vector_load %arg7[%get3A_739, %get3A_740] {strides = array<i32>} : memref<208x64xi32, #tpu.memory_space<vmem>>, vector<1x16xi32>,
        %get3A_742 = vector.shape_cast %get3A_741 : vector<1x16xi32> to vector<16xi32>
        %shift_left3A_743 = arith.constant 16 : i32
        %shift_left3A_744 = vector.broadcast %shift_left3A_743 : i32 to vector<16xi32>
        %shift_left3A_745 = arith.shli %get3A_742, %shift_left3A_744 : vector<16xi32>
        %bitcast_convert_type3A_746 = tpu.bitcast %shift_left3A_745 : vector<16xi32> -> vector<16xf32>
        %add3A_747 = arith.addf %add3A_691, %bitcast_convert_type3A_746 : vector<16xf32>
        %and3A_748 = arith.andi %get3A_742, %broadcast_in_dim3A_5 : vector<16xi32>
        %bitcast_convert_type3A_749 = tpu.bitcast %and3A_748 : vector<16xi32> -> vector<16xf32>
        %add3A_750 = arith.addf %add3A_694, %bitcast_convert_type3A_749 : vector<16xf32>
        %add3A_751 = arith.constant 8 : i32
        %add3A_752 = arith.addi %mul3A_264, %add3A_751 : i32
        %get3A_753 = arith.index_cast %add3A_752 : i32 to index
        %get3A_754 = arith.constant 48 : index
        %get3A_755 = tpu.vector_load %arg7[%get3A_753, %get3A_754] {strides = array<i32>} : memref<208x64xi32, #tpu.memory_space<vmem>>, vector<1x16xi32>,
        %get3A_756 = vector.shape_cast %get3A_755 : vector<1x16xi32> to vector<16xi32>
        %shift_left3A_757 = arith.constant 16 : i32
        %shift_left3A_758 = vector.broadcast %shift_left3A_757 : i32 to vector<16xi32>
        %shift_left3A_759 = arith.shli %get3A_756, %shift_left3A_758 : vector<16xi32>
        %bitcast_convert_type3A_760 = tpu.bitcast %shift_left3A_759 : vector<16xi32> -> vector<16xf32>
        %add3A_761 = arith.addf %add3A_705, %bitcast_convert_type3A_760 : vector<16xf32>
        %and3A_762 = arith.andi %get3A_756, %broadcast_in_dim3A_5 : vector<16xi32>
        %bitcast_convert_type3A_763 = tpu.bitcast %and3A_762 : vector<16xi32> -> vector<16xf32>
        %add3A_764 = arith.addf %add3A_708, %bitcast_convert_type3A_763 : vector<16xf32>
        %add3A_765 = arith.constant 9 : i32
        %add3A_766 = arith.addi %mul3A_264, %add3A_765 : i32
        %get3A_767 = arith.index_cast %add3A_766 : i32 to index
        %get3A_768 = arith.constant 0 : index
        %get3A_769 = tpu.vector_load %arg7[%get3A_767, %get3A_768] {strides = array<i32>} : memref<208x64xi32, #tpu.memory_space<vmem>>, vector<1x16xi32>,
        %get3A_770 = vector.shape_cast %get3A_769 : vector<1x16xi32> to vector<16xi32>
        %shift_left3A_771 = arith.constant 16 : i32
        %shift_left3A_772 = vector.broadcast %shift_left3A_771 : i32 to vector<16xi32>
        %shift_left3A_773 = arith.shli %get3A_770, %shift_left3A_772 : vector<16xi32>
        %bitcast_convert_type3A_774 = tpu.bitcast %shift_left3A_773 : vector<16xi32> -> vector<16xf32>
        %add3A_775 = arith.addf %add3A_719, %bitcast_convert_type3A_774 : vector<16xf32>
        %and3A_776 = arith.andi %get3A_770, %broadcast_in_dim3A_5 : vector<16xi32>
        %bitcast_convert_type3A_777 = tpu.bitcast %and3A_776 : vector<16xi32> -> vector<16xf32>
        %add3A_778 = arith.addf %add3A_722, %bitcast_convert_type3A_777 : vector<16xf32>
        %add3A_779 = arith.constant 9 : i32
        %add3A_780 = arith.addi %mul3A_264, %add3A_779 : i32
        %get3A_781 = arith.index_cast %add3A_780 : i32 to index
        %get3A_782 = arith.constant 16 : index
        %get3A_783 = tpu.vector_load %arg7[%get3A_781, %get3A_782] {strides = array<i32>} : memref<208x64xi32, #tpu.memory_space<vmem>>, vector<1x16xi32>,
        %get3A_784 = vector.shape_cast %get3A_783 : vector<1x16xi32> to vector<16xi32>
        %shift_left3A_785 = arith.constant 16 : i32
        %shift_left3A_786 = vector.broadcast %shift_left3A_785 : i32 to vector<16xi32>
        %shift_left3A_787 = arith.shli %get3A_784, %shift_left3A_786 : vector<16xi32>
        %bitcast_convert_type3A_788 = tpu.bitcast %shift_left3A_787 : vector<16xi32> -> vector<16xf32>
        %add3A_789 = arith.addf %add3A_733, %bitcast_convert_type3A_788 : vector<16xf32>
        %and3A_790 = arith.andi %get3A_784, %broadcast_in_dim3A_5 : vector<16xi32>
        %bitcast_convert_type3A_791 = tpu.bitcast %and3A_790 : vector<16xi32> -> vector<16xf32>
        %add3A_792 = arith.addf %add3A_736, %bitcast_convert_type3A_791 : vector<16xf32>
        %add3A_793 = arith.constant 9 : i32
        %add3A_794 = arith.addi %mul3A_264, %add3A_793 : i32
        %get3A_795 = arith.index_cast %add3A_794 : i32 to index
        %get3A_796 = arith.constant 32 : index
        %get3A_797 = tpu.vector_load %arg7[%get3A_795, %get3A_796] {strides = array<i32>} : memref<208x64xi32, #tpu.memory_space<vmem>>, vector<1x16xi32>,
        %get3A_798 = vector.shape_cast %get3A_797 : vector<1x16xi32> to vector<16xi32>
        %shift_left3A_799 = arith.constant 16 : i32
        %shift_left3A_800 = vector.broadcast %shift_left3A_799 : i32 to vector<16xi32>
        %shift_left3A_801 = arith.shli %get3A_798, %shift_left3A_800 : vector<16xi32>
        %bitcast_convert_type3A_802 = tpu.bitcast %shift_left3A_801 : vector<16xi32> -> vector<16xf32>
        %add3A_803 = arith.addf %add3A_747, %bitcast_convert_type3A_802 : vector<16xf32>
        %and3A_804 = arith.andi %get3A_798, %broadcast_in_dim3A_5 : vector<16xi32>
        %bitcast_convert_type3A_805 = tpu.bitcast %and3A_804 : vector<16xi32> -> vector<16xf32>
        %add3A_806 = arith.addf %add3A_750, %bitcast_convert_type3A_805 : vector<16xf32>
        %add3A_807 = arith.constant 9 : i32
        %add3A_808 = arith.addi %mul3A_264, %add3A_807 : i32
        %get3A_809 = arith.index_cast %add3A_808 : i32 to index
        %get3A_810 = arith.constant 48 : index
        %get3A_811 = tpu.vector_load %arg7[%get3A_809, %get3A_810] {strides = array<i32>} : memref<208x64xi32, #tpu.memory_space<vmem>>, vector<1x16xi32>,
        %get3A_812 = vector.shape_cast %get3A_811 : vector<1x16xi32> to vector<16xi32>
        %shift_left3A_813 = arith.constant 16 : i32
        %shift_left3A_814 = vector.broadcast %shift_left3A_813 : i32 to vector<16xi32>
        %shift_left3A_815 = arith.shli %get3A_812, %shift_left3A_814 : vector<16xi32>
        %bitcast_convert_type3A_816 = tpu.bitcast %shift_left3A_815 : vector<16xi32> -> vector<16xf32>
        %add3A_817 = arith.addf %add3A_761, %bitcast_convert_type3A_816 : vector<16xf32>
        %and3A_818 = arith.andi %get3A_812, %broadcast_in_dim3A_5 : vector<16xi32>
        %bitcast_convert_type3A_819 = tpu.bitcast %and3A_818 : vector<16xi32> -> vector<16xf32>
        %add3A_820 = arith.addf %add3A_764, %bitcast_convert_type3A_819 : vector<16xf32>
        %add3A_821 = arith.constant 10 : i32
        %add3A_822 = arith.addi %mul3A_264, %add3A_821 : i32
        %get3A_823 = arith.index_cast %add3A_822 : i32 to index
        %get3A_824 = arith.constant 0 : index
        %get3A_825 = tpu.vector_load %arg7[%get3A_823, %get3A_824] {strides = array<i32>} : memref<208x64xi32, #tpu.memory_space<vmem>>, vector<1x16xi32>,
        %get3A_826 = vector.shape_cast %get3A_825 : vector<1x16xi32> to vector<16xi32>
        %shift_left3A_827 = arith.constant 16 : i32
        %shift_left3A_828 = vector.broadcast %shift_left3A_827 : i32 to vector<16xi32>
        %shift_left3A_829 = arith.shli %get3A_826, %shift_left3A_828 : vector<16xi32>
        %bitcast_convert_type3A_830 = tpu.bitcast %shift_left3A_829 : vector<16xi32> -> vector<16xf32>
        %add3A_831 = arith.addf %add3A_775, %bitcast_convert_type3A_830 : vector<16xf32>
        %and3A_832 = arith.andi %get3A_826, %broadcast_in_dim3A_5 : vector<16xi32>
        %bitcast_convert_type3A_833 = tpu.bitcast %and3A_832 : vector<16xi32> -> vector<16xf32>
        %add3A_834 = arith.addf %add3A_778, %bitcast_convert_type3A_833 : vector<16xf32>
        %add3A_835 = arith.constant 10 : i32
        %add3A_836 = arith.addi %mul3A_264, %add3A_835 : i32
        %get3A_837 = arith.index_cast %add3A_836 : i32 to index
        %get3A_838 = arith.constant 16 : index
        %get3A_839 = tpu.vector_load %arg7[%get3A_837, %get3A_838] {strides = array<i32>} : memref<208x64xi32, #tpu.memory_space<vmem>>, vector<1x16xi32>,
        %get3A_840 = vector.shape_cast %get3A_839 : vector<1x16xi32> to vector<16xi32>
        %shift_left3A_841 = arith.constant 16 : i32
        %shift_left3A_842 = vector.broadcast %shift_left3A_841 : i32 to vector<16xi32>
        %shift_left3A_843 = arith.shli %get3A_840, %shift_left3A_842 : vector<16xi32>
        %bitcast_convert_type3A_844 = tpu.bitcast %shift_left3A_843 : vector<16xi32> -> vector<16xf32>
        %add3A_845 = arith.addf %add3A_789, %bitcast_convert_type3A_844 : vector<16xf32>
        %and3A_846 = arith.andi %get3A_840, %broadcast_in_dim3A_5 : vector<16xi32>
        %bitcast_convert_type3A_847 = tpu.bitcast %and3A_846 : vector<16xi32> -> vector<16xf32>
        %add3A_848 = arith.addf %add3A_792, %bitcast_convert_type3A_847 : vector<16xf32>
        %add3A_849 = arith.constant 10 : i32
        %add3A_850 = arith.addi %mul3A_264, %add3A_849 : i32
        %get3A_851 = arith.index_cast %add3A_850 : i32 to index
        %get3A_852 = arith.constant 32 : index
        %get3A_853 = tpu.vector_load %arg7[%get3A_851, %get3A_852] {strides = array<i32>} : memref<208x64xi32, #tpu.memory_space<vmem>>, vector<1x16xi32>,
        %get3A_854 = vector.shape_cast %get3A_853 : vector<1x16xi32> to vector<16xi32>
        %shift_left3A_855 = arith.constant 16 : i32
        %shift_left3A_856 = vector.broadcast %shift_left3A_855 : i32 to vector<16xi32>
        %shift_left3A_857 = arith.shli %get3A_854, %shift_left3A_856 : vector<16xi32>
        %bitcast_convert_type3A_858 = tpu.bitcast %shift_left3A_857 : vector<16xi32> -> vector<16xf32>
        %add3A_859 = arith.addf %add3A_803, %bitcast_convert_type3A_858 : vector<16xf32>
        %and3A_860 = arith.andi %get3A_854, %broadcast_in_dim3A_5 : vector<16xi32>
        %bitcast_convert_type3A_861 = tpu.bitcast %and3A_860 : vector<16xi32> -> vector<16xf32>
        %add3A_862 = arith.addf %add3A_806, %bitcast_convert_type3A_861 : vector<16xf32>
        %add3A_863 = arith.constant 10 : i32
        %add3A_864 = arith.addi %mul3A_264, %add3A_863 : i32
        %get3A_865 = arith.index_cast %add3A_864 : i32 to index
        %get3A_866 = arith.constant 48 : index
        %get3A_867 = tpu.vector_load %arg7[%get3A_865, %get3A_866] {strides = array<i32>} : memref<208x64xi32, #tpu.memory_space<vmem>>, vector<1x16xi32>,
        %get3A_868 = vector.shape_cast %get3A_867 : vector<1x16xi32> to vector<16xi32>
        %shift_left3A_869 = arith.constant 16 : i32
        %shift_left3A_870 = vector.broadcast %shift_left3A_869 : i32 to vector<16xi32>
        %shift_left3A_871 = arith.shli %get3A_868, %shift_left3A_870 : vector<16xi32>
        %bitcast_convert_type3A_872 = tpu.bitcast %shift_left3A_871 : vector<16xi32> -> vector<16xf32>
        %add3A_873 = arith.addf %add3A_817, %bitcast_convert_type3A_872 : vector<16xf32>
        %and3A_874 = arith.andi %get3A_868, %broadcast_in_dim3A_5 : vector<16xi32>
        %bitcast_convert_type3A_875 = tpu.bitcast %and3A_874 : vector<16xi32> -> vector<16xf32>
        %add3A_876 = arith.addf %add3A_820, %bitcast_convert_type3A_875 : vector<16xf32>
        %add3A_877 = arith.constant 11 : i32
        %add3A_878 = arith.addi %mul3A_264, %add3A_877 : i32
        %get3A_879 = arith.index_cast %add3A_878 : i32 to index
        %get3A_880 = arith.constant 0 : index
        %get3A_881 = tpu.vector_load %arg7[%get3A_879, %get3A_880] {strides = array<i32>} : memref<208x64xi32, #tpu.memory_space<vmem>>, vector<1x16xi32>,
        %get3A_882 = vector.shape_cast %get3A_881 : vector<1x16xi32> to vector<16xi32>
        %shift_left3A_883 = arith.constant 16 : i32
        %shift_left3A_884 = vector.broadcast %shift_left3A_883 : i32 to vector<16xi32>
        %shift_left3A_885 = arith.shli %get3A_882, %shift_left3A_884 : vector<16xi32>
        %bitcast_convert_type3A_886 = tpu.bitcast %shift_left3A_885 : vector<16xi32> -> vector<16xf32>
        %add3A_887 = arith.addf %add3A_831, %bitcast_convert_type3A_886 : vector<16xf32>
        %and3A_888 = arith.andi %get3A_882, %broadcast_in_dim3A_5 : vector<16xi32>
        %bitcast_convert_type3A_889 = tpu.bitcast %and3A_888 : vector<16xi32> -> vector<16xf32>
        %add3A_890 = arith.addf %add3A_834, %bitcast_convert_type3A_889 : vector<16xf32>
        %add3A_891 = arith.constant 11 : i32
        %add3A_892 = arith.addi %mul3A_264, %add3A_891 : i32
        %get3A_893 = arith.index_cast %add3A_892 : i32 to index
        %get3A_894 = arith.constant 16 : index
        %get3A_895 = tpu.vector_load %arg7[%get3A_893, %get3A_894] {strides = array<i32>} : memref<208x64xi32, #tpu.memory_space<vmem>>, vector<1x16xi32>,
        %get3A_896 = vector.shape_cast %get3A_895 : vector<1x16xi32> to vector<16xi32>
        %shift_left3A_897 = arith.constant 16 : i32
        %shift_left3A_898 = vector.broadcast %shift_left3A_897 : i32 to vector<16xi32>
        %shift_left3A_899 = arith.shli %get3A_896, %shift_left3A_898 : vector<16xi32>
        %bitcast_convert_type3A_900 = tpu.bitcast %shift_left3A_899 : vector<16xi32> -> vector<16xf32>
        %add3A_901 = arith.addf %add3A_845, %bitcast_convert_type3A_900 : vector<16xf32>
        %and3A_902 = arith.andi %get3A_896, %broadcast_in_dim3A_5 : vector<16xi32>
        %bitcast_convert_type3A_903 = tpu.bitcast %and3A_902 : vector<16xi32> -> vector<16xf32>
        %add3A_904 = arith.addf %add3A_848, %bitcast_convert_type3A_903 : vector<16xf32>
        %add3A_905 = arith.constant 11 : i32
        %add3A_906 = arith.addi %mul3A_264, %add3A_905 : i32
        %get3A_907 = arith.index_cast %add3A_906 : i32 to index
        %get3A_908 = arith.constant 32 : index
        %get3A_909 = tpu.vector_load %arg7[%get3A_907, %get3A_908] {strides = array<i32>} : memref<208x64xi32, #tpu.memory_space<vmem>>, vector<1x16xi32>,
        %get3A_910 = vector.shape_cast %get3A_909 : vector<1x16xi32> to vector<16xi32>
        %shift_left3A_911 = arith.constant 16 : i32
        %shift_left3A_912 = vector.broadcast %shift_left3A_911 : i32 to vector<16xi32>
        %shift_left3A_913 = arith.shli %get3A_910, %shift_left3A_912 : vector<16xi32>
        %bitcast_convert_type3A_914 = tpu.bitcast %shift_left3A_913 : vector<16xi32> -> vector<16xf32>
        %add3A_915 = arith.addf %add3A_859, %bitcast_convert_type3A_914 : vector<16xf32>
        %and3A_916 = arith.andi %get3A_910, %broadcast_in_dim3A_5 : vector<16xi32>
        %bitcast_convert_type3A_917 = tpu.bitcast %and3A_916 : vector<16xi32> -> vector<16xf32>
        %add3A_918 = arith.addf %add3A_862, %bitcast_convert_type3A_917 : vector<16xf32>
        %add3A_919 = arith.constant 11 : i32
        %add3A_920 = arith.addi %mul3A_264, %add3A_919 : i32
        %get3A_921 = arith.index_cast %add3A_920 : i32 to index
        %get3A_922 = arith.constant 48 : index
        %get3A_923 = tpu.vector_load %arg7[%get3A_921, %get3A_922] {strides = array<i32>} : memref<208x64xi32, #tpu.memory_space<vmem>>, vector<1x16xi32>,
        %get3A_924 = vector.shape_cast %get3A_923 : vector<1x16xi32> to vector<16xi32>
        %shift_left3A_925 = arith.constant 16 : i32
        %shift_left3A_926 = vector.broadcast %shift_left3A_925 : i32 to vector<16xi32>
        %shift_left3A_927 = arith.shli %get3A_924, %shift_left3A_926 : vector<16xi32>
        %bitcast_convert_type3A_928 = tpu.bitcast %shift_left3A_927 : vector<16xi32> -> vector<16xf32>
        %add3A_929 = arith.addf %add3A_873, %bitcast_convert_type3A_928 : vector<16xf32>
        %and3A_930 = arith.andi %get3A_924, %broadcast_in_dim3A_5 : vector<16xi32>
        %bitcast_convert_type3A_931 = tpu.bitcast %and3A_930 : vector<16xi32> -> vector<16xf32>
        %add3A_932 = arith.addf %add3A_876, %bitcast_convert_type3A_931 : vector<16xf32>
        %add3A_933 = arith.constant 12 : i32
        %add3A_934 = arith.addi %mul3A_264, %add3A_933 : i32
        %get3A_935 = arith.index_cast %add3A_934 : i32 to index
        %get3A_936 = arith.constant 0 : index
        %get3A_937 = tpu.vector_load %arg7[%get3A_935, %get3A_936] {strides = array<i32>} : memref<208x64xi32, #tpu.memory_space<vmem>>, vector<1x16xi32>,
        %get3A_938 = vector.shape_cast %get3A_937 : vector<1x16xi32> to vector<16xi32>
        %shift_left3A_939 = arith.constant 16 : i32
        %shift_left3A_940 = vector.broadcast %shift_left3A_939 : i32 to vector<16xi32>
        %shift_left3A_941 = arith.shli %get3A_938, %shift_left3A_940 : vector<16xi32>
        %bitcast_convert_type3A_942 = tpu.bitcast %shift_left3A_941 : vector<16xi32> -> vector<16xf32>
        %add3A_943 = arith.addf %add3A_887, %bitcast_convert_type3A_942 : vector<16xf32>
        %and3A_944 = arith.andi %get3A_938, %broadcast_in_dim3A_5 : vector<16xi32>
        %bitcast_convert_type3A_945 = tpu.bitcast %and3A_944 : vector<16xi32> -> vector<16xf32>
        %add3A_946 = arith.addf %add3A_890, %bitcast_convert_type3A_945 : vector<16xf32>
        %add3A_947 = arith.constant 12 : i32
        %add3A_948 = arith.addi %mul3A_264, %add3A_947 : i32
        %get3A_949 = arith.index_cast %add3A_948 : i32 to index
        %get3A_950 = arith.constant 16 : index
        %get3A_951 = tpu.vector_load %arg7[%get3A_949, %get3A_950] {strides = array<i32>} : memref<208x64xi32, #tpu.memory_space<vmem>>, vector<1x16xi32>,
        %get3A_952 = vector.shape_cast %get3A_951 : vector<1x16xi32> to vector<16xi32>
        %shift_left3A_953 = arith.constant 16 : i32
        %shift_left3A_954 = vector.broadcast %shift_left3A_953 : i32 to vector<16xi32>
        %shift_left3A_955 = arith.shli %get3A_952, %shift_left3A_954 : vector<16xi32>
        %bitcast_convert_type3A_956 = tpu.bitcast %shift_left3A_955 : vector<16xi32> -> vector<16xf32>
        %add3A_957 = arith.addf %add3A_901, %bitcast_convert_type3A_956 : vector<16xf32>
        %and3A_958 = arith.andi %get3A_952, %broadcast_in_dim3A_5 : vector<16xi32>
        %bitcast_convert_type3A_959 = tpu.bitcast %and3A_958 : vector<16xi32> -> vector<16xf32>
        %add3A_960 = arith.addf %add3A_904, %bitcast_convert_type3A_959 : vector<16xf32>
        %add3A_961 = arith.constant 12 : i32
        %add3A_962 = arith.addi %mul3A_264, %add3A_961 : i32
        %get3A_963 = arith.index_cast %add3A_962 : i32 to index
        %get3A_964 = arith.constant 32 : index
        %get3A_965 = tpu.vector_load %arg7[%get3A_963, %get3A_964] {strides = array<i32>} : memref<208x64xi32, #tpu.memory_space<vmem>>, vector<1x16xi32>,
        %get3A_966 = vector.shape_cast %get3A_965 : vector<1x16xi32> to vector<16xi32>
        %shift_left3A_967 = arith.constant 16 : i32
        %shift_left3A_968 = vector.broadcast %shift_left3A_967 : i32 to vector<16xi32>
        %shift_left3A_969 = arith.shli %get3A_966, %shift_left3A_968 : vector<16xi32>
        %bitcast_convert_type3A_970 = tpu.bitcast %shift_left3A_969 : vector<16xi32> -> vector<16xf32>
        %add3A_971 = arith.addf %add3A_915, %bitcast_convert_type3A_970 : vector<16xf32>
        %and3A_972 = arith.andi %get3A_966, %broadcast_in_dim3A_5 : vector<16xi32>
        %bitcast_convert_type3A_973 = tpu.bitcast %and3A_972 : vector<16xi32> -> vector<16xf32>
        %add3A_974 = arith.addf %add3A_918, %bitcast_convert_type3A_973 : vector<16xf32>
        %add3A_975 = arith.constant 12 : i32
        %add3A_976 = arith.addi %mul3A_264, %add3A_975 : i32
        %get3A_977 = arith.index_cast %add3A_976 : i32 to index
        %get3A_978 = arith.constant 48 : index
        %get3A_979 = tpu.vector_load %arg7[%get3A_977, %get3A_978] {strides = array<i32>} : memref<208x64xi32, #tpu.memory_space<vmem>>, vector<1x16xi32>,
        %get3A_980 = vector.shape_cast %get3A_979 : vector<1x16xi32> to vector<16xi32>
        %shift_left3A_981 = arith.constant 16 : i32
        %shift_left3A_982 = vector.broadcast %shift_left3A_981 : i32 to vector<16xi32>
        %shift_left3A_983 = arith.shli %get3A_980, %shift_left3A_982 : vector<16xi32>
        %bitcast_convert_type3A_984 = tpu.bitcast %shift_left3A_983 : vector<16xi32> -> vector<16xf32>
        %add3A_985 = arith.addf %add3A_929, %bitcast_convert_type3A_984 : vector<16xf32>
        %and3A_986 = arith.andi %get3A_980, %broadcast_in_dim3A_5 : vector<16xi32>
        %bitcast_convert_type3A_987 = tpu.bitcast %and3A_986 : vector<16xi32> -> vector<16xf32>
        %add3A_988 = arith.addf %add3A_932, %bitcast_convert_type3A_987 : vector<16xf32>
        %add3A_989 = arith.constant 13 : i32
        %add3A_990 = arith.addi %mul3A_264, %add3A_989 : i32
        %get3A_991 = arith.index_cast %add3A_990 : i32 to index
        %get3A_992 = arith.constant 0 : index
        %get3A_993 = tpu.vector_load %arg7[%get3A_991, %get3A_992] {strides = array<i32>} : memref<208x64xi32, #tpu.memory_space<vmem>>, vector<1x16xi32>,
        %get3A_994 = vector.shape_cast %get3A_993 : vector<1x16xi32> to vector<16xi32>
        %shift_left3A_995 = arith.constant 16 : i32
        %shift_left3A_996 = vector.broadcast %shift_left3A_995 : i32 to vector<16xi32>
        %shift_left3A_997 = arith.shli %get3A_994, %shift_left3A_996 : vector<16xi32>
        %bitcast_convert_type3A_998 = tpu.bitcast %shift_left3A_997 : vector<16xi32> -> vector<16xf32>
        %add3A_999 = arith.addf %add3A_943, %bitcast_convert_type3A_998 : vector<16xf32>
        %and3A_1000 = arith.andi %get3A_994, %broadcast_in_dim3A_5 : vector<16xi32>
        %bitcast_convert_type3A_1001 = tpu.bitcast %and3A_1000 : vector<16xi32> -> vector<16xf32>
        %add3A_1002 = arith.addf %add3A_946, %bitcast_convert_type3A_1001 : vector<16xf32>
        %add3A_1003 = arith.constant 13 : i32
        %add3A_1004 = arith.addi %mul3A_264, %add3A_1003 : i32
        %get3A_1005 = arith.index_cast %add3A_1004 : i32 to index
        %get3A_1006 = arith.constant 16 : index
        %get3A_1007 = tpu.vector_load %arg7[%get3A_1005, %get3A_1006] {strides = array<i32>} : memref<208x64xi32, #tpu.memory_space<vmem>>, vector<1x16xi32>,
        %get3A_1008 = vector.shape_cast %get3A_1007 : vector<1x16xi32> to vector<16xi32>
        %shift_left3A_1009 = arith.constant 16 : i32
        %shift_left3A_1010 = vector.broadcast %shift_left3A_1009 : i32 to vector<16xi32>
        %shift_left3A_1011 = arith.shli %get3A_1008, %shift_left3A_1010 : vector<16xi32>
        %bitcast_convert_type3A_1012 = tpu.bitcast %shift_left3A_1011 : vector<16xi32> -> vector<16xf32>
        %add3A_1013 = arith.addf %add3A_957, %bitcast_convert_type3A_1012 : vector<16xf32>
        %and3A_1014 = arith.andi %get3A_1008, %broadcast_in_dim3A_5 : vector<16xi32>
        %bitcast_convert_type3A_1015 = tpu.bitcast %and3A_1014 : vector<16xi32> -> vector<16xf32>
        %add3A_1016 = arith.addf %add3A_960, %bitcast_convert_type3A_1015 : vector<16xf32>
        %add3A_1017 = arith.constant 13 : i32
        %add3A_1018 = arith.addi %mul3A_264, %add3A_1017 : i32
        %get3A_1019 = arith.index_cast %add3A_1018 : i32 to index
        %get3A_1020 = arith.constant 32 : index
        %get3A_1021 = tpu.vector_load %arg7[%get3A_1019, %get3A_1020] {strides = array<i32>} : memref<208x64xi32, #tpu.memory_space<vmem>>, vector<1x16xi32>,
        %get3A_1022 = vector.shape_cast %get3A_1021 : vector<1x16xi32> to vector<16xi32>
        %shift_left3A_1023 = arith.constant 16 : i32
        %shift_left3A_1024 = vector.broadcast %shift_left3A_1023 : i32 to vector<16xi32>
        %shift_left3A_1025 = arith.shli %get3A_1022, %shift_left3A_1024 : vector<16xi32>
        %bitcast_convert_type3A_1026 = tpu.bitcast %shift_left3A_1025 : vector<16xi32> -> vector<16xf32>
        %add3A_1027 = arith.addf %add3A_971, %bitcast_convert_type3A_1026 : vector<16xf32>
        %and3A_1028 = arith.andi %get3A_1022, %broadcast_in_dim3A_5 : vector<16xi32>
        %bitcast_convert_type3A_1029 = tpu.bitcast %and3A_1028 : vector<16xi32> -> vector<16xf32>
        %add3A_1030 = arith.addf %add3A_974, %bitcast_convert_type3A_1029 : vector<16xf32>
        %add3A_1031 = arith.constant 13 : i32
        %add3A_1032 = arith.addi %mul3A_264, %add3A_1031 : i32
        %get3A_1033 = arith.index_cast %add3A_1032 : i32 to index
        %get3A_1034 = arith.constant 48 : index
        %get3A_1035 = tpu.vector_load %arg7[%get3A_1033, %get3A_1034] {strides = array<i32>} : memref<208x64xi32, #tpu.memory_space<vmem>>, vector<1x16xi32>,
        %get3A_1036 = vector.shape_cast %get3A_1035 : vector<1x16xi32> to vector<16xi32>
        %shift_left3A_1037 = arith.constant 16 : i32
        %shift_left3A_1038 = vector.broadcast %shift_left3A_1037 : i32 to vector<16xi32>
        %shift_left3A_1039 = arith.shli %get3A_1036, %shift_left3A_1038 : vector<16xi32>
        %bitcast_convert_type3A_1040 = tpu.bitcast %shift_left3A_1039 : vector<16xi32> -> vector<16xf32>
        %add3A_1041 = arith.addf %add3A_985, %bitcast_convert_type3A_1040 : vector<16xf32>
        %and3A_1042 = arith.andi %get3A_1036, %broadcast_in_dim3A_5 : vector<16xi32>
        %bitcast_convert_type3A_1043 = tpu.bitcast %and3A_1042 : vector<16xi32> -> vector<16xf32>
        %add3A_1044 = arith.addf %add3A_988, %bitcast_convert_type3A_1043 : vector<16xf32>
        %add3A_1045 = arith.constant 14 : i32
        %add3A_1046 = arith.addi %mul3A_264, %add3A_1045 : i32
        %get3A_1047 = arith.index_cast %add3A_1046 : i32 to index
        %get3A_1048 = arith.constant 0 : index
        %get3A_1049 = tpu.vector_load %arg7[%get3A_1047, %get3A_1048] {strides = array<i32>} : memref<208x64xi32, #tpu.memory_space<vmem>>, vector<1x16xi32>,
        %get3A_1050 = vector.shape_cast %get3A_1049 : vector<1x16xi32> to vector<16xi32>
        %shift_left3A_1051 = arith.constant 16 : i32
        %shift_left3A_1052 = vector.broadcast %shift_left3A_1051 : i32 to vector<16xi32>
        %shift_left3A_1053 = arith.shli %get3A_1050, %shift_left3A_1052 : vector<16xi32>
        %bitcast_convert_type3A_1054 = tpu.bitcast %shift_left3A_1053 : vector<16xi32> -> vector<16xf32>
        %add3A_1055 = arith.addf %add3A_999, %bitcast_convert_type3A_1054 : vector<16xf32>
        %and3A_1056 = arith.andi %get3A_1050, %broadcast_in_dim3A_5 : vector<16xi32>
        %bitcast_convert_type3A_1057 = tpu.bitcast %and3A_1056 : vector<16xi32> -> vector<16xf32>
        %add3A_1058 = arith.addf %add3A_1002, %bitcast_convert_type3A_1057 : vector<16xf32>
        %add3A_1059 = arith.constant 14 : i32
        %add3A_1060 = arith.addi %mul3A_264, %add3A_1059 : i32
        %get3A_1061 = arith.index_cast %add3A_1060 : i32 to index
        %get3A_1062 = arith.constant 16 : index
        %get3A_1063 = tpu.vector_load %arg7[%get3A_1061, %get3A_1062] {strides = array<i32>} : memref<208x64xi32, #tpu.memory_space<vmem>>, vector<1x16xi32>,
        %get3A_1064 = vector.shape_cast %get3A_1063 : vector<1x16xi32> to vector<16xi32>
        %shift_left3A_1065 = arith.constant 16 : i32
        %shift_left3A_1066 = vector.broadcast %shift_left3A_1065 : i32 to vector<16xi32>
        %shift_left3A_1067 = arith.shli %get3A_1064, %shift_left3A_1066 : vector<16xi32>
        %bitcast_convert_type3A_1068 = tpu.bitcast %shift_left3A_1067 : vector<16xi32> -> vector<16xf32>
        %add3A_1069 = arith.addf %add3A_1013, %bitcast_convert_type3A_1068 : vector<16xf32>
        %and3A_1070 = arith.andi %get3A_1064, %broadcast_in_dim3A_5 : vector<16xi32>
        %bitcast_convert_type3A_1071 = tpu.bitcast %and3A_1070 : vector<16xi32> -> vector<16xf32>
        %add3A_1072 = arith.addf %add3A_1016, %bitcast_convert_type3A_1071 : vector<16xf32>
        %add3A_1073 = arith.constant 14 : i32
        %add3A_1074 = arith.addi %mul3A_264, %add3A_1073 : i32
        %get3A_1075 = arith.index_cast %add3A_1074 : i32 to index
        %get3A_1076 = arith.constant 32 : index
        %get3A_1077 = tpu.vector_load %arg7[%get3A_1075, %get3A_1076] {strides = array<i32>} : memref<208x64xi32, #tpu.memory_space<vmem>>, vector<1x16xi32>,
        %get3A_1078 = vector.shape_cast %get3A_1077 : vector<1x16xi32> to vector<16xi32>
        %shift_left3A_1079 = arith.constant 16 : i32
        %shift_left3A_1080 = vector.broadcast %shift_left3A_1079 : i32 to vector<16xi32>
        %shift_left3A_1081 = arith.shli %get3A_1078, %shift_left3A_1080 : vector<16xi32>
        %bitcast_convert_type3A_1082 = tpu.bitcast %shift_left3A_1081 : vector<16xi32> -> vector<16xf32>
        %add3A_1083 = arith.addf %add3A_1027, %bitcast_convert_type3A_1082 : vector<16xf32>
        %and3A_1084 = arith.andi %get3A_1078, %broadcast_in_dim3A_5 : vector<16xi32>
        %bitcast_convert_type3A_1085 = tpu.bitcast %and3A_1084 : vector<16xi32> -> vector<16xf32>
        %add3A_1086 = arith.addf %add3A_1030, %bitcast_convert_type3A_1085 : vector<16xf32>
        %add3A_1087 = arith.constant 14 : i32
        %add3A_1088 = arith.addi %mul3A_264, %add3A_1087 : i32
        %get3A_1089 = arith.index_cast %add3A_1088 : i32 to index
        %get3A_1090 = arith.constant 48 : index
        %get3A_1091 = tpu.vector_load %arg7[%get3A_1089, %get3A_1090] {strides = array<i32>} : memref<208x64xi32, #tpu.memory_space<vmem>>, vector<1x16xi32>,
        %get3A_1092 = vector.shape_cast %get3A_1091 : vector<1x16xi32> to vector<16xi32>
        %shift_left3A_1093 = arith.constant 16 : i32
        %shift_left3A_1094 = vector.broadcast %shift_left3A_1093 : i32 to vector<16xi32>
        %shift_left3A_1095 = arith.shli %get3A_1092, %shift_left3A_1094 : vector<16xi32>
        %bitcast_convert_type3A_1096 = tpu.bitcast %shift_left3A_1095 : vector<16xi32> -> vector<16xf32>
        %add3A_1097 = arith.addf %add3A_1041, %bitcast_convert_type3A_1096 : vector<16xf32>
        %and3A_1098 = arith.andi %get3A_1092, %broadcast_in_dim3A_5 : vector<16xi32>
        %bitcast_convert_type3A_1099 = tpu.bitcast %and3A_1098 : vector<16xi32> -> vector<16xf32>
        %add3A_1100 = arith.addf %add3A_1044, %bitcast_convert_type3A_1099 : vector<16xf32>
        %add3A_1101 = arith.constant 15 : i32
        %add3A_1102 = arith.addi %mul3A_264, %add3A_1101 : i32
        %get3A_1103 = arith.index_cast %add3A_1102 : i32 to index
        %get3A_1104 = arith.constant 0 : index
        %get3A_1105 = tpu.vector_load %arg7[%get3A_1103, %get3A_1104] {strides = array<i32>} : memref<208x64xi32, #tpu.memory_space<vmem>>, vector<1x16xi32>,
        %get3A_1106 = vector.shape_cast %get3A_1105 : vector<1x16xi32> to vector<16xi32>
        %shift_left3A_1107 = arith.constant 16 : i32
        %shift_left3A_1108 = vector.broadcast %shift_left3A_1107 : i32 to vector<16xi32>
        %shift_left3A_1109 = arith.shli %get3A_1106, %shift_left3A_1108 : vector<16xi32>
        %bitcast_convert_type3A_1110 = tpu.bitcast %shift_left3A_1109 : vector<16xi32> -> vector<16xf32>
        %add3A_1111 = arith.addf %add3A_1055, %bitcast_convert_type3A_1110 : vector<16xf32>
        %and3A_1112 = arith.andi %get3A_1106, %broadcast_in_dim3A_5 : vector<16xi32>
        %bitcast_convert_type3A_1113 = tpu.bitcast %and3A_1112 : vector<16xi32> -> vector<16xf32>
        %add3A_1114 = arith.addf %add3A_1058, %bitcast_convert_type3A_1113 : vector<16xf32>
        %add3A_1115 = arith.constant 15 : i32
        %add3A_1116 = arith.addi %mul3A_264, %add3A_1115 : i32
        %get3A_1117 = arith.index_cast %add3A_1116 : i32 to index
        %get3A_1118 = arith.constant 16 : index
        %get3A_1119 = tpu.vector_load %arg7[%get3A_1117, %get3A_1118] {strides = array<i32>} : memref<208x64xi32, #tpu.memory_space<vmem>>, vector<1x16xi32>,
        %get3A_1120 = vector.shape_cast %get3A_1119 : vector<1x16xi32> to vector<16xi32>
        %shift_left3A_1121 = arith.constant 16 : i32
        %shift_left3A_1122 = vector.broadcast %shift_left3A_1121 : i32 to vector<16xi32>
        %shift_left3A_1123 = arith.shli %get3A_1120, %shift_left3A_1122 : vector<16xi32>
        %bitcast_convert_type3A_1124 = tpu.bitcast %shift_left3A_1123 : vector<16xi32> -> vector<16xf32>
        %add3A_1125 = arith.addf %add3A_1069, %bitcast_convert_type3A_1124 : vector<16xf32>
        %and3A_1126 = arith.andi %get3A_1120, %broadcast_in_dim3A_5 : vector<16xi32>
        %bitcast_convert_type3A_1127 = tpu.bitcast %and3A_1126 : vector<16xi32> -> vector<16xf32>
        %add3A_1128 = arith.addf %add3A_1072, %bitcast_convert_type3A_1127 : vector<16xf32>
        %add3A_1129 = arith.constant 15 : i32
        %add3A_1130 = arith.addi %mul3A_264, %add3A_1129 : i32
        %get3A_1131 = arith.index_cast %add3A_1130 : i32 to index
        %get3A_1132 = arith.constant 32 : index
        %get3A_1133 = tpu.vector_load %arg7[%get3A_1131, %get3A_1132] {strides = array<i32>} : memref<208x64xi32, #tpu.memory_space<vmem>>, vector<1x16xi32>,
        %get3A_1134 = vector.shape_cast %get3A_1133 : vector<1x16xi32> to vector<16xi32>
        %shift_left3A_1135 = arith.constant 16 : i32
        %shift_left3A_1136 = vector.broadcast %shift_left3A_1135 : i32 to vector<16xi32>
        %shift_left3A_1137 = arith.shli %get3A_1134, %shift_left3A_1136 : vector<16xi32>
        %bitcast_convert_type3A_1138 = tpu.bitcast %shift_left3A_1137 : vector<16xi32> -> vector<16xf32>
        %add3A_1139 = arith.addf %add3A_1083, %bitcast_convert_type3A_1138 : vector<16xf32>
        %and3A_1140 = arith.andi %get3A_1134, %broadcast_in_dim3A_5 : vector<16xi32>
        %bitcast_convert_type3A_1141 = tpu.bitcast %and3A_1140 : vector<16xi32> -> vector<16xf32>
        %add3A_1142 = arith.addf %add3A_1086, %bitcast_convert_type3A_1141 : vector<16xf32>
        %add3A_1143 = arith.constant 15 : i32
        %add3A_1144 = arith.addi %mul3A_264, %add3A_1143 : i32
        %get3A_1145 = arith.index_cast %add3A_1144 : i32 to index
        %get3A_1146 = arith.constant 48 : index
        %get3A_1147 = tpu.vector_load %arg7[%get3A_1145, %get3A_1146] {strides = array<i32>} : memref<208x64xi32, #tpu.memory_space<vmem>>, vector<1x16xi32>,
        %get3A_1148 = vector.shape_cast %get3A_1147 : vector<1x16xi32> to vector<16xi32>
        %shift_left3A_1149 = arith.constant 16 : i32
        %shift_left3A_1150 = vector.broadcast %shift_left3A_1149 : i32 to vector<16xi32>
        %shift_left3A_1151 = arith.shli %get3A_1148, %shift_left3A_1150 : vector<16xi32>
        %bitcast_convert_type3A_1152 = tpu.bitcast %shift_left3A_1151 : vector<16xi32> -> vector<16xf32>
        %add3A_1153 = arith.addf %add3A_1097, %bitcast_convert_type3A_1152 : vector<16xf32>
        %and3A_1154 = arith.andi %get3A_1148, %broadcast_in_dim3A_5 : vector<16xi32>
        %bitcast_convert_type3A_1155 = tpu.bitcast %and3A_1154 : vector<16xi32> -> vector<16xf32>
        %add3A_1156 = arith.addf %add3A_1100, %bitcast_convert_type3A_1155 : vector<16xf32>
        scf.yield %add3A_1111, %add3A_1114, %add3A_1125, %add3A_1128, %add3A_1139, %add3A_1142, %add3A_1153, %add3A_1156 : vector<16xf32>, vector<16xf32>, vector<16xf32>, vector<16xf32>, vector<16xf32>, vector<16xf32>, vector<16xf32>, vector<16xf32>
      }
      %scan3A_213 = arith.constant 13 : i32
      %swap3A_214 = arith.index_cast %add3A_47 : i32 to index
      %swap3A_215 = arith.constant 0 : index
      %swap3A_216 = tpu.vector_load %arg8[%swap3A_214, %swap3A_215] {strides = array<i32>} : memref<128x128xf32, #tpu.memory_space<vmem>>, vector<1x16xf32>,
      %swap3A_217 = vector.shape_cast %swap3A_216 : vector<1x16xf32> to vector<16xf32>
      %swap3A_218 = vector.shape_cast %scan3A_212#0 : vector<16xf32> to vector<1x16xf32>
      tpu.vector_store %arg8[%swap3A_214, %swap3A_215], %swap3A_218 {strides = array<i32>} : memref<128x128xf32, #tpu.memory_space<vmem>>, vector<1x16xf32>,
      %swap3A_219 = arith.index_cast %add3A_47 : i32 to index
      %swap3A_220 = arith.constant 16 : index
      %swap3A_221 = tpu.vector_load %arg8[%swap3A_219, %swap3A_220] {strides = array<i32>} : memref<128x128xf32, #tpu.memory_space<vmem>>, vector<1x16xf32>,
      %swap3A_222 = vector.shape_cast %swap3A_221 : vector<1x16xf32> to vector<16xf32>
      %swap3A_223 = vector.shape_cast %scan3A_212#1 : vector<16xf32> to vector<1x16xf32>
      tpu.vector_store %arg8[%swap3A_219, %swap3A_220], %swap3A_223 {strides = array<i32>} : memref<128x128xf32, #tpu.memory_space<vmem>>, vector<1x16xf32>,
      %swap3A_224 = arith.index_cast %add3A_47 : i32 to index
      %swap3A_225 = arith.constant 32 : index
      %swap3A_226 = tpu.vector_load %arg8[%swap3A_224, %swap3A_225] {strides = array<i32>} : memref<128x128xf32, #tpu.memory_space<vmem>>, vector<1x16xf32>,
      %swap3A_227 = vector.shape_cast %swap3A_226 : vector<1x16xf32> to vector<16xf32>
      %swap3A_228 = vector.shape_cast %scan3A_212#2 : vector<16xf32> to vector<1x16xf32>
      tpu.vector_store %arg8[%swap3A_224, %swap3A_225], %swap3A_228 {strides = array<i32>} : memref<128x128xf32, #tpu.memory_space<vmem>>, vector<1x16xf32>,
      %swap3A_229 = arith.index_cast %add3A_47 : i32 to index
      %swap3A_230 = arith.constant 48 : index
      %swap3A_231 = tpu.vector_load %arg8[%swap3A_229, %swap3A_230] {strides = array<i32>} : memref<128x128xf32, #tpu.memory_space<vmem>>, vector<1x16xf32>,
      %swap3A_232 = vector.shape_cast %swap3A_231 : vector<1x16xf32> to vector<16xf32>
      %swap3A_233 = vector.shape_cast %scan3A_212#3 : vector<16xf32> to vector<1x16xf32>
      tpu.vector_store %arg8[%swap3A_229, %swap3A_230], %swap3A_233 {strides = array<i32>} : memref<128x128xf32, #tpu.memory_space<vmem>>, vector<1x16xf32>,
      %swap3A_234 = arith.index_cast %add3A_47 : i32 to index
      %swap3A_235 = arith.constant 64 : index
      %swap3A_236 = tpu.vector_load %arg8[%swap3A_234, %swap3A_235] {strides = array<i32>} : memref<128x128xf32, #tpu.memory_space<vmem>>, vector<1x16xf32>,
      %swap3A_237 = vector.shape_cast %swap3A_236 : vector<1x16xf32> to vector<16xf32>
      %swap3A_238 = vector.shape_cast %scan3A_212#4 : vector<16xf32> to vector<1x16xf32>
      tpu.vector_store %arg8[%swap3A_234, %swap3A_235], %swap3A_238 {strides = array<i32>} : memref<128x128xf32, #tpu.memory_space<vmem>>, vector<1x16xf32>,
      %swap3A_239 = arith.index_cast %add3A_47 : i32 to index
      %swap3A_240 = arith.constant 80 : index
      %swap3A_241 = tpu.vector_load %arg8[%swap3A_239, %swap3A_240] {strides = array<i32>} : memref<128x128xf32, #tpu.memory_space<vmem>>, vector<1x16xf32>,
      %swap3A_242 = vector.shape_cast %swap3A_241 : vector<1x16xf32> to vector<16xf32>
      %swap3A_243 = vector.shape_cast %scan3A_212#5 : vector<16xf32> to vector<1x16xf32>
      tpu.vector_store %arg8[%swap3A_239, %swap3A_240], %swap3A_243 {strides = array<i32>} : memref<128x128xf32, #tpu.memory_space<vmem>>, vector<1x16xf32>,
      %swap3A_244 = arith.index_cast %add3A_47 : i32 to index
      %swap3A_245 = arith.constant 96 : index
      %swap3A_246 = tpu.vector_load %arg8[%swap3A_244, %swap3A_245] {strides = array<i32>} : memref<128x128xf32, #tpu.memory_space<vmem>>, vector<1x16xf32>,
      %swap3A_247 = vector.shape_cast %swap3A_246 : vector<1x16xf32> to vector<16xf32>
      %swap3A_248 = vector.shape_cast %scan3A_212#6 : vector<16xf32> to vector<1x16xf32>
      tpu.vector_store %arg8[%swap3A_244, %swap3A_245], %swap3A_248 {strides = array<i32>} : memref<128x128xf32, #tpu.memory_space<vmem>>, vector<1x16xf32>,
      %swap3A_249 = arith.index_cast %add3A_47 : i32 to index
      %swap3A_250 = arith.constant 112 : index
      %swap3A_251 = tpu.vector_load %arg8[%swap3A_249, %swap3A_250] {strides = array<i32>} : memref<128x128xf32, #tpu.memory_space<vmem>>, vector<1x16xf32>,
      %swap3A_252 = vector.shape_cast %swap3A_251 : vector<1x16xf32> to vector<16xf32>
      %swap3A_253 = vector.shape_cast %scan3A_212#7 : vector<16xf32> to vector<1x16xf32>
      tpu.vector_store %arg8[%swap3A_249, %swap3A_250], %swap3A_253 {strides = array<i32>} : memref<128x128xf32, #tpu.memory_space<vmem>>, vector<1x16xf32>,
    }
    %scan3A_25 = arith.constant 64 : i32
    %dma_wait3A = arith.constant 0 : i32
    %dma_wait3A_26 = arith.constant 0 : i32
    %dma_wait3A_27 = tpu.memref_slice %arg6[%dma_wait3A, %dma_wait3A_26] : memref<208x64xi32, #tpu.memory_space<vmem>> -> memref<112x64xi32, #tpu.memory_space<vmem>>
    %dma_wait3A_28 = arith.constant 0 : i32
    %dma_wait3A_29 = tpu.memref_slice %arg5[%dma_wait3A_28] : memref<26624xi32, #tpu.memory_space<vmem>> -> memref<112xi32, #tpu.memory_space<vmem>>
    %dma_wait3A_30 = arith.constant 0 : i32
    %dma_wait3A_31 = arith.constant 0 : i32
    %dma_wait3A_32 = tpu.memref_slice %arg2[%dma_wait3A_30, %dma_wait3A_31] : memref<132768x64xi32, #tpu.memory_space<hbm>> -> memref<132768x64xi32, #tpu.memory_space<hbm>>
    tpu.wait_indirect_dma semaphore(%arg9 : memref<!tpu.dma_semaphore, #tpu.memory_space<semaphore_mem>>) src(%dma_wait3A_32 : memref<132768x64xi32, #tpu.memory_space<hbm>>) dst(%dma_wait3A_27 : memref<112x64xi32, #tpu.memory_space<vmem>>)
    %dma_wait3A_33 = arith.constant 112 : i32
    %dma_wait3A_34 = arith.constant 0 : i32
    %dma_wait3A_35 = tpu.memref_slice %arg6[%dma_wait3A_33, %dma_wait3A_34] : memref<208x64xi32, #tpu.memory_space<vmem>> -> memref<96x64xi32, #tpu.memory_space<vmem>>
    %dma_wait3A_36 = arith.constant 112 : i32
    %dma_wait3A_37 = tpu.memref_slice %arg5[%dma_wait3A_36] : memref<26624xi32, #tpu.memory_space<vmem>> -> memref<96xi32, #tpu.memory_space<vmem>>
    %dma_wait3A_38 = arith.constant 0 : i32
    %dma_wait3A_39 = arith.constant 0 : i32
    %dma_wait3A_40 = tpu.memref_slice %arg2[%dma_wait3A_38, %dma_wait3A_39] : memref<132768x64xi32, #tpu.memory_space<hbm>> -> memref<132768x64xi32, #tpu.memory_space<hbm>>
    tpu.wait_indirect_dma semaphore(%arg9 : memref<!tpu.dma_semaphore, #tpu.memory_space<semaphore_mem>>) src(%dma_wait3A_40 : memref<132768x64xi32, #tpu.memory_space<hbm>>) dst(%dma_wait3A_35 : memref<96x64xi32, #tpu.memory_space<vmem>>)
    "tpu.region"() ({
      %run_scoped3A = tpu.sem_alloc : memref<!tpu.dma_semaphore, #tpu.memory_space<semaphore_mem>>
      %dma_start3A_41 = arith.constant 0 : i32
      %dma_start3A_42 = tpu.memref_slice %arg4[%mul3A_2, %dma_start3A_41] : memref<4096x128xf32, #tpu.memory_space<hbm>> -> memref<128x128xf32, #tpu.memory_space<hbm>>
      %dma_start3A_43 = arith.constant 0 : i32
      %dma_start3A_44 = tpu.memref_slice %arg4[%mul3A_2, %dma_start3A_43] : memref<4096x128xf32, #tpu.memory_space<hbm>> -> memref<128x128xf32, #tpu.memory_space<hbm>>
      tpu.enqueue_dma source(%arg8 : memref<128x128xf32, #tpu.memory_space<vmem>>) target(%dma_start3A_44 : memref<128x128xf32, #tpu.memory_space<hbm>>) target_semaphore(%run_scoped3A : memref<!tpu.dma_semaphore, #tpu.memory_space<semaphore_mem>>)
      %dma_wait3A_45 = arith.constant 0 : i32
      %dma_wait3A_46 = tpu.memref_slice %arg4[%mul3A_2, %dma_wait3A_45] : memref<4096x128xf32, #tpu.memory_space<hbm>> -> memref<128x128xf32, #tpu.memory_space<hbm>>
      %dma_wait3A_47 = arith.constant 0 : i32
      %dma_wait3A_48 = tpu.memref_slice %arg4[%mul3A_2, %dma_wait3A_47] : memref<4096x128xf32, #tpu.memory_space<hbm>> -> memref<128x128xf32, #tpu.memory_space<hbm>>
      tpu.wait_dma2 semaphore(%run_scoped3A : memref<!tpu.dma_semaphore, #tpu.memory_space<semaphore_mem>>) src(%arg8 : memref<128x128xf32, #tpu.memory_space<vmem>>) dst(%dma_wait3A_48 : memref<128x128xf32, #tpu.memory_space<hbm>>)
      tpu.yield
    }) : () -> ()
    return
  }
}

module attributes {stable_mosaic.version = 14 : i64} {
  func.func @body(%arg0: i32, %arg1: memref<512x128xf32, #tpu.memory_space<vmem>>, %arg2: memref<512x200xi32, #tpu.memory_space<vmem>>, %arg3: memref<128x128xf32, #tpu.memory_space<vmem>>, %arg4: memref<512x128xf32, #tpu.memory_space<vmem>>) attributes {dimension_semantics = [#tpu.dimension_semantics<arbitrary>], iteration_bounds = array<i64: 8>, scalar_prefetch = 0 : i64, scratch_operands = 0 : i64, tpu.core_type = #tpu.core_type<tc>, window_params = [{transform_indices = @transform_0, window_bounds = array<i64: 512, 128>}, {transform_indices = @transform_1, window_bounds = array<i64: 512, 200>}, {pipeline_mode = #tpu.pipeline_mode<synchronous>, transform_indices = @transform_2, window_bounds = array<i64: 128, 128>}, {transform_indices = @transform_3, window_bounds = array<i64: 512, 128>}]} {
    %get3A = arith.constant 0 : index
    %get3A_0 = arith.constant 0 : index
    %get3A_1 = vector.load %arg2[%get3A, %get3A_0] : memref<512x200xi32, #tpu.memory_space<vmem>>, vector<512x200xi32>
    %convert_element_type3A = arith.sitofp %get3A_1 : vector<512x200xi32> to vector<512x200xf32>
    %reduce_sum3A = arith.constant dense<0.000000e+00> : vector<512xf32>
    %reduce_sum3A_2 = vector.multi_reduction <add>, %convert_element_type3A, %reduce_sum3A [1] : vector<512x200xf32> to vector<512xf32>
    %broadcast_in_dim3A = vector.shape_cast %reduce_sum3A_2 : vector<512xf32> to vector<512x1xf32>
    %get3A_3 = arith.constant 0 : index
    %get3A_4 = arith.constant 0 : index
    %get3A_5 = vector.load %arg1[%get3A_3, %get3A_4] : memref<512x128xf32, #tpu.memory_space<vmem>>, vector<512x128xf32>
    %get3A_6 = arith.constant 0 : index
    %get3A_7 = arith.constant 0 : index
    %get3A_8 = vector.load %arg3[%get3A_6, %get3A_7] : memref<128x128xf32, #tpu.memory_space<vmem>>, vector<128x128xf32>
    %dot_general3A = arith.constant dense<0.000000e+00> : vector<512x128xf32>
    %dot_general3A_9 = tpu.matmul %get3A_5, %get3A_8, %dot_general3A {dimension_numbers = #tpu.dot_dimension_numbers<[1], [0], [0], [1], [0, 0, 1, 1], [], []>, transpose_lhs_hint = false} : vector<512x128xf32>, vector<128x128xf32>, vector<512x128xf32> -> vector<512x128xf32>
    %jit3A = arith.constant 9.99999971E-10 : f32
    %max3A = vector.broadcast %jit3A : f32 to vector<512x1xf32>
    %max3A_10 = arith.maximumf %max3A, %broadcast_in_dim3A : vector<512x1xf32>
    %div3A = vector.broadcast %max3A_10 : vector<512x1xf32> to vector<512x128xf32>
    %div3A_11 = arith.divf %dot_general3A_9, %div3A : vector<512x128xf32>
    %swap3A = arith.constant 0 : index
    %swap3A_12 = arith.constant 0 : index
    %swap3A_13 = vector.load %arg4[%swap3A, %swap3A_12] : memref<512x128xf32, #tpu.memory_space<vmem>>, vector<512x128xf32>
    tpu.vector_store %arg4[%swap3A, %swap3A_12], %div3A_11 {strides = array<i32>} : memref<512x128xf32, #tpu.memory_space<vmem>>, vector<512x128xf32>,
    return
  }
  func.func @transform_0(%arg0: i32) -> (i32, i32) {
    %c0_i32 = arith.constant 0 : i32
    %c0_i32_0 = arith.constant 0 : i32
    return %arg0, %c0_i32 : i32, i32
  }
  func.func @transform_1(%arg0: i32) -> (i32, i32) {
    %c0_i32 = arith.constant 0 : i32
    %c0_i32_0 = arith.constant 0 : i32
    return %arg0, %c0_i32 : i32, i32
  }
  func.func @transform_2(%arg0: i32) -> (i32, i32) {
    %c0_i32 = arith.constant 0 : i32
    %c0_i32_0 = arith.constant 0 : i32
    %c0_i32_1 = arith.constant 0 : i32
    return %c0_i32, %c0_i32_0 : i32, i32
  }
  func.func @transform_3(%arg0: i32) -> (i32, i32) {
    %c0_i32 = arith.constant 0 : i32
    %c0_i32_0 = arith.constant 0 : i32
    return %arg0, %c0_i32 : i32, i32
  }
}

</mosaic_0001>

<sc_bundles>
// kernel: kernel.4.cloned.1.call-start
scs
__scs_entry_jumppad:
0x0: {  	(pc) =	sbr.rel $0x88, $3  }
0x1: {  	(tag) =	ssettag $0x0;
	lr =	simm.s32 $0x1  }
0x2: {  	[smem:$0x3F9D] =	sst lr;
	_ =	strace $0xD0000000  }
0x3: {  	_ = 	snop  }
0x4: {  	_ = 	snop  }
0x5: {  	_ = 	snop  }
0x6: {  	_ = 	snop  }
0x7: {  	_ = 	snop  }
__scs_overlays_trampoline_lowered:
0x8: {  	[smem:$0x3FAC] =	sst s0  }
0x9: {  	[smem:$0x3FAD] =	sst s1  }
0xa: {  	[smem:$0x3FAE] =	sst s2  }
0xb: {  	[smem:$0x3FAF] =	sst s3  }
0xc: {  	[smem:$0x3FB0] =	sst s4  }
0xd: {  	[smem:$0x3FB1] =	sst s5  }
0xe: {  	[smem:$0x3FB2] =	sst s6  }
0xf: {  	[smem:$0x3FB3] =	sst s7  }
0x10: {  	[smem:$0x3FB4] =	sst s8  }
0x11: {  	[smem:$0x3FB5] =	sst s9;
	s0 =	simm.s32 @!p0 $0x0  }
0x12: {  	s1 =	sld [smem:$0x3F9B];
	s0 =	simm.s32 @p0 $0x1  }
0x13: {  	[smem:$0x3FB6] =	sst s0;
	s0 =	simm.s32 @!p1 $0x0  }
0x14: {  	s2 =	sld [smem:$0x3F9A];
	s0 =	simm.s32 @p1 $0x1  }
0x15: {  	[smem:$0x3FB7] =	sst s0;
	s0 =	simm.s32 @!p2 $0x0  }
0x16: {  	s3 =	sld [smem:$0x3FDB];
	s0 =	simm.s32 @p2 $0x1  }
0x17: {  	s4 =	simm.s32 $0x1BF5;
	[smem:$0x3FB9] =	sst s0  }
0x18: {  	s0 =	sld [smem:$0x3F9C];
	_ =	swait.ge [sflag:s4], $0x0  }
0x19: {  	s7 =	sld [smem:$0x3F9D]  }
0x1a: {  	s8 =	sadd.s32 $0xFFFFE003, lr  }
0x1b: {  	s9 =	sadd.s32 $0xFFFFFEF7, lr;
	s5 =	simm.s32 $0xFFFFFFFF;
	p2 =	slt.u32 s8, $0xFFFFF086  }
0x1c: {  	p1 =	slt.u32 s9, $0xF7A;
	s5 =	simm.s32 @!p2 $0x0  }
0x1d: {  	s5 =	simm.s32 @p1 $0x1;
	p0 =	seq.s32 s7, s2  }
0x1e: {  	s7 =	smul.u32 @!p0 $0xF7A, s2;
	p2 =	seq.s32 @!p0 s5, $0x0  }
0x1f: {  	s9 =	smul.u32 $0xF7A, s1;
	s8 =	simm.s32 @!p0 $0x1BF5;
	p2 =	por !p2, p0  }
0x20: {  	[sflag:s8] =	ssyncset.s32 @!p0 $0xFFFFF086;
	s6 =	sadd.s32 @!p0 s3, s7;
	s7 =	simm.s32 @!p0 $0x108  }
0x21: {  	s3 =	sadd.s32 s3, s9;
	s6 =	sadd.s32 @!p0 $0x88, s6;
	s7 =	simm.s32 @p2 $0x1082  }
0x22: {  	[simem:s7], [sflag:s8] =	dma.local @!p0 [hbm:s6], $0xF7A  }
0x23: {  	s9 =	sor.u32 $0xD0000000, s2;
	s6 =	simm.s32 $0x108;
	_ =	swait.ge @!p0 [sflag:s8], $0x0  }
0x24: {  	s3 =	sadd.s32 $0x88, s3;
	s6 =	simm.s32 @!p1 $0x1082;
	[sflag:s4] =	ssyncset.s32 $0xFFFFF086  }
0x25: {  	[simem:s6], [sflag:s4] =	dma.local [hbm:s3], $0xF7A  }
0x26: {  	[smem:$0x3F9D] =	sst s1;
	(tag) =	ssettag s2;
	_ =	strace s9  }
0x27: {  	s1 =	sld [smem:$0x3FAD]  }
0x28: {  	s2 =	sld [smem:$0x3FAE]  }
0x29: {  	s4 =	sld [smem:$0x3FB0]  }
0x2a: {  	p0 =	seq.s32 s5, $0x0;
	s5 =	sld [smem:$0x3FB1]  }
0x2b: {  	s6 =	sld [smem:$0x3FB2]  }
0x2c: {  	s7 =	sld [smem:$0x3FB3]  }
0x2d: {  	s3 =	simm.s32 $0x108;
	s8 =	sld [smem:$0x3FB4]  }
0x2e: {  	s3 =	simm.s32 @!p0 $0x1082;
	s9 =	sld [smem:$0x3FB5]  }
0x2f: {  	lr =	sadd.s32 s0, s3;
	s0 =	sld [smem:$0x3FAC]  }
0x30: {  	s3 =	sld [smem:$0x3FAF]  }
0x31: {  	[smem:$0x3FB8] =	sst s10  }
0x32: {  	s10 =	sld [smem:$0x3FB6];
	_ =	sdelay $0x3  }
0x33: {  	p0 =	seq.s32 s10, $0x1;
	s10 =	sld [smem:$0x3FB8];
	_ =	sdelay $0x3  }
0x34: {  	[smem:$0x3FB8] =	sst s10  }
0x35: {  	s10 =	sld [smem:$0x3FB7];
	_ =	sdelay $0x3  }
0x36: {  	p1 =	seq.s32 s10, $0x1;
	s10 =	sld [smem:$0x3FB8];
	_ =	sdelay $0x3  }
0x37: {  	[smem:$0x3FB8] =	sst s10  }
0x38: {  	s10 =	sld [smem:$0x3FB9]  }
0x39: {  	_ = 	snop;
	(pc) =	sbr.ind lr, $3  }
0x3a: {  	_ = 	snop  }
0x3b: {  	_ = 	snop  }
0x3c: {  	p2 =	seq.s32 s10, $0x1;
	s10 =	sld [smem:$0x3FB8]  }
0x3d: {  	_ =	shalt  }
0x3e: {  	_ =	shalt  }
0x3f: {  	_ =	shalt  }
0x40: {  	_ =	shalt  }
0x41: {  	_ =	shalt  }
0x42: {  	_ =	shalt  }
0x43: {  	_ =	shalt  }
0x44: {  	_ =	shalt  }
0x45: {  	_ =	shalt  }
0x46: {  	_ =	shalt  }
0x47: {  	_ =	shalt  }
0x48: {  	_ =	shalt  }
0x49: {  	_ =	shalt  }
0x4a: {  	_ =	shalt  }
0x4b: {  	_ =	shalt  }
0x4c: {  	_ =	shalt  }
0x4d: {  	_ =	shalt  }
0x4e: {  	_ =	shalt  }
0x4f: {  	_ =	shalt  }
0x50: {  	_ =	shalt  }
0x51: {  	_ =	shalt  }
0x52: {  	_ =	shalt  }
0x53: {  	_ =	shalt  }
0x54: {  	_ =	shalt  }
0x55: {  	_ =	shalt  }
0x56: {  	_ =	shalt  }
0x57: {  	_ =	shalt  }
0x58: {  	_ =	shalt  }
0x59: {  	_ =	shalt  }
0x5a: {  	_ =	shalt  }
0x5b: {  	_ =	shalt  }
0x5c: {  	_ =	shalt  }
0x5d: {  	_ =	shalt  }
0x5e: {  	_ =	shalt  }
0x5f: {  	_ =	shalt  }
0x60: {  	_ =	shalt  }
0x61: {  	_ =	shalt  }
0x62: {  	_ =	shalt  }
0x63: {  	_ =	shalt  }
0x64: {  	_ =	shalt  }
0x65: {  	_ =	shalt  }
0x66: {  	_ =	shalt  }
0x67: {  	_ =	shalt  }
0x68: {  	_ =	shalt  }
0x69: {  	_ =	shalt  }
0x6a: {  	_ =	shalt  }
0x6b: {  	_ =	shalt  }
0x6c: {  	_ =	shalt  }
0x6d: {  	_ =	shalt  }
0x6e: {  	_ =	shalt  }
0x6f: {  	_ =	shalt  }
0x70: {  	_ =	shalt  }
0x71: {  	_ =	shalt  }
0x72: {  	_ =	shalt  }
0x73: {  	_ =	shalt  }
0x74: {  	_ =	shalt  }
0x75: {  	_ =	shalt  }
0x76: {  	_ =	shalt  }
0x77: {  	_ =	shalt  }
0x78: {  	_ =	shalt  }
0x79: {  	_ =	shalt  }
0x7a: {  	_ =	shalt  }
0x7b: {  	_ =	shalt  }
0x7c: {  	_ =	shalt  }
0x7d: {  	_ =	shalt  }
0x7e: {  	_ =	shalt  }
0x7f: {  	_ =	shalt  }
0x80: {  	_ =	shalt  }
0x81: {  	_ =	shalt  }
0x82: {  	_ =	shalt  }
0x83: {  	_ =	shalt  }
0x84: {  	_ =	shalt  }
0x85: {  	_ =	shalt  }
0x86: {  	_ =	shalt  }
0x87: {  	_ =	shalt  }
.Lfunc_end0:
.L_simem_size_0:
called_computation.1_lowered:
.L_overlay_start_0:
0x88: {  	s2 =	sld [smem:$0x3FD9]  }
0x89: {  	s3 =	sld [smem:$0x3FFE];
	_ =	sdelay $0x1  }
0x8a: {  	s1 =	srdreg.scid  }
0x8b: {  	s0 =	sand.u32 $0x1, s1  }
0x8c: {  	s17 =	sshll.u32 s0, $0xA;
	s2 =	sadd.s32 s3, s2  }
0x8d: {  	s2 =	sadd.s32 s2, s17  }
0x8e: {  	[smem:$0x3FC4] =	sst s2  }
0x8f: {  	_ = 	snop  }
0x90: {  	s2 =	sld [smem:$0x3FD0];
	(tm) =	ssettm $0x1  }
0x91: {  	s18 =	sld [smem:$0x3FFB];
	_ =	sdelay $0x3  }
0x92: {  	_ =	strace s18  }
0x93: {  	s3 =	sld [smem:$0x3FFC];
	_ =	sdelay $0x3  }
0x94: {  	_ =	strace s3  }
0x95: {  	s3 =	sld [smem:$0x3FFD];
	_ =	sdelay $0x3  }
0x96: {  	_ =	strace s3  }
0x97: {  	_ =	strace $0x8FFFFFFF  }
0x98: {  	s19 =	sld [smem:$0x3FDB];
	_ =	sdelay $0x1  }
0x99: {  	s4 =	simm.s32 $_scs_section_size  }
0x9a: {  	s5 =	simm.s32 $_size__tile_overlayer_lowered;
	s6 =	simm.s32 $_tile_overlayer_lowered  }
0x9b: {  	s22 =	simm.s32 $0x1BFF;
	s21 =	sshll.u32 s6, $0x1;
	s3 =	sadd.s32 s4, s19  }
0x9c: {  	s7 =	simm.s32 $0x0;
	s20 =	sshll.u32 s5, $0x1;
	s5 =	sadd.s32 s21, s3  }
0x9d: {  	[timem:s7], [sflag:s22] =	dma.local [hbm:s5], s20  }
0x9e: {  	_ =	swait.ge [sflag:s22], s20  }
0x9f: {  	s4 =	ssub.s32 $0x0, s20;
	[sflag:s22] =	ssyncset.done $0x0  }
0xa0: {  	[sflag:s22] =	ssyncadd.s32 s4;
	_ =	sdelay $0x1  }
0xa1: {  	s23 =	simm.s32 $0x1B8B  }
0xa2: {  	_ =	swait.ge [sflag:s23], $0x1  }
0xa3: {  	[sflag:s23] =	ssyncset.done $0x0  }
0xa4: {  	s25 =	simm.s32 $0x1B8E;
	s24 =	sld [smem:$0x3FFE];
	[sflag:s23] =	ssyncadd.s32 $0xFFFFFFFF  }
0xa5: {  	s26 =	simm.s32 $execute0_lowered;
	[smem:$0x3FD2] =	sst s25  }
0xa6: {  	s5 =	sshll.u32 s26, $0x1;
	_ =	strace $0x80000049;
	[dreg:$0x1] =	wrdreg $0xFFFFFFFF  }
0xa7: {  	s28 =	simm.s32 $_size_execute0_lowered;
	s3 =	sadd.s32 s3, s5;
	[dreg:$0x0] =	wrdreg $0x0  }
0xa8: {  	s5 =	sshll.u32 s28, $0x1;
	[dreg:$0x2] =	wrdreg s3  }
0xa9: {  	[dreg:$0x3] =	wrdreg s5  }
0xaa: {  	[dreg:$0x4] =	wrdreg $0xC0  }
0xab: {  	_ =	task [dreg:s7], $0x5FFFF  }
0xac: {  	[dreg:$0x1] =	wrdreg $0xFFFFFFFF  }
0xad: {  	[dreg:$0x0] =	wrdreg $0x60  }
0xae: {  	[dreg:$0x2] =	wrdreg s24  }
0xaf: {  	[dreg:$0x3] =	wrdreg s2  }
0xb0: {  	[dreg:$0x4] =	wrdreg $0x9  }
0xb1: {  	_ =	task.clear_ibuf [dreg:s7], $0x5FFFF;
	_ =	strace $0x90000049  }
0xb2: {  	s29 =	simm.s32 $0x9;
	_ =	strace $0x8000004B  }
0xb3: {  	_ =	swait.ge [sflag:s29], $0x1  }
0xb4: {  	[sflag:s29] =	ssyncadd.s32 $0xFFFFFFFF  }
0xb5: {  	_ =	strace $0x9000004B  }
0xb6: {  	_ =	sfence  }
0xb7: {  	s30 =	sld [smem:$0x0];
	_ =	sdelay $0x2  }
0xb8: {  	s31 =	sshll.u32 s1, $0xD;
	s1 =	sshrl.u32 s1, $0x2  }
0xb9: {  	s3 =	sand.u32 $0x4000, s31;
	s1 =	sadd.s32 s1, s30  }
0xba: {  	s0 =	sor.u32 s3, s0;
	s1 =	sshll.u32 s1, $0x11  }
0xbb: {  	s0 =	sor.u32 s1, s0  }
0xbc: {  	s0 =	sadd.s32 $0x8F2B, s0  }
0xbd: {  	[sflag:s0] =	ssyncadd.remote.s32 $0x1  }
0xbe: {  	_ =	sfence.sel $0xFFFF  }
0xbf: {  	[dreg:$0x0] =	wrdreg $0xFFFFFFFF;
	(pc) =	sbr.abs _section_cstart, $3  }
0xc0: {  	[dreg:$0x1] =	wrdreg $0xFFFFFFFF  }
0xc1: {  	_ =	task.clear_ibuf [dreg:s7], $0x2FFFF;
	_ =	strace $0x9FFFFFFF  }
0xc2: {  	(tm) =	ssettm $0x7FFFFFFF  }
0xc3: {  	_ =	shalt  }
tec
execute0_lowered:
.L_overlay_start_1:
0x0: {  	(tag) =	ssettag $0x1  }
0x1: {  	s4 =	rddreg [dreg:$0x0];
	s1 =	srdreg.scid  }
0x2: {  	s0 =	stileid.u32;
	s5 =	rddreg [dreg:$0x1];
	s2 =	simm.s32 $0x0  }
0x3: {  	s9 =	simm.s32 $0x6800;
	s10 =	simm.s32 $0x60;
	s11 =	simm.s32 $0xA000  }
0x4: {  	s12 =	simm.s32 $0xD000;
	s13 =	simm.s32 $0x10800;
	s14 =	simm.s32 $0x1  }
0x5: {  	s15 =	simm.s32 $0x2;
	s16 =	simm.s32 $0x13800;
	s17 =	simm.s32 $0x0  }
0x6: {  	s6 =	sand.u32 $0x1, s1;
	s3 =	sshll.u32 s0, $0x1;
	s1 =	rddreg [dreg:$0x2]  }
0x7: {  	[smem:$0x7FF] =	sst s2;
	s7 =	sor.u32 s6, s3;
	s6 =	ssub.s32 $0x2, s6  }
0x8: {  	_ =	strace $0x8000004A;
	s8 =	smul.u32 $0xD00, s7;
	s31 =	sshrl.u32 s6, $0x1  }
0x9: {  	s3 =	sadd.s32 $0x104800, s4;
	s7 =	sshll.u32 s7, $0xB;
	s6 =	ssub.s32 s6, s31  }
0xa: {  	s5 =	sadd.s32 s5, s7;
	s7 =	simm.s32 $0x3;
	s4 =	sadd.s32 s8, s4  }
0xb: {  	s6 =	smax.u32 s6, $0x1;
	s8 =	simm.s32 $0x70;
	s4 =	sadd.s32 $0x40EA00, s4  }
.LBB2_1:
0xc: {  	[tilespmem:s2], [sflag:$0x3] =	stream.linear.gather [hbm4b:s4+s2], $0x6800, $0x38;
	[tilespmem:$0x17800] =	vst v63  }
0xd: {  	_ =	swait.ge [sflag:s7], $0x6800  }
0xe: {  	[sflag:s7] =	ssyncset.done $0x0  }
0xf: {  	[sflag:s7] =	ssyncadd.s32 $0xFFFF9800  }
0x10: {  	[tilespmem:s9], [sflag:$0x1] =	stream.indirect.gather [hbm4b:s3+s8], $0x40, s2, s8, $0xb8;
	[tilespmem:$0x17800] =	vst v63  }
0x11: {  	s18 =	simm.s32 $0x0  }
0x12: {  	[tilespmem:s11], [sflag:$0x1] =	stream.indirect.gather [hbm4b:s3+s10], $0x40, s8, s10, $0xb8;
	[tilespmem:$0x17800] =	vst v63  }
.LBB2_2:
0x13: {  	s19 =	sshllo.u32 s18, $0x1  }
0x14: {  	s20 =	smul.u32 $0x340, s19;
	_ =	sdelay $0x1  }
0x15: {  	s20 =	sshra.s32 s20, $0x2  }
0x16: {  	[tilespmem:s12], [sflag:$0x2] =	stream.indirect.gather [hbm4b:s3+s8], $0x40, s20, s8, $0xb8;
	[tilespmem:$0x17800] =	vst v63  }
0x17: {  	s20 =	sadd.s32 $0x70, s20  }
0x18: {  	[tilespmem:s13], [sflag:$0x2] =	stream.indirect.gather [hbm4b:s3+s10], $0x40, s20, s10, $0xb8;
	[tilespmem:$0x17800] =	vst v63  }
0x19: {  	_ =	swait.ge [sflag:s14], $0x1C00  }
0x1a: {  	[sflag:s14] =	ssyncset.done $0x0  }
0x1b: {  	[sflag:s14] =	ssyncadd.s32 $0xFFFFE400  }
0x1c: {  	_ =	swait.ge [sflag:s14], $0x1800  }
0x1d: {  	[sflag:s14] =	ssyncset.done $0x0  }
0x1e: {  	s20 =	simm.s32 $0x0;
	[sflag:s14] =	ssyncadd.s32 $0xFFFFE800  }
0x1f: {  	v0 =	vld [tilespmem:s20+$0x6F80]  }
0x20: {  	v1 =	vld [tilespmem:s20+$0x6F90]  }
0x21: {  	v2 =	vld [tilespmem:s20+$0x6FA0]  }
0x22: {  	v3 =	vld [tilespmem:s20+$0x6F00]  }
0x23: {  	v4 =	vld [tilespmem:s20+$0x6F10]  }
0x24: {  	v5 =	vld [tilespmem:s20+$0x6F20]  }
0x25: {  	v6 =	vld [tilespmem:s20+$0x6E80]  }
0x26: {  	v7 =	vld [tilespmem:s20+$0x6E90]  }
0x27: {  	v8 =	vld [tilespmem:s20+$0x6EA0]  }
0x28: {  	v9 =	vld [tilespmem:s20+$0x6E00]  }
0x29: {  	v10 =	vld [tilespmem:s20+$0x6E10]  }
0x2a: {  	v16 =	vld [tilespmem:s20+$0x6E20]  }
0x2b: {  	v11 =	vimm.f32 $0.0e+00;
	v21 =	vld [tilespmem:s20+$0x6D80];
	v14 =	vshll.u32 v0, $0x10;
	v15 =	vand.u32 $0xFFFF0000, v0  }
0x2c: {  	v22 =	vld [tilespmem:s20+$0x6D90];
	v13 =	vshll.u32 v1, $0x10;
	v12 =	vand.u32 $0xFFFF0000, v1;
	v63 =	vshll.u32 v2, $0x10  }
0x2d: {  	v25 =	vld [tilespmem:s20+$0x6DA0];
	v17 =	vshll.u32 v3, $0x10;
	v18 =	vand.u32 $0xFFFF0000, v3;
	v52 =	vand.u32 $0xFFFF0000, v2  }
0x2e: {  	v26 =	vld [tilespmem:s20+$0x6D00];
	v19 =	vshll.u32 v4, $0x10;
	v20 =	vand.u32 $0xFFFF0000, v4;
	v54 =	vshll.u32 v5, $0x10  }
0x2f: {  	v34 =	vld [tilespmem:s20+$0x6D10];
	v27 =	vshll.u32 v6, $0x10;
	v28 =	vand.u32 $0xFFFF0000, v6;
	v55 =	vand.u32 $0xFFFF0000, v5  }
0x30: {  	v35 =	vld [tilespmem:s20+$0x6D20];
	v0 =	vshll.u32 v7, $0x10;
	v1 =	vand.u32 $0xFFFF0000, v7;
	v56 =	vshll.u32 v8, $0x10  }
0x31: {  	v41 =	vld [tilespmem:s20+$0x6800];
	v29 =	vshll.u32 v9, $0x10;
	v30 =	vand.u32 $0xFFFF0000, v9;
	v57 =	vand.u32 $0xFFFF0000, v8  }
0x32: {  	v36 =	vld [tilespmem:s20+$0x6900];
	v31 =	vshll.u32 v10, $0x10;
	v32 =	vand.u32 $0xFFFF0000, v10;
	v58 =	vshll.u32 v16, $0x10  }
0x33: {  	v37 =	vld [tilespmem:s20+$0x6880];
	v40 =	vshll.u32 v21, $0x10;
	v38 =	vand.u32 $0xFFFF0000, v21;
	v59 =	vand.u32 $0xFFFF0000, v16  }
0x34: {  	v16 =	vld [tilespmem:s20+$0x6810];
	v39 =	vshll.u32 v22, $0x10;
	v33 =	vand.u32 $0xFFFF0000, v22;
	v60 =	vshll.u32 v25, $0x10  }
0x35: {  	v42 =	vshll.u32 v26, $0x10;
	v43 =	vand.u32 $0xFFFF0000, v26;
	v61 =	vand.u32 $0xFFFF0000, v25;
	v21 =	vld [tilespmem:s20+$0x6890]  }
0x36: {  	v44 =	vshll.u32 v34, $0x10;
	v45 =	vand.u32 $0xFFFF0000, v34;
	v22 =	vld [tilespmem:s20+$0x6980];
	v53 =	vshll.u32 v41, $0x10  }
0x37: {  	v62 =	vshll.u32 v35, $0x10;
	v41 =	vand.u32 $0xFFFF0000, v41;
	v34 =	vadd.f32 v53, v11  }
0x38: {  	v25 =	vshll.u32 v36, $0x10;
	v26 =	vshll.u32 v37, $0x10;
	v4 =	vld [tilespmem:s20+$0x6990];
	v41 =	vadd.f32 v41, v11  }
0x39: {  	v37 =	vand.u32 $0xFFFF0000, v37;
	v36 =	vand.u32 $0xFFFF0000, v36;
	v26 =	vadd.f32 v26, v34  }
0x3a: {  	v46 =	vld [tilespmem:s20+$0x6910];
	v37 =	vadd.f32 v37, v41;
	v47 =	vshll.u32 v16, $0x10;
	v16 =	vand.u32 $0xFFFF0000, v16  }
0x3b: {  	v6 =	vld [tilespmem:s20+$0x6A10];
	v48 =	vshll.u32 v21, $0x10;
	v5 =	vshll.u32 v22, $0x10;
	v25 =	vadd.f32 v25, v26  }
0x3c: {  	v41 =	vld [tilespmem:s20+$0x6A00];
	v36 =	vadd.f32 v36, v37;
	v22 =	vand.u32 $0xFFFF0000, v22;
	v47 =	vadd.f32 v47, v11  }
0x3d: {  	v7 =	vshll.u32 v4, $0x10;
	v34 =	vand.u32 $0xFFFF0000, v4;
	v4 =	vld [tilespmem:s20+$0x6B00];
	v16 =	vadd.f32 v16, v11  }
0x3e: {  	v21 =	vand.u32 $0xFFFF0000, v21;
	v22 =	vadd.f32 v22, v36;
	v36 =	vld [tilespmem:s20+$0x6B10];
	v47 =	vadd.f32 v48, v47  }
0x3f: {  	v26 =	vshll.u32 v46, $0x10;
	v46 =	vand.u32 $0xFFFF0000, v46;
	v16 =	vadd.f32 v21, v16;
	v21 =	vld [tilespmem:s20+$0x6C80]  }
0x40: {  	v37 =	vand.u32 $0xFFFF0000, v6;
	v25 =	vadd.f32 v5, v25;
	v26 =	vadd.f32 v26, v47;
	v47 =	vld [tilespmem:s20+$0x6A80]  }
0x41: {  	v53 =	vshll.u32 v41, $0x10;
	v41 =	vand.u32 $0xFFFF0000, v41;
	v16 =	vadd.f32 v46, v16;
	v46 =	vld [tilespmem:s20+$0x6A90]  }
0x42: {  	v5 =	vshll.u32 v6, $0x10;
	v25 =	vadd.f32 v53, v25;
	v22 =	vadd.f32 v41, v22  }
0x43: {  	v51 =	vshll.u32 v4, $0x10;
	v26 =	vadd.f32 v7, v26;
	v16 =	vadd.f32 v34, v16  }
0x44: {  	v7 =	vld [tilespmem:s20+$0x6B80];
	v34 =	vand.u32 $0xFFFF0000, v4;
	v53 =	vshll.u32 v36, $0x10;
	v48 =	vshll.u32 v21, $0x10  }
0x45: {  	v4 =	vld [tilespmem:s20+$0x6C10];
	v49 =	vand.u32 $0xFFFF0000, v21;
	v26 =	vadd.f32 v5, v26;
	v16 =	vadd.f32 v37, v16  }
0x46: {  	v5 =	vld [tilespmem:s20+$0x6C90];
	v6 =	vshll.u32 v47, $0x10;
	v47 =	vand.u32 $0xFFFF0000, v47;
	v50 =	vshll.u32 v46, $0x10  }
0x47: {  	v46 =	vand.u32 $0xFFFF0000, v46;
	v25 =	vadd.f32 v6, v25;
	v22 =	vadd.f32 v47, v22;
	v47 =	vld [tilespmem:s20+$0x6B90]  }
0x48: {  	v21 =	vand.u32 $0xFFFF0000, v36;
	v26 =	vadd.f32 v50, v26;
	v16 =	vadd.f32 v46, v16;
	v46 =	vld [tilespmem:s20+$0x6C00]  }
0x49: {  	v37 =	vand.u32 $0xFFFF0000, v7;
	v25 =	vadd.f32 v51, v25;
	v22 =	vadd.f32 v34, v22  }
0x4a: {  	v26 =	vadd.f32 v53, v26;
	v21 =	vadd.f32 v21, v16;
	v16 =	vshll.u32 v7, $0x10  }
0x4b: {  	v41 =	vld [tilespmem:s20+$0x6C20];
	v51 =	vshll.u32 v4, $0x10;
	v53 =	vshll.u32 v5, $0x10;
	v25 =	vadd.f32 v16, v25  }
0x4c: {  	v7 =	vld [tilespmem:s20+$0x6CA0];
	v22 =	vadd.f32 v37, v22;
	v16 =	vand.u32 $0xFFFF0000, v35;
	v6 =	vshll.u32 v47, $0x10  }
0x4d: {  	v35 =	vld [tilespmem:s20+$0x6BA0];
	v47 =	vand.u32 $0xFFFF0000, v47;
	v50 =	vshll.u32 v46, $0x10;
	v26 =	vadd.f32 v6, v26  }
0x4e: {  	v46 =	vand.u32 $0xFFFF0000, v46;
	v21 =	vadd.f32 v47, v21;
	v25 =	vadd.f32 v50, v25  }
0x4f: {  	v46 =	vadd.f32 v46, v22;
	v22 =	vand.u32 $0xFFFF0000, v4;
	v50 =	vld [tilespmem:s20+$0x6B20];
	v26 =	vadd.f32 v51, v26  }
0x50: {  	v4 =	vand.u32 $0xFFFF0000, v5;
	v5 =	vadd.f32 v22, v21;
	v48 =	vadd.f32 v48, v25  }
0x51: {  	v21 =	vshll.u32 v7, $0x10;
	v22 =	vand.u32 $0xFFFF0000, v7;
	v6 =	vadd.f32 v49, v46;
	v46 =	vld [tilespmem:s20+$0x6AA0]  }
0x52: {  	v25 =	vshll.u32 v41, $0x10;
	v51 =	vld [tilespmem:s20+$0x6A20];
	v34 =	vshll.u32 v35, $0x10;
	v35 =	vand.u32 $0xFFFF0000, v35  }
0x53: {  	v47 =	vadd.f32 v53, v26;
	v7 =	vadd.f32 v4, v5;
	v26 =	vand.u32 $0xFFFF0000, v41  }
0x54: {  	v4 =	vadd.f32 v42, v48;
	v5 =	vld [tilespmem:s20+$0x69A0];
	v43 =	vadd.f32 v43, v6;
	v36 =	vshll.u32 v50, $0x10  }
0x55: {  	v37 =	vand.u32 $0xFFFF0000, v50;
	v44 =	vadd.f32 v44, v47;
	v6 =	vadd.f32 v45, v7  }
0x56: {  	v41 =	vadd.f32 v40, v4;
	v38 =	vadd.f32 v38, v43;
	v40 =	vshll.u32 v46, $0x10  }
0x57: {  	v7 =	vld [tilespmem:s20+$0x6920];
	v45 =	vand.u32 $0xFFFF0000, v46;
	v50 =	vshll.u32 v51, $0x10;
	v39 =	vadd.f32 v39, v44  }
0x58: {  	v51 =	vand.u32 $0xFFFF0000, v51;
	v49 =	vadd.f32 v33, v6;
	v29 =	vadd.f32 v29, v41  }
0x59: {  	v53 =	vadd.f32 v30, v38;
	v46 =	vshll.u32 v5, $0x10;
	v31 =	vadd.f32 v31, v39  }
0x5a: {  	v43 =	vld [tilespmem:s20+$0x6830];
	v47 =	vand.u32 $0xFFFF0000, v5;
	v32 =	vadd.f32 v32, v49;
	v38 =	vadd.f32 v27, v29  }
0x5b: {  	v33 =	vld [tilespmem:s20+$0x68A0];
	v39 =	vadd.f32 v28, v53;
	v29 =	vimm.f32 $0.0e+00;
	v28 =	vimm.f32 $0.0e+00  }
0x5c: {  	s21 =	sshll.u32 s18, $0x1;
	s22 =	simm.s32 $0x2000;
	v30 =	vld [tilespmem:s20+$0x6820];
	v53 =	vimm.f32 $0.0e+00;
	v41 =	vshll.u32 v7, $0x10;
	v42 =	vand.u32 $0xFFFF0000, v7  }
.LBB2_3:
0x5d: {  	_ =	sdelay $0x1  }
0x5e: {  	v17 =	vadd.f32 v17, v38  }
0x5f: {  	v18 =	vadd.f32 v18, v39;
	v44 =	vshll.u32 v33, $0x10;
	v23 =	vadd.f32 v0, v31  }
0x60: {  	v49 =	vld [tilespmem:s20+$0x68B0];
	v24 =	vadd.f32 v1, v32;
	v7 =	vshll.u32 v30, $0x10;
	v32 =	vadd.f32 v14, v17  }
0x61: {  	v48 =	vand.u32 $0xFFFF0000, v33;
	v33 =	vadd.f32 v15, v18;
	v11 =	vadd.f32 v7, v11  }
0x62: {  	v14 =	vshll.u32 v43, $0x10;
	v19 =	vadd.f32 v19, v23;
	v20 =	vadd.f32 v20, v24  }
0x63: {  	v14 =	vadd.f32 v14, v28;
	v23 =	vand.u32 $0xFFFF0000, v30;
	v24 =	vld [tilespmem:s20+$0x6930];
	v11 =	vadd.f32 v44, v11  }
0x64: {  	v15 =	vld [tilespmem:s20+$0x69B0];
	v30 =	vadd.f32 v13, v19;
	v31 =	vadd.f32 v12, v20;
	v13 =	vand.u32 $0xFFFF0000, v43  }
0x65: {  	v17 =	vshll.u32 v49, $0x10;
	v12 =	vadd.f32 v23, v29;
	v13 =	vadd.f32 v13, v53  }
0x66: {  	v18 =	vand.u32 $0xFFFF0000, v49;
	v14 =	vadd.f32 v17, v14;
	v19 =	vld [tilespmem:s20+$0x6A30];
	v11 =	vadd.f32 v41, v11  }
0x67: {  	v12 =	vadd.f32 v48, v12;
	v13 =	vadd.f32 v18, v13  }
0x68: {  	s23 =	sshra.s32 s22, $0x2;
	v20 =	vld [tilespmem:s20+$0x6AB0];
	v17 =	vshll.u32 v24, $0x10;
	v18 =	vand.u32 $0xFFFF0000, v24;
	v11 =	vadd.f32 v46, v11  }
0x69: {  	v24 =	vld [tilespmem:s23+$0x6F90];
	v12 =	vadd.f32 v42, v12;
	v14 =	vadd.f32 v17, v14;
	v17 =	vshll.u32 v15, $0x10  }
0x6a: {  	v15 =	vand.u32 $0xFFFF0000, v15;
	v13 =	vadd.f32 v18, v13;
	v11 =	vadd.f32 v50, v11  }
0x6b: {  	v18 =	vld [tilespmem:s20+$0x6B30];
	v12 =	vadd.f32 v47, v12;
	v14 =	vadd.f32 v17, v14;
	v17 =	vand.u32 $0xFFFF0000, v19  }
0x6c: {  	v13 =	vadd.f32 v15, v13;
	v15 =	vshll.u32 v19, $0x10;
	v11 =	vadd.f32 v40, v11  }
0x6d: {  	v19 =	vld [tilespmem:s20+$0x6BB0];
	v12 =	vadd.f32 v51, v12;
	v14 =	vadd.f32 v15, v14;
	v15 =	vshll.u32 v20, $0x10  }
0x6e: {  	v41 =	vshll.u32 v24, $0x10;
	v13 =	vadd.f32 v17, v13;
	v11 =	vadd.f32 v36, v11  }
0x6f: {  	v17 =	vand.u32 $0xFFFF0000, v20;
	v20 =	vld [tilespmem:s20+$0x6C30];
	v12 =	vadd.f32 v45, v12;
	v14 =	vadd.f32 v15, v14  }
0x70: {  	v27 =	vld [tilespmem:s20+$0x6D30];
	v15 =	vshll.u32 v18, $0x10;
	v13 =	vadd.f32 v17, v13;
	v11 =	vadd.f32 v34, v11  }
0x71: {  	v17 =	vand.u32 $0xFFFF0000, v18;
	v18 =	vld [tilespmem:s20+$0x6CB0];
	v12 =	vadd.f32 v37, v12;
	v14 =	vadd.f32 v15, v14  }
0x72: {  	v34 =	vld [tilespmem:s23+$0x6F00];
	v15 =	vshll.u32 v19, $0x10;
	v13 =	vadd.f32 v17, v13;
	v11 =	vadd.f32 v25, v11  }
0x73: {  	v19 =	vand.u32 $0xFFFF0000, v19;
	v17 =	vld [tilespmem:s20+$0x6FB0];
	v12 =	vadd.f32 v35, v12;
	v14 =	vadd.f32 v15, v14  }
0x74: {  	v25 =	vld [tilespmem:s23+$0x6F10];
	v15 =	vshll.u32 v20, $0x10;
	v13 =	vadd.f32 v19, v13;
	v11 =	vadd.f32 v21, v11  }
0x75: {  	v19 =	vand.u32 $0xFFFF0000, v20;
	v20 =	vld [tilespmem:s20+$0x6DB0];
	v12 =	vadd.f32 v26, v12;
	v14 =	vadd.f32 v15, v14  }
0x76: {  	v21 =	vld [tilespmem:s23+$0x6F20];
	v15 =	vshll.u32 v18, $0x10;
	v18 =	vand.u32 $0xFFFF0000, v18;
	v13 =	vadd.f32 v19, v13  }
0x77: {  	v38 =	vld [tilespmem:s23+$0x6FA0];
	v39 =	vshll.u32 v34, $0x10;
	v10 =	vadd.f32 v62, v11;
	v12 =	vadd.f32 v22, v12  }
0x78: {  	v19 =	vld [tilespmem:s20+$0x6E30];
	v14 =	vadd.f32 v15, v14;
	v15 =	vshll.u32 v27, $0x10;
	v0 =	vand.u32 $0xFFFF0000, v17  }
0x79: {  	v23 =	vld [tilespmem:s23+$0x6F80];
	v42 =	vand.u32 $0xFFFF0000, v25;
	v13 =	vadd.f32 v18, v13;
	v8 =	vadd.f32 v60, v10  }
0x7a: {  	v11 =	vadd.f32 v16, v12;
	v12 =	vand.u32 $0xFFFF0000, v27;
	v16 =	vld [tilespmem:s20+$0x6EB0];
	v14 =	vadd.f32 v15, v14  }
0x7b: {  	v15 =	vld [tilespmem:s20+$0x6F30];
	s20 =	smov.u32 s23;
	v10 =	vand.u32 $0xFFFF0000, v20;
	v27 =	vshll.u32 v25, $0x10;
	v44 =	vand.u32 $0xFFFF0000, v21  }
0x7c: {  	v12 =	vadd.f32 v12, v13;
	v13 =	vshll.u32 v20, $0x10;
	v35 =	vld [tilespmem:s20+$0x6EA0];
	v6 =	vadd.f32 v58, v8  }
0x7d: {  	v50 =	vld [tilespmem:s20+$0x6E20];
	v9 =	vadd.f32 v61, v11;
	v11 =	vadd.f32 v13, v14;
	v8 =	vand.u32 $0xFFFF0000, v19  }
0x7e: {  	v60 =	vld [tilespmem:s20+$0x6D00];
	v13 =	vand.u32 $0xFFFF0000, v34;
	v14 =	vshll.u32 v21, $0x10;
	v10 =	vadd.f32 v10, v12  }
0x7f: {  	v25 =	vld [tilespmem:s20+$0x6CA0];
	v12 =	vshll.u32 v19, $0x10;
	v4 =	vadd.f32 v56, v6;
	v7 =	vadd.f32 v59, v9  }
0x80: {  	v1 =	vld [tilespmem:s20+$0x6810];
	v11 =	vadd.f32 v12, v11;
	v59 =	vshll.u32 v17, $0x10;
	v12 =	vshll.u32 v23, $0x10  }
0x81: {  	v22 =	vld [tilespmem:s20+$0x6E80];
	v8 =	vadd.f32 v8, v10;
	v10 =	vshll.u32 v16, $0x10;
	v2 =	vadd.f32 v54, v4  }
0x82: {  	v37 =	vld [tilespmem:s20+$0x6D90];
	v49 =	vand.u32 $0xFFFF0000, v16;
	v5 =	vadd.f32 v57, v7;
	v10 =	vadd.f32 v10, v11  }
0x83: {  	v34 =	vld [tilespmem:s20+$0x6880];
	v57 =	vand.u32 $0xFFFF0000, v15;
	v17 =	vshll.u32 v35, $0x10;
	v18 =	vand.u32 $0xFFFF0000, v35  }
0x84: {  	v62 =	vld [tilespmem:s20+$0x6D20];
	v19 =	vshll.u32 v50, $0x10;
	v51 =	vand.u32 $0xFFFF0000, v60;
	v21 =	vshll.u32 v25, $0x10  }
0x85: {  	v16 =	vld [tilespmem:s20+$0x6D80];
	v11 =	vshll.u32 v1, $0x10;
	v1 =	vand.u32 $0xFFFF0000, v1;
	v6 =	vadd.f32 v49, v8  }
0x86: {  	v61 =	vld [tilespmem:s20+$0x6D10];
	v8 =	vshll.u32 v15, $0x10;
	v43 =	vadd.f32 v63, v2;
	v11 =	vadd.f32 v11, v30  }
0x87: {  	v7 =	vld [tilespmem:s20+$0x6B00];
	v49 =	vand.u32 $0xFFFF0000, v37;
	v3 =	vadd.f32 v55, v5;
	v58 =	vadd.f32 v8, v10  }
0x88: {  	v63 =	vld [tilespmem:s20+$0x6C80];
	v1 =	vadd.f32 v1, v31;
	v8 =	vshll.u32 v34, $0x10;
	v4 =	vadd.f32 v57, v6  }
0x89: {  	v10 =	vld [tilespmem:s20+$0x6DA0];
	v34 =	vand.u32 $0xFFFF0000, v34;
	v29 =	vadd.f32 v52, v3;
	v28 =	vadd.f32 v59, v58  }
0x8a: {  	v26 =	vld [tilespmem:s20+$0x6E90];
	v46 =	vshll.u32 v16, $0x10;
	v47 =	vand.u32 $0xFFFF0000, v16;
	v52 =	vshll.u32 v62, $0x10  }
0x8b: {  	v6 =	vld [tilespmem:s20+$0x6B80];
	v16 =	vand.u32 $0xFFFF0000, v62;
	v53 =	vadd.f32 v0, v4;
	v0 =	vand.u32 $0xFFFF0000, v23  }
0x8c: {  	v54 =	vld [tilespmem:s20+$0x6900];
	v23 =	vshll.u32 v61, $0x10;
	v3 =	vshll.u32 v7, $0x10;
	v56 =	vand.u32 $0xFFFF0000, v7  }
0x8d: {  	v62 =	vld [tilespmem:s20+$0x6800];
	[tilespmem:$0x1FF40] =	vst v0;
	v0 =	vand.u32 $0xFFFF0000, v24;
	v24 =	vand.u32 $0xFFFF0000, v61;
	v40 =	vshll.u32 v63, $0x10  }
0x8e: {  	v48 =	vld [tilespmem:s20+$0x6E10];
	v45 =	vand.u32 $0xFFFF0000, v63;
	[tilespmem:$0x1FF50] =	vst v0;
	v0 =	vshll.u32 v38, $0x10;
	v15 =	vshll.u32 v10, $0x10  }
0x8f: {  	v4 =	vld [tilespmem:s20+$0x6C90];
	v20 =	vand.u32 $0xFFFF0000, v10;
	[tilespmem:$0x1FF60] =	vst v0;
	v0 =	vand.u32 $0xFFFF0000, v38;
	v38 =	vand.u32 $0xFFFF0000, v50  }
0x90: {  	v9 =	vld [tilespmem:s20+$0x6E00];
	v50 =	vshll.u32 v60, $0x10;
	v2 =	vshll.u32 v6, $0x10;
	v36 =	vand.u32 $0xFFFF0000, v6  }
0x91: {  	v58 =	vld [tilespmem:s20+$0x6980];
	v6 =	vshll.u32 v54, $0x10;
	v54 =	vand.u32 $0xFFFF0000, v54;
	[tilespmem:$0x1FF70] =	vst v0;
	v0 =	vshll.u32 v22, $0x10  }
0x92: {  	v5 =	vld [tilespmem:s20+$0x6C20];
	v10 =	vshll.u32 v62, $0x10;
	v62 =	vand.u32 $0xFFFF0000, v62;
	[tilespmem:$0x1FFD0] =	vst v0;
	v0 =	vand.u32 $0xFFFF0000, v22  }
0x93: {  	v22 =	vld [tilespmem:s20+$0x6C00];
	v10 =	vadd.f32 v10, v32;
	v32 =	vadd.f32 v62, v33;
	[tilespmem:$0x1FFF0] =	vst v0;
	v0 =	vshll.u32 v26, $0x10  }
0x94: {  	v55 =	vshll.u32 v4, $0x10;
	v59 =	vand.u32 $0xFFFF0000, v4;
	v4 =	vld [tilespmem:s20+$0x6890];
	[tilespmem:$0x1FFC0] =	vst v0;
	v0 =	vand.u32 $0xFFFF0000, v26  }
0x95: {  	v8 =	vadd.f32 v8, v10;
	v10 =	vadd.f32 v34, v32;
	[tilespmem:$0x1FFE0] =	vst v0;
	v0 =	vshll.u32 v9, $0x10  }
0x96: {  	v7 =	vshll.u32 v58, $0x10;
	v58 =	vand.u32 $0xFFFF0000, v58;
	v33 =	vld [tilespmem:s20+$0x6990];
	[tilespmem:$0x1FF80] =	vst v0;
	v0 =	vand.u32 $0xFFFF0000, v9  }
0x97: {  	v26 =	vld [tilespmem:s20+$0x6C10];
	v6 =	vadd.f32 v6, v8;
	v8 =	vadd.f32 v54, v10;
	[tilespmem:$0x1FF90] =	vst v0;
	v0 =	vshll.u32 v48, $0x10  }
0x98: {  	v9 =	vld [tilespmem:s20+$0x6910];
	v60 =	vshll.u32 v22, $0x10;
	v61 =	vand.u32 $0xFFFF0000, v22;
	v22 =	vand.u32 $0xFFFF0000, v25  }
0x99: {  	v57 =	vld [tilespmem:s20+$0x6A00];
	v25 =	vshll.u32 v5, $0x10;
	v30 =	vshll.u32 v4, $0x10;
	v4 =	vand.u32 $0xFFFF0000, v4  }
0x9a: {  	[tilespmem:$0x1FFA0] =	vst v0;
	v0 =	vand.u32 $0xFFFF0000, v48;
	v11 =	vadd.f32 v30, v11;
	v1 =	vadd.f32 v4, v1  }
0x9b: {  	v31 =	vld [tilespmem:s20+$0x6A10];
	v48 =	vshll.u32 v37, $0x10;
	v6 =	vadd.f32 v7, v6;
	v32 =	vadd.f32 v58, v8  }
0x9c: {  	v37 =	vld [tilespmem:s20+$0x6A80];
	v8 =	vand.u32 $0xFFFF0000, v33;
	[tilespmem:$0x1FFB0] =	vst v0;
	v63 =	vshll.u32 v26, $0x10;
	v0 =	vand.u32 $0xFFFF0000, v26  }
0x9d: {  	v26 =	vand.u32 $0xFFFF0000, v5;
	v34 =	vshll.u32 v9, $0x10;
	v9 =	vand.u32 $0xFFFF0000, v9  }
0x9e: {  	v10 =	vld [tilespmem:s20+$0x6A90];
	v5 =	vshll.u32 v57, $0x10;
	v57 =	vand.u32 $0xFFFF0000, v57;
	v1 =	vadd.f32 v9, v1  }
0x9f: {  	v5 =	vadd.f32 v5, v6;
	v4 =	vadd.f32 v34, v11;
	v9 =	vshll.u32 v33, $0x10  }
0xa0: {  	v11 =	vld [tilespmem:s20+$0x6B10];
	v33 =	vadd.f32 v57, v32;
	v34 =	vand.u32 $0xFFFF0000, v31;
	v1 =	vadd.f32 v8, v1  }
0xa1: {  	v35 =	vshll.u32 v37, $0x10;
	v37 =	vand.u32 $0xFFFF0000, v37;
	v4 =	vadd.f32 v9, v4  }
0xa2: {  	v8 =	vshll.u32 v31, $0x10;
	v9 =	vld [tilespmem:s20+$0x6B90];
	v5 =	vadd.f32 v35, v5;
	v1 =	vadd.f32 v34, v1  }
0xa3: {  	v6 =	vadd.f32 v37, v33;
	v4 =	vadd.f32 v8, v4;
	v8 =	vand.u32 $0xFFFF0000, v10  }
0xa4: {  	v3 =	vadd.f32 v3, v5;
	v1 =	vadd.f32 v8, v1  }
0xa5: {  	v33 =	vadd.f32 v56, v6;
	v34 =	vand.u32 $0xFFFF0000, v11  }
0xa6: {  	v2 =	vadd.f32 v2, v3;
	v1 =	vadd.f32 v34, v1  }
0xa7: {  	v3 =	vadd.f32 v36, v33;
	v37 =	vand.u32 $0xFFFF0000, v9  }
0xa8: {  	v2 =	vadd.f32 v60, v2;
	v1 =	vadd.f32 v37, v1  }
0xa9: {  	v3 =	vadd.f32 v61, v3  }
0xaa: {  	v2 =	vadd.f32 v40, v2;
	v0 =	vadd.f32 v0, v1;
	v1 =	vld [tilespmem:s20+$0x69A0]  }
0xab: {  	v3 =	vadd.f32 v45, v3  }
0xac: {  	v2 =	vadd.f32 v50, v2  }
0xad: {  	v3 =	vadd.f32 v51, v3  }
0xae: {  	v62 =	vmov v52;
	v52 =	vshll.u32 v10, $0x10;
	v2 =	vadd.f32 v46, v2  }
0xaf: {  	v3 =	vadd.f32 v47, v3;
	v46 =	vshll.u32 v1, $0x10;
	v47 =	vand.u32 $0xFFFF0000, v1;
	v1 =	vld [tilespmem:$0x1FF80]  }
0xb0: {  	v4 =	vadd.f32 v52, v4  }
0xb1: {  	v32 =	vshll.u32 v11, $0x10  }
0xb2: {  	v4 =	vadd.f32 v32, v4  }
0xb3: {  	v35 =	vshll.u32 v9, $0x10  }
0xb4: {  	v4 =	vadd.f32 v35, v4;
	v1 =	vadd.f32 v1, v2;
	v2 =	vld [tilespmem:$0x1FF90];
	_ =	sdelay $0x1  }
0xb5: {  	v4 =	vadd.f32 v63, v4;
	_ =	sdelay $0x1  }
0xb6: {  	v4 =	vadd.f32 v55, v4  }
0xb7: {  	v2 =	vadd.f32 v2, v3;
	v3 =	vld [tilespmem:$0x1FFA0]  }
0xb8: {  	v4 =	vadd.f32 v23, v4;
	_ =	sdelay $0x1  }
0xb9: {  	v4 =	vadd.f32 v48, v4  }
0xba: {  	v54 =	vmov v14;
	v14 =	vmov v12;
	v12 =	vld [tilespmem:$0x1FF50];
	v0 =	vadd.f32 v59, v0  }
0xbb: {  	v31 =	vadd.f32 v3, v4;
	v3 =	vld [tilespmem:$0x1FFB0]  }
0xbc: {  	v7 =	vld [tilespmem:s20+$0x6AA0];
	v0 =	vadd.f32 v24, v0  }
0xbd: {  	v30 =	vld [tilespmem:s20+$0x6820]  }
0xbe: {  	v10 =	vld [tilespmem:s20+$0x6BA0];
	v0 =	vadd.f32 v49, v0  }
0xbf: {  	v59 =	vmov v38;
	v38 =	vld [tilespmem:s20+$0x6920]  }
0xc0: {  	v32 =	vadd.f32 v3, v0;
	v3 =	vld [tilespmem:$0x1FFD0]  }
0xc1: {  	v5 =	vld [tilespmem:s20+$0x6A20]  }
0xc2: {  	v11 =	vmov v43;
	v43 =	vld [tilespmem:s20+$0x6830]  }
0xc3: {  	v8 =	vld [tilespmem:s20+$0x6B20]  }
0xc4: {  	v57 =	vmov v18;
	v18 =	vmov v13;
	v13 =	vmov v41;
	v52 =	vld [tilespmem:$0x1FF70]  }
0xc5: {  	p0 =	sne.s32 s22, $0x18000;
	v61 =	vmovc v20;
	v20 =	vmovc v42;
	v41 =	vshll.u32 v38, $0x10;
	v42 =	vand.u32 $0xFFFF0000, v38;
	v38 =	vadd.f32 v3, v1;
	v3 =	vld [tilespmem:$0x1FFF0]  }
.Ltmp0:
0xc6: {  	v33 =	vld [tilespmem:s20+$0x68A0];
	(pc) =	sbr.rel @p0 .LBB2_3-.Ltmp0, $4  }
0xc7: {  	v60 =	vmov v15;
	v15 =	vld [tilespmem:$0x1FF40]  }
0xc8: {  	v58 =	vmovc v19;
	v34 =	vshll.u32 v10, $0x10;
	v35 =	vand.u32 $0xFFFF0000, v10;
	v40 =	vshll.u32 v7, $0x10;
	v63 =	vld [tilespmem:$0x1FF60]  }
0xc9: {  	v19 =	vmovc v27;
	v56 =	vmovc v17;
	v45 =	vand.u32 $0xFFFF0000, v7;
	v36 =	vshll.u32 v8, $0x10;
	v37 =	vand.u32 $0xFFFF0000, v8;
	v0 =	vld [tilespmem:$0x1FFC0]  }
0xca: {  	s22 =	sadd.s32 $0x2000, s22;
	v17 =	vmovc v39;
	v50 =	vshll.u32 v5, $0x10;
	v51 =	vand.u32 $0xFFFF0000, v5;
	v55 =	vmovc v44;
	v1 =	vld [tilespmem:$0x1FFE0];
	v39 =	vadd.f32 v3, v2  }
0xcb: {  	_ = 	snop  }
0xcc: {  	v3 =	vadd.f32 v17, v38  }
0xcd: {  	v7 =	vshll.u32 v30, $0x10;
	v8 =	vand.u32 $0xFFFF0000, v30;
	v4 =	vadd.f32 v18, v39  }
0xce: {  	v10 =	vshll.u32 v43, $0x10;
	v7 =	vadd.f32 v7, v11;
	v8 =	vadd.f32 v8, v29  }
0xcf: {  	v6 =	vld [tilespmem:s20+$0x68B0];
	v11 =	vand.u32 $0xFFFF0000, v43;
	v10 =	vadd.f32 v10, v28;
	v1 =	vadd.f32 v1, v32  }
0xd0: {  	v3 =	vadd.f32 v14, v3;
	v39 =	vadd.f32 v11, v53  }
0xd1: {  	v2 =	vshll.u32 v33, $0x10;
	v9 =	vld [tilespmem:s20+$0x6930];
	v0 =	vadd.f32 v0, v31;
	v1 =	vadd.f32 v20, v1  }
0xd2: {  	v5 =	vand.u32 $0xFFFF0000, v33;
	v4 =	vadd.f32 v15, v4;
	v2 =	vadd.f32 v2, v7  }
0xd3: {  	v5 =	vadd.f32 v5, v8;
	v1 =	vadd.f32 v12, v1;
	v12 =	vld [tilespmem:s20+$0x69B0]  }
0xd4: {  	v0 =	vadd.f32 v19, v0;
	v11 =	vshll.u32 v6, $0x10;
	v2 =	vadd.f32 v41, v2  }
0xd5: {  	v8 =	vld [tilespmem:s20+$0x6A30];
	v6 =	vand.u32 $0xFFFF0000, v6;
	v5 =	vadd.f32 v42, v5;
	v10 =	vadd.f32 v11, v10  }
0xd6: {  	v43 =	vshll.u32 v9, $0x10;
	v6 =	vadd.f32 v6, v39;
	v0 =	vadd.f32 v13, v0  }
0xd7: {  	v9 =	vand.u32 $0xFFFF0000, v9;
	v11 =	vld [tilespmem:s20+$0x6AB0];
	v2 =	vadd.f32 v46, v2;
	v7 =	vadd.f32 v43, v10  }
0xd8: {  	v5 =	vadd.f32 v47, v5;
	v6 =	vadd.f32 v9, v6;
	v9 =	vshll.u32 v12, $0x10  }
0xd9: {  	v2 =	vadd.f32 v50, v2;
	v10 =	vand.u32 $0xFFFF0000, v12;
	v12 =	vld [tilespmem:s20+$0x6B30];
	v7 =	vadd.f32 v9, v7  }
0xda: {  	v5 =	vadd.f32 v51, v5;
	v6 =	vadd.f32 v10, v6;
	v9 =	vshll.u32 v8, $0x10  }
0xdb: {  	v2 =	vadd.f32 v40, v2;
	v8 =	vand.u32 $0xFFFF0000, v8;
	v10 =	vld [tilespmem:s20+$0x6BB0];
	v7 =	vadd.f32 v9, v7  }
0xdc: {  	v5 =	vadd.f32 v45, v5;
	v6 =	vadd.f32 v8, v6;
	v8 =	vshll.u32 v11, $0x10  }
0xdd: {  	v2 =	vadd.f32 v36, v2;
	v9 =	vand.u32 $0xFFFF0000, v11;
	v11 =	vld [tilespmem:s20+$0x6C30];
	v7 =	vadd.f32 v8, v7  }
0xde: {  	v5 =	vadd.f32 v37, v5;
	v6 =	vadd.f32 v9, v6;
	v8 =	vshll.u32 v12, $0x10  }
0xdf: {  	v2 =	vadd.f32 v34, v2;
	v9 =	vand.u32 $0xFFFF0000, v12;
	v12 =	vld [tilespmem:s20+$0x6CB0];
	v7 =	vadd.f32 v8, v7  }
0xe0: {  	v5 =	vadd.f32 v35, v5;
	v6 =	vadd.f32 v9, v6;
	v8 =	vshll.u32 v10, $0x10  }
0xe1: {  	v2 =	vadd.f32 v25, v2;
	v9 =	vand.u32 $0xFFFF0000, v10;
	v10 =	vld [tilespmem:s20+$0x6D30];
	v7 =	vadd.f32 v8, v7  }
0xe2: {  	v5 =	vadd.f32 v26, v5;
	v6 =	vadd.f32 v9, v6;
	v8 =	vshll.u32 v11, $0x10  }
0xe3: {  	v2 =	vadd.f32 v21, v2;
	v9 =	vand.u32 $0xFFFF0000, v11;
	v11 =	vld [tilespmem:s20+$0x6DB0];
	v7 =	vadd.f32 v8, v7  }
0xe4: {  	v5 =	vadd.f32 v22, v5;
	v6 =	vadd.f32 v9, v6;
	v8 =	vshll.u32 v12, $0x10  }
0xe5: {  	v2 =	vadd.f32 v62, v2;
	v9 =	vand.u32 $0xFFFF0000, v12;
	v12 =	vld [tilespmem:s20+$0x6E30];
	v7 =	vadd.f32 v8, v7  }
0xe6: {  	v5 =	vadd.f32 v16, v5;
	v6 =	vadd.f32 v9, v6;
	v8 =	vshll.u32 v10, $0x10  }
0xe7: {  	v2 =	vadd.f32 v60, v2;
	v9 =	vand.u32 $0xFFFF0000, v10;
	v10 =	vld [tilespmem:s20+$0x6EB0];
	v7 =	vadd.f32 v8, v7  }
0xe8: {  	v5 =	vadd.f32 v61, v5;
	v6 =	vadd.f32 v9, v6;
	v8 =	vshll.u32 v11, $0x10  }
0xe9: {  	v2 =	vadd.f32 v58, v2;
	v9 =	vld [tilespmem:s20+$0x6F30];
	v11 =	vand.u32 $0xFFFF0000, v11;
	v7 =	vadd.f32 v8, v7  }
0xea: {  	v5 =	vadd.f32 v59, v5;
	v6 =	vadd.f32 v11, v6;
	v8 =	vshll.u32 v12, $0x10  }
0xeb: {  	s30 =	sshll.u32 s18, $0x8;
	v2 =	vadd.f32 v56, v2;
	v11 =	vld [tilespmem:s20+$0x6FB0];
	v12 =	vand.u32 $0xFFFF0000, v12;
	v7 =	vadd.f32 v8, v7  }
0xec: {  	v5 =	vadd.f32 v57, v5;
	s20 =	sand.u32 $0x3FFFFF00, s30;
	v6 =	vadd.f32 v12, v6;
	v8 =	vshll.u32 v10, $0x10  }
0xed: {  	v2 =	vadd.f32 v54, v2;
	[tilespmem:s20+$0x13800] =	vst v3;
	v10 =	vand.u32 $0xFFFF0000, v10;
	v7 =	vadd.f32 v8, v7  }
0xee: {  	v5 =	vadd.f32 v55, v5;
	[tilespmem:s20+$0x13810] =	vst v4;
	v44 =	vshll.u32 v9, $0x10;
	v3 =	vadd.f32 v10, v6  }
0xef: {  	v2 =	vadd.f32 v63, v2;
	[tilespmem:s20+$0x13820] =	vst v0;
	v45 =	vand.u32 $0xFFFF0000, v9;
	v6 =	vadd.f32 v44, v7  }
0xf0: {  	s21 =	sadd.s32 $0x2, s21;
	v46 =	vadd.f32 v52, v5;
	[tilespmem:s20+$0x13830] =	vst v1;
	v0 =	vadd.f32 v45, v3;
	v3 =	vshll.u32 v11, $0x10  }
0xf1: {  	s21 =	sand.u32 $0x7E, s21;
	[tilespmem:s20+$0x13840] =	vst v2;
	v1 =	vand.u32 $0xFFFF0000, v11;
	v3 =	vadd.f32 v3, v6  }
0xf2: {  	s21 =	smul.u32 $0x340, s21;
	[tilespmem:s20+$0x13850] =	vst v46;
	v0 =	vadd.f32 v1, v0  }
0xf3: {  	[tilespmem:s20+$0x13860] =	vst v3  }
0xf4: {  	s31 =	sshrl.u32 s21, $0x2;
	[tilespmem:s20+$0x13870] =	vst v0  }
0xf5: {  	[tilespmem:s9], [sflag:$0x1] =	stream.indirect.gather [hbm4b:s3+s8], $0x40, s31, s8, $0xb8;
	[tilespmem:$0x17800] =	vst v63  }
0xf6: {  	s20 =	sadd.s32 $0x70, s31  }
0xf7: {  	[tilespmem:s11], [sflag:$0x1] =	stream.indirect.gather [hbm4b:s3+s10], $0x40, s20, s10, $0xb8;
	[tilespmem:$0x17800] =	vst v63  }
0xf8: {  	_ =	swait.ge [sflag:s15], $0x1C00  }
0xf9: {  	[sflag:s15] =	ssyncset.done $0x0  }
0xfa: {  	[sflag:s15] =	ssyncadd.s32 $0xFFFFE400  }
0xfb: {  	_ =	swait.ge [sflag:s15], $0x1800  }
0xfc: {  	[sflag:s15] =	ssyncset.done $0x0  }
0xfd: {  	s20 =	simm.s32 $0x0;
	[sflag:s15] =	ssyncadd.s32 $0xFFFFE800  }
0xfe: {  	v0 =	vld [tilespmem:s20+$0xD780]  }
0xff: {  	v1 =	vld [tilespmem:s20+$0xD790]  }
0x100: {  	v2 =	vld [tilespmem:s20+$0xD7A0]  }
0x101: {  	v3 =	vld [tilespmem:s20+$0xD700]  }
0x102: {  	v47 =	vld [tilespmem:s20+$0xD710]  }
0x103: {  	v48 =	vld [tilespmem:s20+$0xD720]  }
0x104: {  	v49 =	vld [tilespmem:s20+$0xD680]  }
0x105: {  	v50 =	vld [tilespmem:s20+$0xD690]  }
0x106: {  	v8 =	vld [tilespmem:s20+$0xD6A0]  }
0x107: {  	v9 =	vld [tilespmem:s20+$0xD600]  }
0x108: {  	v10 =	vld [tilespmem:s20+$0xD610]  }
0x109: {  	v16 =	vld [tilespmem:s20+$0xD620]  }
0x10a: {  	v11 =	vimm.f32 $0.0e+00;
	v21 =	vld [tilespmem:s20+$0xD580];
	v14 =	vshll.u32 v0, $0x10;
	v15 =	vand.u32 $0xFFFF0000, v0  }
0x10b: {  	v22 =	vld [tilespmem:s20+$0xD590];
	v13 =	vshll.u32 v1, $0x10;
	v12 =	vand.u32 $0xFFFF0000, v1;
	v63 =	vshll.u32 v2, $0x10  }
0x10c: {  	v25 =	vld [tilespmem:s20+$0xD5A0];
	v17 =	vshll.u32 v3, $0x10;
	v18 =	vand.u32 $0xFFFF0000, v3;
	v52 =	vand.u32 $0xFFFF0000, v2  }
0x10d: {  	v26 =	vld [tilespmem:s20+$0xD500];
	v19 =	vshll.u32 v47, $0x10;
	v20 =	vand.u32 $0xFFFF0000, v47;
	v54 =	vshll.u32 v48, $0x10  }
0x10e: {  	v51 =	vld [tilespmem:s20+$0xD510];
	v27 =	vshll.u32 v49, $0x10;
	v28 =	vand.u32 $0xFFFF0000, v49;
	v55 =	vand.u32 $0xFFFF0000, v48  }
0x10f: {  	v36 =	vld [tilespmem:s20+$0xD100];
	v0 =	vshll.u32 v50, $0x10;
	v1 =	vand.u32 $0xFFFF0000, v50;
	v56 =	vshll.u32 v8, $0x10  }
0x110: {  	v5 =	vld [tilespmem:s20+$0xD000];
	v29 =	vshll.u32 v9, $0x10;
	v30 =	vand.u32 $0xFFFF0000, v9;
	v57 =	vand.u32 $0xFFFF0000, v8  }
0x111: {  	v4 =	vld [tilespmem:s20+$0xD080];
	v31 =	vshll.u32 v10, $0x10;
	v32 =	vand.u32 $0xFFFF0000, v10;
	v58 =	vshll.u32 v16, $0x10  }
0x112: {  	v7 =	vld [tilespmem:s20+$0xD110];
	v40 =	vshll.u32 v21, $0x10;
	v38 =	vand.u32 $0xFFFF0000, v21;
	v59 =	vand.u32 $0xFFFF0000, v16  }
0x113: {  	v16 =	vld [tilespmem:s20+$0xD010];
	v39 =	vshll.u32 v22, $0x10;
	v33 =	vand.u32 $0xFFFF0000, v22;
	v60 =	vshll.u32 v25, $0x10  }
0x114: {  	v42 =	vshll.u32 v26, $0x10;
	v43 =	vand.u32 $0xFFFF0000, v26;
	v61 =	vand.u32 $0xFFFF0000, v25;
	v21 =	vld [tilespmem:s20+$0xD090]  }
0x115: {  	v44 =	vshll.u32 v51, $0x10;
	v22 =	vld [tilespmem:s20+$0xD180];
	v6 =	vshll.u32 v5, $0x10;
	v41 =	vand.u32 $0xFFFF0000, v5  }
0x116: {  	v25 =	vshll.u32 v36, $0x10;
	v34 =	vadd.f32 v6, v11;
	v41 =	vadd.f32 v41, v11  }
0x117: {  	v26 =	vshll.u32 v4, $0x10;
	v37 =	vand.u32 $0xFFFF0000, v4;
	v4 =	vld [tilespmem:s20+$0xD190];
	v36 =	vand.u32 $0xFFFF0000, v36  }
0x118: {  	v46 =	vand.u32 $0xFFFF0000, v7;
	v26 =	vadd.f32 v26, v34;
	v37 =	vadd.f32 v37, v41  }
0x119: {  	v35 =	vld [tilespmem:s20+$0xD520];
	v53 =	vshll.u32 v16, $0x10;
	v16 =	vand.u32 $0xFFFF0000, v16;
	v48 =	vshll.u32 v21, $0x10  }
0x11a: {  	v6 =	vld [tilespmem:s20+$0xD210];
	v5 =	vshll.u32 v22, $0x10;
	v25 =	vadd.f32 v25, v26;
	v26 =	vshll.u32 v7, $0x10  }
0x11b: {  	v41 =	vld [tilespmem:s20+$0xD200];
	v36 =	vadd.f32 v36, v37;
	v22 =	vand.u32 $0xFFFF0000, v22;
	v47 =	vadd.f32 v53, v11  }
0x11c: {  	v7 =	vshll.u32 v4, $0x10;
	v34 =	vand.u32 $0xFFFF0000, v4;
	v4 =	vld [tilespmem:s20+$0xD300];
	v16 =	vadd.f32 v16, v11  }
0x11d: {  	v21 =	vand.u32 $0xFFFF0000, v21;
	v22 =	vadd.f32 v22, v36;
	v36 =	vld [tilespmem:s20+$0xD310];
	v47 =	vadd.f32 v48, v47  }
0x11e: {  	v45 =	vand.u32 $0xFFFF0000, v51;
	v62 =	vshll.u32 v35, $0x10;
	v16 =	vadd.f32 v21, v16;
	v21 =	vld [tilespmem:s20+$0xD480]  }
0x11f: {  	v37 =	vand.u32 $0xFFFF0000, v6;
	v25 =	vadd.f32 v5, v25;
	v26 =	vadd.f32 v26, v47;
	v47 =	vld [tilespmem:s20+$0xD280]  }
0x120: {  	v53 =	vshll.u32 v41, $0x10;
	v41 =	vand.u32 $0xFFFF0000, v41;
	v16 =	vadd.f32 v46, v16;
	v46 =	vld [tilespmem:s20+$0xD290]  }
0x121: {  	v5 =	vshll.u32 v6, $0x10;
	v25 =	vadd.f32 v53, v25;
	v22 =	vadd.f32 v41, v22  }
0x122: {  	v51 =	vshll.u32 v4, $0x10;
	v26 =	vadd.f32 v7, v26;
	v16 =	vadd.f32 v34, v16  }
0x123: {  	v7 =	vld [tilespmem:s20+$0xD380];
	v34 =	vand.u32 $0xFFFF0000, v4;
	v53 =	vshll.u32 v36, $0x10;
	v48 =	vshll.u32 v21, $0x10  }
0x124: {  	v4 =	vld [tilespmem:s20+$0xD410];
	v49 =	vand.u32 $0xFFFF0000, v21;
	v26 =	vadd.f32 v5, v26;
	v16 =	vadd.f32 v37, v16  }
0x125: {  	v5 =	vld [tilespmem:s20+$0xD490];
	v6 =	vshll.u32 v47, $0x10;
	v47 =	vand.u32 $0xFFFF0000, v47;
	v50 =	vshll.u32 v46, $0x10  }
0x126: {  	v46 =	vand.u32 $0xFFFF0000, v46;
	v25 =	vadd.f32 v6, v25;
	v22 =	vadd.f32 v47, v22;
	v47 =	vld [tilespmem:s20+$0xD390]  }
0x127: {  	v21 =	vand.u32 $0xFFFF0000, v36;
	v26 =	vadd.f32 v50, v26;
	v16 =	vadd.f32 v46, v16;
	v46 =	vld [tilespmem:s20+$0xD400]  }
0x128: {  	v37 =	vand.u32 $0xFFFF0000, v7;
	v25 =	vadd.f32 v51, v25;
	v22 =	vadd.f32 v34, v22  }
0x129: {  	v26 =	vadd.f32 v53, v26;
	v21 =	vadd.f32 v21, v16;
	v16 =	vshll.u32 v7, $0x10  }
0x12a: {  	v41 =	vld [tilespmem:s20+$0xD420];
	v51 =	vshll.u32 v4, $0x10;
	v53 =	vshll.u32 v5, $0x10;
	v25 =	vadd.f32 v16, v25  }
0x12b: {  	v7 =	vld [tilespmem:s20+$0xD4A0];
	v22 =	vadd.f32 v37, v22;
	v16 =	vand.u32 $0xFFFF0000, v35;
	v6 =	vshll.u32 v47, $0x10  }
0x12c: {  	v35 =	vld [tilespmem:s20+$0xD3A0];
	v47 =	vand.u32 $0xFFFF0000, v47;
	v50 =	vshll.u32 v46, $0x10;
	v26 =	vadd.f32 v6, v26  }
0x12d: {  	v46 =	vand.u32 $0xFFFF0000, v46;
	v21 =	vadd.f32 v47, v21;
	v25 =	vadd.f32 v50, v25  }
0x12e: {  	v46 =	vadd.f32 v46, v22;
	v22 =	vand.u32 $0xFFFF0000, v4;
	v50 =	vld [tilespmem:s20+$0xD320];
	v26 =	vadd.f32 v51, v26  }
0x12f: {  	v4 =	vand.u32 $0xFFFF0000, v5;
	v5 =	vadd.f32 v22, v21;
	v48 =	vadd.f32 v48, v25  }
0x130: {  	v21 =	vshll.u32 v7, $0x10;
	v22 =	vand.u32 $0xFFFF0000, v7;
	v6 =	vadd.f32 v49, v46;
	v46 =	vld [tilespmem:s20+$0xD2A0]  }
0x131: {  	v25 =	vshll.u32 v41, $0x10;
	v51 =	vld [tilespmem:s20+$0xD220];
	v34 =	vshll.u32 v35, $0x10;
	v35 =	vand.u32 $0xFFFF0000, v35  }
0x132: {  	v47 =	vadd.f32 v53, v26;
	v7 =	vadd.f32 v4, v5;
	v26 =	vand.u32 $0xFFFF0000, v41  }
0x133: {  	v4 =	vadd.f32 v42, v48;
	v5 =	vld [tilespmem:s20+$0xD1A0];
	v43 =	vadd.f32 v43, v6;
	v36 =	vshll.u32 v50, $0x10  }
0x134: {  	v37 =	vand.u32 $0xFFFF0000, v50;
	v44 =	vadd.f32 v44, v47;
	v6 =	vadd.f32 v45, v7  }
0x135: {  	v40 =	vadd.f32 v40, v4;
	v38 =	vadd.f32 v38, v43;
	v42 =	vshll.u32 v46, $0x10  }
0x136: {  	v7 =	vld [tilespmem:s20+$0xD120];
	v45 =	vand.u32 $0xFFFF0000, v46;
	v50 =	vshll.u32 v51, $0x10;
	v39 =	vadd.f32 v39, v44  }
0x137: {  	v51 =	vand.u32 $0xFFFF0000, v51;
	v53 =	vadd.f32 v33, v6;
	v29 =	vadd.f32 v29, v40  }
0x138: {  	v43 =	vadd.f32 v30, v38;
	v46 =	vshll.u32 v5, $0x10;
	v31 =	vadd.f32 v31, v39  }
0x139: {  	v33 =	vld [tilespmem:s20+$0xD0A0];
	v47 =	vand.u32 $0xFFFF0000, v5;
	v32 =	vadd.f32 v32, v53;
	v38 =	vadd.f32 v27, v29  }
0x13a: {  	v30 =	vld [tilespmem:s20+$0xD020];
	v39 =	vadd.f32 v28, v43;
	v29 =	vimm.f32 $0.0e+00;
	v28 =	vimm.f32 $0.0e+00  }
0x13b: {  	s21 =	simm.s32 $0x2000;
	v43 =	vld [tilespmem:s20+$0xD030];
	v53 =	vimm.f32 $0.0e+00;
	v40 =	vshll.u32 v7, $0x10;
	v41 =	vand.u32 $0xFFFF0000, v7  }
.LBB2_5:
0x13c: {  	_ =	sdelay $0x1  }
0x13d: {  	v17 =	vadd.f32 v17, v38  }
0x13e: {  	v18 =	vadd.f32 v18, v39;
	v44 =	vshll.u32 v33, $0x10;
	v23 =	vadd.f32 v0, v31  }
0x13f: {  	v49 =	vld [tilespmem:s20+$0xD0B0];
	v24 =	vadd.f32 v1, v32;
	v7 =	vshll.u32 v30, $0x10;
	v32 =	vadd.f32 v14, v17  }
0x140: {  	v48 =	vand.u32 $0xFFFF0000, v33;
	v33 =	vadd.f32 v15, v18;
	v11 =	vadd.f32 v7, v11  }
0x141: {  	v14 =	vshll.u32 v43, $0x10;
	v19 =	vadd.f32 v19, v23;
	v20 =	vadd.f32 v20, v24  }
0x142: {  	v14 =	vadd.f32 v14, v28;
	v23 =	vand.u32 $0xFFFF0000, v30;
	v24 =	vld [tilespmem:s20+$0xD130];
	v11 =	vadd.f32 v44, v11  }
0x143: {  	v15 =	vld [tilespmem:s20+$0xD1B0];
	v30 =	vadd.f32 v13, v19;
	v31 =	vadd.f32 v12, v20;
	v13 =	vand.u32 $0xFFFF0000, v43  }
0x144: {  	s22 =	sshra.s32 s21, $0x2;
	v17 =	vshll.u32 v49, $0x10;
	v12 =	vadd.f32 v23, v29;
	v13 =	vadd.f32 v13, v53  }
0x145: {  	v18 =	vand.u32 $0xFFFF0000, v49;
	v14 =	vadd.f32 v17, v14;
	v23 =	vld [tilespmem:s22+$0xD780];
	v11 =	vadd.f32 v40, v11  }
0x146: {  	v19 =	vld [tilespmem:s20+$0xD230];
	v12 =	vadd.f32 v48, v12;
	v13 =	vadd.f32 v18, v13  }
0x147: {  	v20 =	vld [tilespmem:s20+$0xD2B0];
	v17 =	vshll.u32 v24, $0x10;
	v18 =	vand.u32 $0xFFFF0000, v24;
	v11 =	vadd.f32 v46, v11  }
0x148: {  	v24 =	vld [tilespmem:s22+$0xD790];
	v12 =	vadd.f32 v41, v12;
	v14 =	vadd.f32 v17, v14;
	v17 =	vshll.u32 v15, $0x10  }
0x149: {  	v15 =	vand.u32 $0xFFFF0000, v15;
	v13 =	vadd.f32 v18, v13;
	v11 =	vadd.f32 v50, v11  }
0x14a: {  	v18 =	vld [tilespmem:s20+$0xD330];
	v41 =	vand.u32 $0xFFFF0000, v23;
	v12 =	vadd.f32 v47, v12;
	v14 =	vadd.f32 v17, v14  }
0x14b: {  	v13 =	vadd.f32 v15, v13;
	v15 =	vshll.u32 v19, $0x10;
	v11 =	vadd.f32 v42, v11  }
0x14c: {  	v17 =	vand.u32 $0xFFFF0000, v19;
	v19 =	vld [tilespmem:s20+$0xD3B0];
	v12 =	vadd.f32 v51, v12;
	v14 =	vadd.f32 v15, v14  }
0x14d: {  	v15 =	vshll.u32 v20, $0x10;
	v40 =	vshll.u32 v24, $0x10;
	v39 =	vand.u32 $0xFFFF0000, v24  }
0x14e: {  	v13 =	vadd.f32 v17, v13;
	v17 =	vand.u32 $0xFFFF0000, v20;
	v20 =	vld [tilespmem:s20+$0xD430];
	v11 =	vadd.f32 v36, v11  }
0x14f: {  	v12 =	vadd.f32 v45, v12;
	v14 =	vadd.f32 v15, v14;
	v15 =	vshll.u32 v18, $0x10  }
0x150: {  	v13 =	vadd.f32 v17, v13;
	v17 =	vand.u32 $0xFFFF0000, v18;
	v18 =	vld [tilespmem:s20+$0xD4B0];
	v11 =	vadd.f32 v34, v11  }
0x151: {  	v27 =	vld [tilespmem:s20+$0xD530];
	v12 =	vadd.f32 v37, v12;
	v14 =	vadd.f32 v15, v14;
	v15 =	vshll.u32 v19, $0x10  }
0x152: {  	v38 =	vld [tilespmem:s22+$0xD7A0];
	v19 =	vand.u32 $0xFFFF0000, v19;
	v13 =	vadd.f32 v17, v13;
	v11 =	vadd.f32 v25, v11  }
0x153: {  	v25 =	vld [tilespmem:s22+$0xD710];
	v12 =	vadd.f32 v35, v12;
	v14 =	vadd.f32 v15, v14;
	v15 =	vshll.u32 v20, $0x10  }
0x154: {  	v34 =	vld [tilespmem:s22+$0xD700];
	v13 =	vadd.f32 v19, v13;
	v19 =	vand.u32 $0xFFFF0000, v20;
	v11 =	vadd.f32 v21, v11  }
0x155: {  	v20 =	vld [tilespmem:s20+$0xD5B0];
	v12 =	vadd.f32 v26, v12;
	v14 =	vadd.f32 v15, v14;
	v15 =	vshll.u32 v18, $0x10  }
0x156: {  	v17 =	vld [tilespmem:s20+$0xD7B0];
	v18 =	vand.u32 $0xFFFF0000, v18;
	v13 =	vadd.f32 v19, v13;
	v10 =	vadd.f32 v62, v11  }
0x157: {  	v19 =	vld [tilespmem:s20+$0xD630];
	v12 =	vadd.f32 v22, v12;
	v14 =	vadd.f32 v15, v14;
	v15 =	vshll.u32 v27, $0x10  }
0x158: {  	v21 =	vld [tilespmem:s22+$0xD720];
	v44 =	vshll.u32 v25, $0x10;
	v43 =	vand.u32 $0xFFFF0000, v25;
	v13 =	vadd.f32 v18, v13  }
0x159: {  	v8 =	vadd.f32 v60, v10;
	v11 =	vadd.f32 v16, v12;
	v12 =	vand.u32 $0xFFFF0000, v27;
	v16 =	vld [tilespmem:s20+$0xD6B0]  }
0x15a: {  	v14 =	vadd.f32 v15, v14;
	v15 =	vld [tilespmem:s20+$0xD730];
	s20 =	smov.u32 s22;
	v10 =	vand.u32 $0xFFFF0000, v20;
	v27 =	vand.u32 $0xFFFF0000, v34  }
0x15b: {  	v12 =	vadd.f32 v12, v13;
	v13 =	vshll.u32 v20, $0x10;
	v35 =	vld [tilespmem:s20+$0xD6A0];
	v6 =	vadd.f32 v58, v8  }
0x15c: {  	v50 =	vld [tilespmem:s20+$0xD620];
	v9 =	vadd.f32 v61, v11;
	v11 =	vadd.f32 v13, v14;
	v8 =	vand.u32 $0xFFFF0000, v19  }
0x15d: {  	v60 =	vld [tilespmem:s20+$0xD500];
	v13 =	vshll.u32 v34, $0x10;
	v14 =	vshll.u32 v21, $0x10;
	v10 =	vadd.f32 v10, v12  }
0x15e: {  	v1 =	vld [tilespmem:s20+$0xD010];
	v12 =	vshll.u32 v19, $0x10;
	v4 =	vadd.f32 v56, v6;
	v7 =	vadd.f32 v59, v9  }
0x15f: {  	v37 =	vld [tilespmem:s20+$0xD590];
	v11 =	vadd.f32 v12, v11;
	v59 =	vshll.u32 v17, $0x10;
	v12 =	vshll.u32 v23, $0x10  }
0x160: {  	v61 =	vld [tilespmem:s20+$0xD510];
	v8 =	vadd.f32 v8, v10;
	v10 =	vshll.u32 v16, $0x10;
	v2 =	vadd.f32 v54, v4  }
0x161: {  	v22 =	vld [tilespmem:s20+$0xD680];
	v49 =	vand.u32 $0xFFFF0000, v16;
	v5 =	vadd.f32 v57, v7;
	v10 =	vadd.f32 v10, v11  }
0x162: {  	v34 =	vld [tilespmem:s20+$0xD080];
	v57 =	vand.u32 $0xFFFF0000, v15;
	v18 =	vshll.u32 v50, $0x10;
	v51 =	vand.u32 $0xFFFF0000, v60  }
0x163: {  	v26 =	vld [tilespmem:s20+$0xD690];
	v11 =	vshll.u32 v1, $0x10;
	v1 =	vand.u32 $0xFFFF0000, v1;
	v6 =	vadd.f32 v49, v8  }
0x164: {  	v16 =	vld [tilespmem:s20+$0xD580];
	v8 =	vshll.u32 v15, $0x10;
	v0 =	vadd.f32 v63, v2;
	v15 =	vshll.u32 v35, $0x10  }
0x165: {  	v62 =	vld [tilespmem:s20+$0xD520];
	v49 =	vand.u32 $0xFFFF0000, v37;
	v23 =	vshll.u32 v61, $0x10;
	v11 =	vadd.f32 v11, v30  }
0x166: {  	v7 =	vld [tilespmem:s20+$0xD300];
	v24 =	vand.u32 $0xFFFF0000, v61;
	v1 =	vadd.f32 v1, v31;
	v3 =	vadd.f32 v55, v5  }
0x167: {  	v25 =	vld [tilespmem:s20+$0xD4A0];
	v58 =	vadd.f32 v8, v10;
	v8 =	vshll.u32 v34, $0x10;
	v34 =	vand.u32 $0xFFFF0000, v34  }
0x168: {  	v63 =	vld [tilespmem:s20+$0xD480];
	v4 =	vadd.f32 v57, v6;
	[tilespmem:$0x1FE80] =	vst v0;
	v0 =	vand.u32 $0xFFFF0000, v17;
	v17 =	vand.u32 $0xFFFF0000, v35  }
0x169: {  	v10 =	vld [tilespmem:s20+$0xD5A0];
	v29 =	vadd.f32 v52, v3;
	v28 =	vadd.f32 v59, v58;
	v46 =	vshll.u32 v16, $0x10  }
0x16a: {  	v6 =	vld [tilespmem:s20+$0xD380];
	v47 =	vand.u32 $0xFFFF0000, v16;
	v52 =	vshll.u32 v62, $0x10;
	v16 =	vand.u32 $0xFFFF0000, v62  }
0x16b: {  	v54 =	vld [tilespmem:s20+$0xD100];
	v53 =	vadd.f32 v0, v4;
	v0 =	vshll.u32 v38, $0x10;
	v3 =	vshll.u32 v7, $0x10  }
0x16c: {  	v62 =	vld [tilespmem:s20+$0xD000];
	v56 =	vand.u32 $0xFFFF0000, v7;
	[tilespmem:$0x1FEA0] =	vst v0;
	v0 =	vand.u32 $0xFFFF0000, v38;
	v38 =	vand.u32 $0xFFFF0000, v50  }
0x16d: {  	v4 =	vld [tilespmem:s20+$0xD490];
	v50 =	vshll.u32 v60, $0x10;
	v42 =	vshll.u32 v63, $0x10;
	v45 =	vand.u32 $0xFFFF0000, v63  }
0x16e: {  	v9 =	vld [tilespmem:s20+$0xD600];
	[tilespmem:$0x1FEB0] =	vst v0;
	v0 =	vshll.u32 v22, $0x10;
	v19 =	vshll.u32 v10, $0x10;
	v20 =	vand.u32 $0xFFFF0000, v10  }
0x16f: {  	v58 =	vld [tilespmem:s20+$0xD180];
	[tilespmem:$0x1FF10] =	vst v0;
	v0 =	vand.u32 $0xFFFF0000, v22;
	v2 =	vshll.u32 v6, $0x10;
	v36 =	vand.u32 $0xFFFF0000, v6  }
0x170: {  	v48 =	vld [tilespmem:s20+$0xD610];
	v6 =	vshll.u32 v54, $0x10;
	v54 =	vand.u32 $0xFFFF0000, v54;
	[tilespmem:$0x1FF30] =	vst v0;
	v0 =	vand.u32 $0xFFFF0000, v21  }
0x171: {  	v22 =	vld [tilespmem:s20+$0xD400];
	v21 =	vshll.u32 v25, $0x10;
	v10 =	vshll.u32 v62, $0x10;
	v62 =	vand.u32 $0xFFFF0000, v62  }
0x172: {  	v5 =	vld [tilespmem:s20+$0xD420];
	[tilespmem:$0x1FE90] =	vst v0;
	v0 =	vshll.u32 v26, $0x10;
	v55 =	vshll.u32 v4, $0x10;
	v59 =	vand.u32 $0xFFFF0000, v4  }
0x173: {  	v4 =	vld [tilespmem:s20+$0xD090];
	v10 =	vadd.f32 v10, v32;
	v32 =	vadd.f32 v62, v33;
	[tilespmem:$0x1FF00] =	vst v0;
	v0 =	vand.u32 $0xFFFF0000, v26  }
0x174: {  	v7 =	vshll.u32 v58, $0x10;
	v58 =	vand.u32 $0xFFFF0000, v58;
	v26 =	vld [tilespmem:s20+$0xD410];
	[tilespmem:$0x1FF20] =	vst v0;
	v0 =	vshll.u32 v9, $0x10  }
0x175: {  	v57 =	vld [tilespmem:s20+$0xD200];
	v8 =	vadd.f32 v8, v10;
	v10 =	vadd.f32 v34, v32;
	[tilespmem:$0x1FEC0] =	vst v0;
	v0 =	vand.u32 $0xFFFF0000, v9  }
0x176: {  	v60 =	vshll.u32 v22, $0x10;
	v61 =	vand.u32 $0xFFFF0000, v22;
	v22 =	vand.u32 $0xFFFF0000, v25  }
0x177: {  	v25 =	vshll.u32 v5, $0x10;
	v9 =	vld [tilespmem:s20+$0xD110];
	[tilespmem:$0x1FED0] =	vst v0;
	v0 =	vshll.u32 v48, $0x10;
	v6 =	vadd.f32 v6, v8  }
0x178: {  	v33 =	vld [tilespmem:s20+$0xD190];
	v8 =	vadd.f32 v54, v10;
	[tilespmem:$0x1FEE0] =	vst v0;
	v0 =	vand.u32 $0xFFFF0000, v48;
	v48 =	vshll.u32 v37, $0x10  }
0x179: {  	v30 =	vshll.u32 v4, $0x10;
	v4 =	vand.u32 $0xFFFF0000, v4;
	v63 =	vshll.u32 v26, $0x10  }
0x17a: {  	v31 =	vld [tilespmem:s20+$0xD210];
	[tilespmem:$0x1FEF0] =	vst v0;
	v0 =	vand.u32 $0xFFFF0000, v26;
	v26 =	vand.u32 $0xFFFF0000, v5;
	v5 =	vshll.u32 v57, $0x10  }
0x17b: {  	v37 =	vld [tilespmem:s20+$0xD280];
	v57 =	vand.u32 $0xFFFF0000, v57;
	v11 =	vadd.f32 v30, v11;
	v1 =	vadd.f32 v4, v1  }
0x17c: {  	v6 =	vadd.f32 v7, v6;
	v34 =	vshll.u32 v9, $0x10;
	v9 =	vand.u32 $0xFFFF0000, v9  }
0x17d: {  	v10 =	vld [tilespmem:s20+$0xD290];
	v32 =	vadd.f32 v58, v8;
	v8 =	vand.u32 $0xFFFF0000, v33;
	v1 =	vadd.f32 v9, v1  }
0x17e: {  	v5 =	vadd.f32 v5, v6;
	v4 =	vadd.f32 v34, v11;
	v9 =	vshll.u32 v33, $0x10  }
0x17f: {  	v11 =	vld [tilespmem:s20+$0xD310];
	v33 =	vadd.f32 v57, v32;
	v34 =	vand.u32 $0xFFFF0000, v31;
	v1 =	vadd.f32 v8, v1  }
0x180: {  	v35 =	vshll.u32 v37, $0x10;
	v37 =	vand.u32 $0xFFFF0000, v37;
	v4 =	vadd.f32 v9, v4  }
0x181: {  	v8 =	vshll.u32 v31, $0x10;
	v9 =	vld [tilespmem:s20+$0xD390];
	v5 =	vadd.f32 v35, v5;
	v1 =	vadd.f32 v34, v1  }
0x182: {  	v6 =	vadd.f32 v37, v33;
	v4 =	vadd.f32 v8, v4;
	v8 =	vand.u32 $0xFFFF0000, v10  }
0x183: {  	v3 =	vadd.f32 v3, v5;
	v1 =	vadd.f32 v8, v1  }
0x184: {  	v33 =	vadd.f32 v56, v6;
	v34 =	vand.u32 $0xFFFF0000, v11  }
0x185: {  	v2 =	vadd.f32 v2, v3;
	v1 =	vadd.f32 v34, v1  }
0x186: {  	v3 =	vadd.f32 v36, v33;
	v37 =	vand.u32 $0xFFFF0000, v9  }
0x187: {  	v2 =	vadd.f32 v60, v2;
	v1 =	vadd.f32 v37, v1  }
0x188: {  	v3 =	vadd.f32 v61, v3  }
0x189: {  	v2 =	vadd.f32 v42, v2;
	v0 =	vadd.f32 v0, v1;
	v1 =	vld [tilespmem:s20+$0xD1A0]  }
0x18a: {  	v3 =	vadd.f32 v45, v3  }
0x18b: {  	v2 =	vadd.f32 v50, v2  }
0x18c: {  	v3 =	vadd.f32 v51, v3  }
0x18d: {  	v62 =	vmov v52;
	v52 =	vshll.u32 v10, $0x10;
	v2 =	vadd.f32 v46, v2  }
0x18e: {  	v3 =	vadd.f32 v47, v3;
	v46 =	vshll.u32 v1, $0x10;
	v47 =	vand.u32 $0xFFFF0000, v1;
	v1 =	vld [tilespmem:$0x1FEC0]  }
0x18f: {  	v4 =	vadd.f32 v52, v4  }
0x190: {  	v32 =	vshll.u32 v11, $0x10  }
0x191: {  	v4 =	vadd.f32 v32, v4  }
0x192: {  	v35 =	vshll.u32 v9, $0x10  }
0x193: {  	v4 =	vadd.f32 v35, v4;
	v1 =	vadd.f32 v1, v2;
	v2 =	vld [tilespmem:$0x1FED0];
	_ =	sdelay $0x1  }
0x194: {  	v4 =	vadd.f32 v63, v4;
	_ =	sdelay $0x1  }
0x195: {  	v4 =	vadd.f32 v55, v4  }
0x196: {  	v2 =	vadd.f32 v2, v3;
	v3 =	vld [tilespmem:$0x1FEE0]  }
0x197: {  	v4 =	vadd.f32 v23, v4;
	_ =	sdelay $0x1  }
0x198: {  	v4 =	vadd.f32 v48, v4  }
0x199: {  	v7 =	vld [tilespmem:s20+$0xD2A0];
	v0 =	vadd.f32 v59, v0  }
0x19a: {  	v31 =	vadd.f32 v3, v4;
	v3 =	vld [tilespmem:$0x1FEF0]  }
0x19b: {  	v30 =	vld [tilespmem:s20+$0xD020];
	v0 =	vadd.f32 v24, v0  }
0x19c: {  	v10 =	vld [tilespmem:s20+$0xD3A0]  }
0x19d: {  	v5 =	vld [tilespmem:s20+$0xD220];
	v0 =	vadd.f32 v49, v0  }
0x19e: {  	v59 =	vmov v38;
	v38 =	vld [tilespmem:s20+$0xD120]  }
0x19f: {  	v32 =	vadd.f32 v3, v0;
	v3 =	vld [tilespmem:$0x1FF10]  }
0x1a0: {  	v11 =	vld [tilespmem:$0x1FE80]  }
0x1a1: {  	v8 =	vld [tilespmem:s20+$0xD320]  }
0x1a2: {  	v52 =	vld [tilespmem:$0x1FEB0]  }
0x1a3: {  	v57 =	vmov v17;
	v17 =	vmov v13;
	v13 =	vmov v40;
	v33 =	vld [tilespmem:s20+$0xD0A0]  }
0x1a4: {  	p0 =	sne.s32 s21, $0x18000;
	v56 =	vmovc v15;
	v15 =	vmovc v41;
	v40 =	vshll.u32 v38, $0x10;
	v41 =	vand.u32 $0xFFFF0000, v38;
	v38 =	vadd.f32 v3, v1;
	v3 =	vld [tilespmem:$0x1FF30]  }
.Ltmp1:
0x1a5: {  	v61 =	vmov v20;
	v20 =	vmov v43;
	v43 =	vld [tilespmem:s20+$0xD030];
	(pc) =	sbr.rel @p0 .LBB2_5-.Ltmp1, $4  }
0x1a6: {  	v54 =	vmov v14;
	v63 =	vld [tilespmem:$0x1FEA0]  }
0x1a7: {  	v14 =	vmovc v12;
	v12 =	vmovc v39;
	v34 =	vshll.u32 v10, $0x10;
	v35 =	vand.u32 $0xFFFF0000, v10;
	v42 =	vshll.u32 v7, $0x10;
	v55 =	vld [tilespmem:$0x1FE90]  }
0x1a8: {  	v58 =	vmovc v18;
	v18 =	vmovc v27;
	v45 =	vand.u32 $0xFFFF0000, v7;
	v36 =	vshll.u32 v8, $0x10;
	v37 =	vand.u32 $0xFFFF0000, v8;
	v0 =	vld [tilespmem:$0x1FF00]  }
0x1a9: {  	s21 =	sadd.s32 $0x2000, s21;
	v60 =	vmovc v19;
	v19 =	vmovc v44;
	v50 =	vshll.u32 v5, $0x10;
	v51 =	vand.u32 $0xFFFF0000, v5;
	v1 =	vld [tilespmem:$0x1FF20];
	v39 =	vadd.f32 v3, v2  }
0x1aa: {  	v3 =	vadd.f32 v17, v38  }
0x1ab: {  	v7 =	vshll.u32 v30, $0x10;
	v8 =	vand.u32 $0xFFFF0000, v30;
	v4 =	vadd.f32 v18, v39  }
0x1ac: {  	v6 =	vld [tilespmem:s20+$0xD0B0];
	v10 =	vshll.u32 v43, $0x10;
	v7 =	vadd.f32 v7, v11;
	v8 =	vadd.f32 v8, v29  }
0x1ad: {  	v48 =	vand.u32 $0xFFFF0000, v43;
	v10 =	vadd.f32 v10, v28;
	v3 =	vadd.f32 v14, v3  }
0x1ae: {  	v2 =	vshll.u32 v33, $0x10;
	v14 =	vadd.f32 v48, v53;
	v0 =	vadd.f32 v0, v31  }
0x1af: {  	v5 =	vand.u32 $0xFFFF0000, v33;
	v9 =	vld [tilespmem:s20+$0xD130];
	v4 =	vadd.f32 v15, v4;
	v2 =	vadd.f32 v2, v7  }
0x1b0: {  	v5 =	vadd.f32 v5, v8;
	v1 =	vadd.f32 v1, v32  }
0x1b1: {  	v49 =	vld [tilespmem:s20+$0xD1B0];
	v0 =	vadd.f32 v19, v0;
	v15 =	vshll.u32 v6, $0x10;
	v2 =	vadd.f32 v40, v2  }
0x1b2: {  	v6 =	vand.u32 $0xFFFF0000, v6;
	v5 =	vadd.f32 v41, v5;
	v1 =	vadd.f32 v20, v1  }
0x1b3: {  	v17 =	vld [tilespmem:s20+$0xD230];
	v10 =	vadd.f32 v15, v10;
	v6 =	vadd.f32 v6, v14  }
0x1b4: {  	v18 =	vshll.u32 v9, $0x10;
	v0 =	vadd.f32 v13, v0;
	v2 =	vadd.f32 v46, v2  }
0x1b5: {  	v9 =	vand.u32 $0xFFFF0000, v9;
	v19 =	vld [tilespmem:s20+$0xD2B0];
	v5 =	vadd.f32 v47, v5;
	v7 =	vadd.f32 v18, v10  }
0x1b6: {  	v20 =	vshll.u32 v49, $0x10;
	v1 =	vadd.f32 v12, v1;
	v6 =	vadd.f32 v9, v6  }
0x1b7: {  	v24 =	vld [tilespmem:s20+$0xD330];
	v23 =	vand.u32 $0xFFFF0000, v49;
	v2 =	vadd.f32 v50, v2;
	v7 =	vadd.f32 v20, v7  }
0x1b8: {  	v27 =	vshll.u32 v17, $0x10;
	v5 =	vadd.f32 v51, v5;
	v6 =	vadd.f32 v23, v6  }
0x1b9: {  	v28 =	vld [tilespmem:s20+$0xD3B0];
	v8 =	vand.u32 $0xFFFF0000, v17;
	v2 =	vadd.f32 v42, v2;
	v7 =	vadd.f32 v27, v7  }
0x1ba: {  	v29 =	vshll.u32 v19, $0x10;
	v5 =	vadd.f32 v45, v5;
	v6 =	vadd.f32 v8, v6  }
0x1bb: {  	v31 =	vld [tilespmem:s20+$0xD430];
	v30 =	vand.u32 $0xFFFF0000, v19;
	v2 =	vadd.f32 v36, v2;
	v7 =	vadd.f32 v29, v7  }
0x1bc: {  	v32 =	vshll.u32 v24, $0x10;
	v5 =	vadd.f32 v37, v5;
	v6 =	vadd.f32 v30, v6  }
0x1bd: {  	v33 =	vand.u32 $0xFFFF0000, v24;
	v36 =	vld [tilespmem:s20+$0xD4B0];
	v2 =	vadd.f32 v34, v2;
	v7 =	vadd.f32 v32, v7  }
0x1be: {  	v37 =	vshll.u32 v28, $0x10;
	v5 =	vadd.f32 v35, v5;
	v6 =	vadd.f32 v33, v6  }
0x1bf: {  	v39 =	vld [tilespmem:s20+$0xD530];
	v38 =	vand.u32 $0xFFFF0000, v28;
	v2 =	vadd.f32 v25, v2;
	v7 =	vadd.f32 v37, v7  }
0x1c0: {  	v40 =	vshll.u32 v31, $0x10;
	v5 =	vadd.f32 v26, v5;
	v6 =	vadd.f32 v38, v6  }
0x1c1: {  	v41 =	vand.u32 $0xFFFF0000, v31;
	v42 =	vld [tilespmem:s20+$0xD5B0];
	v2 =	vadd.f32 v21, v2;
	v7 =	vadd.f32 v40, v7  }
0x1c2: {  	v43 =	vshll.u32 v36, $0x10;
	v5 =	vadd.f32 v22, v5;
	v6 =	vadd.f32 v41, v6  }
0x1c3: {  	v45 =	vld [tilespmem:s20+$0xD630];
	v44 =	vand.u32 $0xFFFF0000, v36;
	v2 =	vadd.f32 v62, v2;
	v7 =	vadd.f32 v43, v7  }
0x1c4: {  	v46 =	vshll.u32 v39, $0x10;
	v5 =	vadd.f32 v16, v5;
	v6 =	vadd.f32 v44, v6  }
0x1c5: {  	v48 =	vld [tilespmem:s20+$0xD6B0];
	v47 =	vand.u32 $0xFFFF0000, v39;
	v2 =	vadd.f32 v60, v2;
	v7 =	vadd.f32 v46, v7  }
0x1c6: {  	v49 =	vshll.u32 v42, $0x10;
	v5 =	vadd.f32 v61, v5;
	v6 =	vadd.f32 v47, v6  }
0x1c7: {  	v50 =	vld [tilespmem:s20+$0xD730];
	v11 =	vand.u32 $0xFFFF0000, v42;
	v2 =	vadd.f32 v58, v2;
	v7 =	vadd.f32 v49, v7  }
0x1c8: {  	v51 =	vshll.u32 v45, $0x10;
	v5 =	vadd.f32 v59, v5;
	v6 =	vadd.f32 v11, v6  }
0x1c9: {  	s19 =	sshll.u32 s19, $0x7;
	v53 =	vld [tilespmem:s20+$0xD7B0];
	v12 =	vand.u32 $0xFFFF0000, v45;
	v2 =	vadd.f32 v56, v2;
	v7 =	vadd.f32 v51, v7  }
0x1ca: {  	s19 =	sand.u32 $0x3FFFFF80, s19;
	v56 =	vshll.u32 v48, $0x10;
	v5 =	vadd.f32 v57, v5;
	v6 =	vadd.f32 v12, v6  }
0x1cb: {  	v10 =	vand.u32 $0xFFFF0000, v48;
	[tilespmem:s19+$0x13800] =	vst v3;
	v2 =	vadd.f32 v54, v2;
	v7 =	vadd.f32 v56, v7  }
0x1cc: {  	s18 =	sadd.s32 $0x1, s18;
	[tilespmem:s19+$0x13810] =	vst v4;
	v58 =	vshll.u32 v50, $0x10;
	v5 =	vadd.f32 v55, v5;
	v57 =	vadd.f32 v10, v6  }
0x1cd: {  	p0 =	sne.s32 s18, $0x40;
	[tilespmem:s19+$0x13820] =	vst v0;
	v59 =	vand.u32 $0xFFFF0000, v50;
	v2 =	vadd.f32 v63, v2;
	v6 =	vadd.f32 v58, v7  }
.Ltmp2:
0x1ce: {  	[tilespmem:s19+$0x13830] =	vst v1;
	v61 =	vshll.u32 v53, $0x10;
	v62 =	vadd.f32 v52, v5;
	v60 =	vadd.f32 v59, v57;
	(pc) =	sbr.rel @p0 .LBB2_2-.Ltmp2, $4  }
0x1cf: {  	v63 =	vand.u32 $0xFFFF0000, v53;
	[tilespmem:s19+$0x13840] =	vst v2;
	v3 =	vadd.f32 v61, v6  }
0x1d0: {  	[tilespmem:s19+$0x13850] =	vst v62;
	v0 =	vadd.f32 v63, v60  }
0x1d1: {  	[tilespmem:s19+$0x13860] =	vst v3  }
0x1d2: {  	[tilespmem:s19+$0x13870] =	vst v0  }
0x1d3: {  	_ =	swait.ge [sflag:s14], $0x1C00  }
0x1d4: {  	[sflag:s14] =	ssyncset.done $0x0  }
0x1d5: {  	[sflag:s14] =	ssyncadd.s32 $0xFFFFE400  }
0x1d6: {  	s17 =	sadd.s32 $0x1, s17;
	_ =	swait.ge [sflag:s14], $0x1800  }
0x1d7: {  	p0 =	sne.s32 s17, s6;
	[sflag:s14] =	ssyncset.done $0x0  }
.Ltmp3:
0x1d8: {  	[sflag:s14] =	ssyncadd.s32 $0xFFFFE800;
	(pc) =	sbr.rel @p0 .LBB2_1-.Ltmp3, $4  }
0x1d9: {  	[hbm4b:s5+s2] =	stream.linear.scatter [tilespmem:s16], [sflag:$0x3], $0x4000, $0x38;
	[tilespmem:$0x17800] =	vst v63  }
0x1da: {  	_ =	swait.ge [sflag:s7], $0x4000  }
0x1db: {  	[sflag:s7] =	ssyncset.done $0x0  }
0x1dc: {  	[sflag:s7] =	ssyncadd.s32 $0xFFFFC000  }
0x1dd: {  	_ =	sfence.sel $0x180000  }
0x1de: {  	[bflag:$0x0] =	sbarrier.arrive $0xFFFF  }
0x1df: {  	p0 =	sne.s32 s0, $0x0;
	_ =	strace $0x9000004A  }
0x1e0: {  	s0 =	sadd.s32 @!p0 $0x100000, s1;
	[bflag:$0x2] =	sbarrier.arrive $0xFFFF  }
0x1e1: {  	[sflag:s0] =	ssyncadd.tile.s32 @!p0 $0x1;
	_ =	shalt  }
.Lfunc_end2:
_tile_overlayer_lowered:
.L_overlay_start_2:
0x1e2: {  	(tag) =	ssettag $0x2  }
0x1e3: {  	s0 =	rddreg [dreg:$0x0];
	s2 =	stileid.u32  }
0x1e4: {  	s1 =	rddreg [dreg:$0x1];
	p0 =	sne.s32 s2, $0x0  }
0x1e5: {  	s3 =	rddreg [dreg:$0x2];
	[bflag:$0x3] =	sbarrier.arrive $0xFFFF;
	s2 =	simm.s32 @!p0 $0x1C03  }
0x1e6: {  	[timem:s3], [sflag:s2] =	dma.local @!p0 [hbm:s0], s1  }
0x1e7: {  	s0 =	simm.s32 @!p0 $0x3  }
0x1e8: {  	_ =	swait.ge @!p0 [sflag:s0], s1  }
0x1e9: {  	s1 =	ssub.s32 @!p0 $0x0, s1;
	[sflag:s0] =	ssyncset.done @!p0 $0x0  }
0x1ea: {  	[sflag:s0] =	ssyncadd.s32 @!p0 s1  }
0x1eb: {  	[bflag:$0x3] =	sbarrier.arrive $0xFFFF  }
0x1ec: {  	_ =	shalt  }

// kernel: sparse-core-data-format-call.cloned.1.call-start
scs
called_computation_lowered:
.L_overlay_start_0:
0x0: {  	s1 =	sld [smem:$0x3FD9]  }
0x1: {  	s2 =	sld [smem:$0x3FFE];
	_ =	sdelay $0x1  }
0x2: {  	s3 =	srdreg.scid  }
0x3: {  	s0 =	sand.u32 $0x1, s3  }
0x4: {  	s17 =	sshll.u32 s0, $0xA;
	s1 =	sadd.s32 s2, s1  }
0x5: {  	s1 =	sadd.s32 s1, s17  }
0x6: {  	[smem:$0x3FC4] =	sst s1  }
0x7: {  	_ = 	snop  }
0x8: {  	(tm) =	ssettm $0x1  }
0x9: {  	s18 =	sld [smem:$0x3FFB];
	_ =	sdelay $0x3  }
0xa: {  	_ =	strace s18  }
0xb: {  	s1 =	sld [smem:$0x3FFC];
	_ =	sdelay $0x3  }
0xc: {  	_ =	strace s1  }
0xd: {  	s1 =	sld [smem:$0x3FFD];
	_ =	sdelay $0x3  }
0xe: {  	_ =	strace s1  }
0xf: {  	_ =	strace $0x8FFFFFFF  }
0x10: {  	s19 =	sld [smem:$0x3FDB];
	_ =	sdelay $0x1  }
0x11: {  	s20 =	simm.s32 $_scs_section_size  }
0x12: {  	s4 =	simm.s32 $_size__tile_overlayer_lowered;
	s5 =	simm.s32 $_tile_overlayer_lowered  }
0x13: {  	s23 =	simm.s32 $0x1BFF;
	s22 =	sshll.u32 s5, $0x1;
	s1 =	sadd.s32 s20, s19  }
0x14: {  	s6 =	simm.s32 $0x0;
	s21 =	sshll.u32 s4, $0x1;
	s4 =	sadd.s32 s22, s1  }
0x15: {  	[timem:s6], [sflag:s23] =	dma.local [hbm:s4], s21  }
0x16: {  	_ =	swait.ge [sflag:s23], s21  }
0x17: {  	s2 =	ssub.s32 $0x0, s21;
	[sflag:s23] =	ssyncset.done $0x0  }
0x18: {  	[sflag:s23] =	ssyncadd.s32 s2;
	_ =	sdelay $0x1  }
0x19: {  	s24 =	simm.s32 $0x1B8B  }
0x1a: {  	_ =	swait.ge [sflag:s24], $0x1  }
0x1b: {  	[sflag:s24] =	ssyncset.done $0x0  }
0x1c: {  	s26 =	simm.s32 $0x1B8E;
	s25 =	sld [smem:$0x3FFE];
	[sflag:s24] =	ssyncadd.s32 $0xFFFFFFFF  }
0x1d: {  	s27 =	simm.s32 $execute0_lowered;
	[smem:$0x3FD2] =	sst s26  }
0x1e: {  	s4 =	sshll.u32 s27, $0x1;
	_ =	strace $0x80000046;
	[dreg:$0x1] =	wrdreg $0xFFFFFFFF  }
0x1f: {  	s28 =	simm.s32 $_size_execute0_lowered;
	s1 =	sadd.s32 s1, s4;
	[dreg:$0x0] =	wrdreg $0x0  }
0x20: {  	s4 =	sshll.u32 s28, $0x1;
	[dreg:$0x2] =	wrdreg s1  }
0x21: {  	[dreg:$0x3] =	wrdreg s4  }
0x22: {  	[dreg:$0x4] =	wrdreg $0xC0  }
0x23: {  	_ =	task [dreg:s6], $0x5FFFF  }
0x24: {  	[dreg:$0x1] =	wrdreg $0xFFFFFFFF  }
0x25: {  	[dreg:$0x0] =	wrdreg $0x60  }
0x26: {  	[dreg:$0x2] =	wrdreg s25  }
0x27: {  	[dreg:$0x3] =	wrdreg $0x9  }
0x28: {  	_ =	task.clear_ibuf [dreg:s6], $0x4FFFF;
	_ =	strace $0x90000046  }
0x29: {  	s29 =	simm.s32 $0x9;
	_ =	strace $0x80000048  }
0x2a: {  	_ =	swait.ge [sflag:s29], $0x1  }
0x2b: {  	[sflag:s29] =	ssyncadd.s32 $0xFFFFFFFF  }
0x2c: {  	_ =	strace $0x90000048  }
0x2d: {  	_ =	sfence  }
0x2e: {  	s30 =	sld [smem:$0x0];
	_ =	sdelay $0x2  }
0x2f: {  	s31 =	sshll.u32 s3, $0xD;
	s3 =	sshrl.u32 s3, $0x2  }
0x30: {  	s2 =	sand.u32 $0x4000, s31;
	s1 =	sadd.s32 s3, s30  }
0x31: {  	s0 =	sor.u32 s2, s0;
	s1 =	sshll.u32 s1, $0x11  }
0x32: {  	s0 =	sor.u32 s1, s0  }
0x33: {  	s0 =	sadd.s32 $0x8F2B, s0  }
0x34: {  	[sflag:s0] =	ssyncadd.remote.s32 $0x1  }
0x35: {  	_ =	sfence.sel $0xFFFF  }
0x36: {  	[dreg:$0x0] =	wrdreg $0xFFFFFFFF;
	(pc) =	sbr.abs _section_cstart, $3  }
0x37: {  	[dreg:$0x1] =	wrdreg $0xFFFFFFFF  }
0x38: {  	_ =	task.clear_ibuf [dreg:s6], $0x2FFFF;
	_ =	strace $0x9FFFFFFF  }
0x39: {  	(tm) =	ssettm $0x7FFFFFFF  }
tec
execute0_lowered:
.L_overlay_start_1:
0x0: {  	(tag) =	ssettag $0x1  }
0x1: {  	s0 =	srdreg.scid  }
0x2: {  	s4 =	rddreg [dreg:$0x0];
	s1 =	stileid.u32  }
0x3: {  	s5 =	simm.s32 $0x1;
	s7 =	simm.s32 $0x2;
	s0 =	sshll.u32 s0, $0x4  }
0x4: {  	s11 =	simm.s32 $0x0;
	p0 =	por $0x0, $0x0;
	s2 =	sand.u32 $0x10, s0  }
.Ltmp0:
0x5: {  	s8 =	simm.s32 $0x103800;
	s3 =	sor.u32 s1, s2;
	(pc) =	sbr.rel .LBB1_1-.Ltmp0, $4  }
0x6: {  	s10 =	simm.s32 $0x0;
	s0 =	rddreg [dreg:$0x1];
	s3 =	sshll.u32 s3, $0x7  }
0x7: {  	_ =	strace $0x80000047;
	s2 =	sadd.s32 $0x1000, s4;
	s6 =	ssub.s32 $0x20680, s3  }
0x8: {  	s4 =	sadd.s32 $0x207A00, s4;
	[sflag:s5] =	ssyncpa.u1 $0x0;
	s6 =	sshrl.u32 s6, $0xC  }
0x9: {  	[sflag:s7] =	ssyncpa.u1 $0x0;
	s9 =	smov.u32 s3;
	s7 =	sadd.s32 $0x2, s6  }
.LBB1_5:
0xa: {  	s13 =	sadd.s32 $0x1000, s9  }
0xb: {  	p2 =	sgt.s32 s13, $0x2069F  }
0xc: {  	s13 =	smov.u32 @p2 s3;
	p2 =	sne.s32 s10, s7  }
.Ltmp1:
0xd: {  	p1 =	slt.u32 s10, $0x2;
	(pc) =	sbr.rel @!p2 .LBB1_6-.Ltmp1, $4  }
0xe: {  	s12 =	simm.s32 @!p1 $0x2  }
0xf: {  	s14 =	sadd.s32 $0x1, s10;
	_ =	swait.ge @!p1 [sflag:s12], $0x4000  }
0x10: {  	s11 =	smov.u32 s9;
	p0 =	por !p0, !p0;
	[sflag:s12] =	ssyncset.done @!p1 $0x0  }
0x11: {  	s10 =	smov.u32 s14;
	s9 =	smov.u32 s13;
	[sflag:s12] =	ssyncadd.s32 @!p1 $0xFFFFC000  }
.LBB1_1:
0x12: {  	p1 =	sgt.u32 s10, s6  }
0x13: {  	s12 =	sand.u32 @!p1 $0x1FFFFFF, s9  }
0x14: {  	p2 =	sgt.s32 @!p1 s9, $0x20620;
	s13 =	smulhi.u32 @!p1 $0x1F975AB, s12  }
0x15: {  	s14 =	smov.u32 s9;
	s15 =	sshra.s32 @!p1 s9, $0x1F;
	p2 =	por !p2, p1  }
0x16: {  	s15 =	sand.u32 @!p1 s15, s9;
	s14 =	simm.s32 @p2 $0x20620;
	s13 =	sshrl.u32 @!p1 s13, $0xA  }
0x17: {  	s14 =	ssub.s32 @!p1 s14, s15;
	s13 =	smul.u32 @!p1 $0x206A0, s13  }
0x18: {  	s15 =	sxor.u32 @!p1 $0xFFFFFFFF, s10;
	s14 =	sadd.s32 @!p1 $0xFFFDF9E0, s14  }
0x19: {  	s15 =	sshll.u32 @!p1 s15, $0xE;
	s12 =	ssub.s32 @!p1 s12, s13;
	s13 =	sshll.u32 @!p1 s14, $0x9  }
0x1a: {  	s15 =	sand.u32 @!p1 $0x4000, s15;
	p2 =	sgt.s32 @!p1 s14, $0x7F;
	s13 =	ssub.s32 @!p1 $0x10000, s13  }
0x1b: {  	p2 =	por !p2, p1;
	s12 =	sshll.u32 @!p1 s12, $0x4;
	s13 =	sshrl.u32 @!p1 s13, $0x2  }
0x1c: {  	s14 =	simm.s32 @!p1 $0x0;
	s12 =	sadd.s32 @!p1 s2, s12;
	s13 =	simm.s32 @!p2 $0x0  }
0x1d: {  	[tilespmem:s15], [sflag:$0x1] =	stream.linear.gather @!p1 [hbm4b:s12+s14], s13, $0x38;
	[tilespmem:$0x10100] =	vst v63  }
0x1e: {  	p1 =	seq.s32 s10, $0x0  }
0x1f: {  	p2 =	sge.u32 @!p1 s10, s7  }
0x20: {  	p1 =	por p1, p2  }
.Ltmp2:
0x21: {  	_ = 	snop;
	(pc) =	sbr.rel @p1 .LBB1_5-.Ltmp2, $1  }
0x22: {  	_ =	sdelay $0x3  }
0x23: {  	p1 =	sgt.s32 s11, $0x20620;
	s12 =	smov.u32 s11;
	s13 =	sshra.s32 s11, $0x1F  }
0x24: {  	s12 =	simm.s32 @!p1 $0x20620;
	s13 =	sand.u32 s13, s11  }
0x25: {  	s12 =	ssub.s32 s12, s13  }
0x26: {  	s12 =	sadd.s32 $0xFFFDF9E0, s12  }
0x27: {  	s29 =	sshll.u32 s12, $0x9  }
0x28: {  	s13 =	ssub.s32 $0x10000, s29  }
0x29: {  	p1 =	sgt.s32 s12, $0x7F;
	s12 =	sshrl.u32 s13, $0x2  }
0x2a: {  	s13 =	simm.s32 $0x1;
	s12 =	simm.s32 @p1 $0x0  }
0x2b: {  	s13 =	simm.s32 @!p0 $0x0;
	_ =	swait.ge [sflag:s5], s12  }
0x2c: {  	s14 =	sshll.u32 s13, $0xE;
	s12 =	ssub.s32 $0x0, s12;
	[sflag:s5] =	ssyncset.done $0x0  }
0x2d: {  	s15 =	sor.u32 $0x40, s14;
	[sflag:s5] =	ssyncadd.s32 s12  }
0x2e: {  	s30 =	smul.u32 $0x10200, s13;
	v0 =	vld [tilespmem:s15+$0x30]  }
0x2f: {  	v1 =	vld [tilespmem:s15+$0xFFFFFFD0]  }
0x30: {  	s12 =	sshrl.u32 s30, $0x2;
	v5 =	vld [tilespmem:s15+$0xFFFFFFE0]  }
0x31: {  	s13 =	sor.u32 $0x8000, s12;
	v6 =	vld [tilespmem:s15+$0xFFFFFFF0]  }
0x32: {  	s31 =	sand.u32 $0x1, s10;
	v3 =	vld [tilespmem:s15+$0x0];
	s14 =	sadd.s32 $0x0, s13  }
0x33: {  	s12 =	smul.u32 $0x10200, s31;
	v4 =	vld [tilespmem:s15+$0x10];
	[tilespmem:s14+$0x3870 ss:$0x81] =	vst.msk $0xffff, v0  }
0x34: {  	v2 =	vld [tilespmem:s15+$0x20];
	[tilespmem:s14+$0x810 ss:$0x81] =	vst.msk $0xffff, v1  }
0x35: {  	s12 =	sshrl.u32 s12, $0x2;
	v0 =	vld [tilespmem:s15+$0xFFFFFFC0];
	[tilespmem:s14+$0x1020 ss:$0x81] =	vst.msk $0xffff, v5;
	s15 =	sadd.s32 $0x80, s15  }
0x36: {  	s16 =	simm.s32 $0x4;
	s17 =	simm.s32 $0x8;
	s12 =	sor.u32 $0x8000, s12;
	[tilespmem:s14+$0x1830 ss:$0x81] =	vst.msk $0xffff, v6;
	v1 =	vld [tilespmem:s15+$0x30]  }
.LBB1_3:
0x37: {  	p1 =	sne.s32 s17, $0x1FC;
	v5 =	vld [tilespmem:s15+$0xFFFFFFD0];
	[tilespmem:s14+$0x2040 ss:$0x81] =	vst.msk $0xffff, v3  }
0x38: {  	v6 =	vld [tilespmem:s15+$0xFFFFFFE0];
	[tilespmem:s14+$0x2850 ss:$0x81] =	vst.msk $0xffff, v4  }
0x39: {  	s18 =	sshra.s32 s16, $0x2;
	s16 =	smov.u32 s17;
	v7 =	vld [tilespmem:s15+$0xFFFFFFF0];
	[tilespmem:s14+$0x3060 ss:$0x81] =	vst.msk $0xffff, v2  }
.Ltmp3:
0x3a: {  	v3 =	vld [tilespmem:s15+$0x0];
	[tilespmem:s14+$0x0 ss:$0x81] =	vst.msk $0xffff, v0;
	s14 =	sadd.s32 s18, s13;
	(pc) =	sbr.rel @p1 .LBB1_3-.Ltmp3, $4  }
0x3b: {  	v4 =	vld [tilespmem:s15+$0x10];
	[tilespmem:s14+$0x3870 ss:$0x81] =	vst.msk $0xffff, v1  }
0x3c: {  	[tilespmem:s14+$0x810 ss:$0x81] =	vst.msk $0xffff, v5;
	v2 =	vld [tilespmem:s15+$0x20]  }
0x3d: {  	v0 =	vld [tilespmem:s15+$0xFFFFFFC0];
	[tilespmem:s14+$0x1020 ss:$0x81] =	vst.msk $0xffff, v6;
	s15 =	sadd.s32 $0x80, s15  }
0x3e: {  	s17 =	sadd.s32 $0x4, s17;
	v1 =	vld [tilespmem:s15+$0x30];
	[tilespmem:s14+$0x1830 ss:$0x81] =	vst.msk $0xffff, v7  }
0x3f: {  	v5 =	vld [tilespmem:s15+$0xFFFFFFD0];
	[tilespmem:s14+$0x2040 ss:$0x81] =	vst.msk $0xffff, v3;
	s17 =	sshll.u32 s11, $0x3  }
0x40: {  	v58 =	vld [tilespmem:s15+$0xFFFFFFE0];
	s25 =	sand.u32 $0x7F, s11;
	[tilespmem:s14+$0x2850 ss:$0x81] =	vst.msk $0xffff, v4;
	s17 =	sand.u32 $0xFFFFFC00, s17  }
0x41: {  	s16 =	sshra.s32 s16, $0x2;
	v59 =	vld [tilespmem:s15+$0xFFFFFFF0];
	[tilespmem:s14+$0x3060 ss:$0x81] =	vst.msk $0xffff, v2;
	s11 =	sor.u32 s25, s17  }
0x42: {  	v60 =	vld [tilespmem:s15+$0x0];
	s13 =	sadd.s32 s16, s13;
	[tilespmem:s14+$0x0 ss:$0x81] =	vst.msk $0xffff, v0;
	s26 =	smulhi.u32 $0xFC8C15B5, s11  }
0x43: {  	v61 =	vld [tilespmem:s15+$0x10];
	[tilespmem:s13+$0x3870 ss:$0x81] =	vst.msk $0xffff, v1  }
0x44: {  	v62 =	vld [tilespmem:s15+$0x20];
	s27 =	smulhi.u32 $0xFC8C15B5, s17;
	[tilespmem:s13+$0x810 ss:$0x81] =	vst.msk $0xffff, v5;
	s14 =	sshrl.u32 s26, $0x11  }
0x45: {  	v63 =	vld [tilespmem:s15+$0xFFFFFFC0];
	[tilespmem:s13+$0x1020 ss:$0x81] =	vst.msk $0xffff, v58;
	s14 =	smul.u32 $0x20700, s14  }
0x46: {  	s28 =	sshrl.u32 s27, $0x11;
	[tilespmem:s13+$0x1830 ss:$0x81] =	vst.msk $0xffff, v59  }
.Ltmp4:
0x47: {  	[tilespmem:s13+$0x2040 ss:$0x81] =	vst.msk $0xffff, v60;
	s29 =	sand.u32 $0x7F, s28;
	s11 =	ssub.s32 s11, s14;
	(pc) =	sbr.rel .LBB1_5-.Ltmp4, $4  }
0x48: {  	[tilespmem:s13+$0x2850 ss:$0x81] =	vst.msk $0xffff, v61;
	s14 =	smul.u32 $0x40E0, s29;
	s30 =	sshrl.u32 s11, $0x3;
	s11 =	sand.u32 $0x7, s11  }
0x49: {  	[tilespmem:s13+$0x3060 ss:$0x81] =	vst.msk $0xffff, v62;
	s15 =	sadd.s32 s4, s30;
	s11 =	sshll.u32 s11, $0x12  }
0x4a: {  	[tilespmem:s13+$0x0 ss:$0x81] =	vst.msk $0xffff, v63;
	s31 =	sadd.s32 s14, s15;
	s11 =	sor.u32 $0x400, s11  }
0x4b: {  	[hbm4b:s31+s11] =	stream.strided.scatter [tilespmem:s12], [sflag:$0x2], $0x4000, s8, s11, $0x20;
	[tilespmem:$0x10100] =	vst v63  }
.LBB1_6:
0x4c: {  	_ =	sfence.sel $0x180000  }
0x4d: {  	s2 =	simm.s32 $0x1;
	[bflag:$0x0] =	sbarrier.arrive $0xFFFF  }
0x4e: {  	s31 =	simm.s32 $0x2;
	[sflag:s2] =	ssyncpa.u1 $0x1  }
0x4f: {  	[sflag:s31] =	ssyncpa.u1 $0x1  }
0x50: {  	p0 =	sne.s32 s1, $0x0;
	_ =	strace $0x90000047  }
0x51: {  	s0 =	sadd.s32 @!p0 $0x100000, s0;
	[bflag:$0x2] =	sbarrier.arrive $0xFFFF  }
0x52: {  	[sflag:s0] =	ssyncadd.tile.s32 @!p0 $0x1;
	_ =	shalt  }
.Lfunc_end1:
_tile_overlayer_lowered:
.L_overlay_start_2:
0x53: {  	(tag) =	ssettag $0x2  }
0x54: {  	s0 =	rddreg [dreg:$0x0];
	s2 =	stileid.u32  }
0x55: {  	s1 =	rddreg [dreg:$0x1];
	p0 =	sne.s32 s2, $0x0  }
0x56: {  	s3 =	rddreg [dreg:$0x2];
	[bflag:$0x3] =	sbarrier.arrive $0xFFFF;
	s2 =	simm.s32 @!p0 $0x1C01  }
0x57: {  	[timem:s3], [sflag:s2] =	dma.local @!p0 [hbm:s0], s1  }
0x58: {  	s0 =	simm.s32 @!p0 $0x1  }
0x59: {  	_ =	swait.ge @!p0 [sflag:s0], s1  }
0x5a: {  	s1 =	ssub.s32 @!p0 $0x0, s1;
	[sflag:s0] =	ssyncset.done @!p0 $0x0  }
0x5b: {  	[sflag:s0] =	ssyncadd.s32 @!p0 s1  }
0x5c: {  	[bflag:$0x3] =	sbarrier.arrive $0xFFFF  }
0x5d: {  	_ =	shalt  }

</sc_bundles>
